<compile_context>
chip_gen: v7x
topology: tpu7x:2x2x1
jax: 0.10.2.dev20260603
libtpu: 0.0.44.dev20260713+nightly
codegen_flags: <defaults>
</compile_context>

<pallas_src>
import functools
import math

import jax
import jax.numpy as jnp
import numpy as np
from jax import lax
from jax.experimental import pallas as pl
from jax.experimental.pallas import tpu as pltpu
from jax.experimental.pallas import tpu_sc as plsc

_B, _S, _D, _H = 2, 2048, 768, 12
_DH = _D // _H
_BH = _B * _H
_RAND = 5 * int(np.ceil(np.log(_S)))
_TOP = 5 * int(np.log(_S))
_SCALE = 1.0 / math.sqrt(_DH)
_BLK = 256
_NBLK = _S // _BLK

def _threefry_pair(keypair, x0, x1):
    rot1 = (13, 15, 26, 6)
    rot2 = (17, 29, 16, 24)

    def rotl(x, r):
        return (x << np.uint32(r)) | (x >> np.uint32(32 - r))

    x0 = x0.astype(np.uint32).copy()
    x1 = x1.astype(np.uint32).copy()
    ks0, ks1 = np.uint32(keypair[0]), np.uint32(keypair[1])
    ks2 = ks0 ^ ks1 ^ np.uint32(0x1BD11BDA)
    sched = [(rot1, ks1, ks2), (rot2, ks2, ks0), (rot1, ks0, ks1),
             (rot2, ks1, ks2), (rot1, ks2, ks0)]
    with np.errstate(over="ignore"):
        x0 = x0 + ks0
        x1 = x1 + ks1
        for i, (rots, a0, a1) in enumerate(sched):
            for r in rots:
                x0 = x0 + x1
                x1 = rotl(x1, r) ^ x0
            x0 = x0 + a0
            x1 = x1 + a1 + np.uint32(i + 1)
    return x0, x1


def _rand_index():
    root = (np.uint32(0), np.uint32(42))
    z = np.zeros(2, np.uint32)
    b1, b2 = _threefry_pair(root, z, np.arange(2, dtype=np.uint32))
    child = (b1[1], b2[1])
    n = _S * _RAND
    o1, o2 = _threefry_pair(child, np.zeros(n, np.uint32),
                            np.arange(n, dtype=np.uint32))
    bits = o1 ^ o2
    return (bits % np.uint32(_S)).astype(np.int32).reshape(_S, _RAND)


_CONSTS: list = []


def _cnt_matrix():
    if not _CONSTS:
        ri = _rand_index()
        cnt_T = np.zeros((_S, _S), np.int8)
        np.add.at(cnt_T, (ri.ravel(), np.repeat(np.arange(_S), _RAND)), 1)
        _CONSTS.append(cnt_T)
    return _CONSTS[0]


def _linear_kern(x_ref, w_ref, b_ref, o_ref):
    o_ref[0, 0] = (
        jnp.dot(x_ref[0, 0], w_ref[0], preferred_element_type=jnp.float32)
        + b_ref[0]
    )


def _linear(xs, ws, bs, n_stack, sb=512):
    return pl.pallas_call(
        _linear_kern,
        grid=(n_stack, _B, _S // sb),
        in_specs=[
            pl.BlockSpec((1, 1, sb, _D), lambda i, b, s: (i, b, s, 0)),
            pl.BlockSpec((1, _D, _D), lambda i, b, s: (i, 0, 0)),
            pl.BlockSpec((1, 1, _D), lambda i, b, s: (i, 0, 0)),
        ],
        out_specs=pl.BlockSpec((1, 1, sb, _D), lambda i, b, s: (i, b, s, 0)),
        out_shape=jax.ShapeDtypeStruct((n_stack, _B, _S, _D), jnp.float32),
    )(xs, ws, bs)


_NT = (((1,), (1,)), ((), ()))


def _attn_kern(q_ref, k_ref, v_ref, vcum_ref, cnt_ref, o_ref, qi_ref, idx_ref):
    def blk_body(r, carry):
        smax, ssum = carry
        kb = k_ref[0, 0, pl.ds(r * _BLK, _BLK), :]
        at = jax.lax.dot_general(kb, q_ref[0, 0], _NT,
                                 preferred_element_type=jnp.float32)
        cf = cnt_ref[pl.ds(r * _BLK, _BLK), :].astype(jnp.float32)
        masked = jnp.where(cf > 0.0, at, -1e30)
        smax = jnp.maximum(smax, jnp.max(masked, axis=0, keepdims=True))
        ssum = ssum + jnp.sum(at * cf, axis=0, keepdims=True)
        return smax, ssum

    init = (jnp.full((1, _S), -1e30, jnp.float32), jnp.zeros((1, _S), jnp.float32))
    smax, ssum = jax.lax.fori_loop(0, _NBLK, blk_body, init)
    disc = smax - ssum / _S

    lane = jax.lax.broadcasted_iota(jnp.int32, (1, _S), 1)
    qi_ref[...] = jnp.zeros((_RAND, _DH), jnp.float32)

    def top_body(i, dcur):
        m = jnp.max(dcur)
        idx = jnp.min(jnp.where(dcur == m, lane, _S))
        idx_ref[i] = idx
        qi_ref[pl.ds(i, 1), :] = q_ref[0, 0, pl.ds(idx, 1), :]
        return jnp.where(lane == idx, -3e38, dcur)

    jax.lax.fori_loop(0, _TOP, top_body, disc)

    qi_ref[pl.ds(_TOP, _RAND - _TOP), :] = jnp.broadcast_to(
        qi_ref[pl.ds(0, 1), :], (_RAND - _TOP, _DH))

    qk = jax.lax.dot_general(qi_ref[...], k_ref[0, 0], _NT,
                             preferred_element_type=jnp.float32) * _SCALE
    m = jnp.max(qk, axis=1, keepdims=True)
    e = jnp.exp(qk - m)
    p = e / jnp.sum(e, axis=1, keepdims=True)
    upd = jnp.dot(p, v_ref[0, 0], preferred_element_type=jnp.float32)

    o_ref[0] = vcum_ref[0]
    qi_ref[...] = upd

    def scat_body(i, c):
        s = idx_ref[i]
        o_ref[0, pl.ds(s, 1), :] = qi_ref[pl.ds(i, 1), :]
        return c

    jax.lax.fori_loop(0, _TOP, scat_body, 0)


def _attn(qkvh, vcum, cntT):
    head_spec = lambda i: pl.BlockSpec(
        (1, 1, _S, _DH), lambda g, i=i: (i, g, 0, 0))
    return pl.pallas_call(
        _attn_kern,
        grid=(_BH,),
        in_specs=[
            head_spec(0),
            head_spec(1),
            head_spec(2),
            pl.BlockSpec((1, _S, _DH), lambda g: (g, 0, 0)),
            pl.BlockSpec((_S, _S), lambda g: (0, 0)),
        ],
        out_specs=pl.BlockSpec((1, _S, _DH), lambda g: (g, 0, 0)),
        out_shape=jax.ShapeDtypeStruct((_BH, _S, _DH), jnp.float32),
        scratch_shapes=[
            pltpu.VMEM((_RAND, _DH), jnp.float32),
            pltpu.SMEM((_RAND,), jnp.int32),
        ],
    )(qkvh, qkvh, qkvh, vcum, cntT)


_CHUNK = 512
_NCH = _S // _CHUNK


def _sc_cumsum(qkvh):
    mesh = plsc.VectorSubcoreMesh(core_axis_name="c", subcore_axis_name="s")

    @functools.partial(
        pl.kernel,
        mesh=mesh,
        out_type=jax.ShapeDtypeStruct((_BH * _S, _DH), jnp.float32),
        scratch_types=[
            pltpu.VMEM((_CHUNK, _DH), jnp.float32),
            pltpu.VMEM((_CHUNK, _DH), jnp.float32),
            pltpu.SemaphoreType.DMA,
            pltpu.SemaphoreType.DMA,
            pltpu.SemaphoreType.DMA,
            pltpu.SemaphoreType.DMA,
        ],
        compiler_params=pltpu.CompilerParams(use_tc_tiling_on_sc=False),
    )
    def cum_kernel(qkvh_hbm, out_hbm, c0, c1, li0, li1, lo0, lo1):
        wid = lax.axis_index("s") * 2 + lax.axis_index("c")
        bufs = (c0, c1)
        isems = (li0, li1)
        osems = (lo0, lo1)

        @pl.when(wid < _BH)
        def _():
            bh = wid
            carry = tuple(jnp.zeros((16,), jnp.float32) for _ in range(4))
            loads = [None] * _NCH
            stores = [None, None]
            loads[0] = pltpu.async_copy(
                qkvh_hbm.at[2, bh, pl.ds(0, _CHUNK), :], bufs[0], isems[0])
            for ch in range(_NCH):
                cur = bufs[ch % 2]
                if ch + 1 < _NCH:
                    nb = (ch + 1) % 2
                    if stores[nb] is not None:
                        stores[nb].wait()
                        stores[nb] = None
                    loads[ch + 1] = pltpu.async_copy(
                        qkvh_hbm.at[2, bh,
                                    pl.ds((ch + 1) * _CHUNK, _CHUNK), :],
                        bufs[nb], isems[nb])
                loads[ch].wait()

                def body(i8, acc, chunk_v=cur):
                    for r in range(8):
                        i = i8 * 8 + r
                        outs = []
                        for d in range(4):
                            a = acc[d] + chunk_v[i, pl.ds(d * 16, 16)]
                            chunk_v[i, pl.ds(d * 16, 16)] = a
                            outs.append(a)
                        acc = tuple(outs)
                    return acc

                carry = jax.lax.fori_loop(0, _CHUNK // 8, body, carry)
                stores[ch % 2] = pltpu.async_copy(
                    cur,
                    out_hbm.at[pl.ds((bh * _NCH + ch) * _CHUNK, _CHUNK), :],
                    osems[ch % 2])
            for st in stores:
                if st is not None:
                    st.wait()

    return cum_kernel(qkvh)


def kernel(queries, keys, values, Wq, bq, Wk, bk, Wv, bv, Wo, bo):
    xs = jnp.stack([queries, keys, values])
    ws = jnp.stack([Wq.T, Wk.T, Wv.T])
    bs = jnp.stack([bq, bk, bv])[:, None, :]
    qkv = _linear(xs, ws, bs, 3)

    qkvh = (
        qkv.reshape(3, _B, _S, _H, _DH)
        .transpose(0, 1, 3, 2, 4)
        .reshape(3, _BH, _S, _DH)
    )
    vcum = _sc_cumsum(qkvh)
    vc = _attn(qkvh, vcum.reshape(_BH, _S, _DH), jnp.asarray(_cnt_matrix()))

    vc2 = (
        vc.reshape(_B, _H, _S, _DH)
        .transpose(0, 2, 1, 3)
        .reshape(1, _B, _S, _D)
    )
    out = _linear(vc2, Wo.T[None], bo[None, None, :], 1)
    return out[0]

# --- scband reference (transcript-rebuilt; emitter-appended) ---
"""Pipeline reference for scband-probability-attention-20882130993615 (READ-ONLY COPY).

The authoritative reference and input builder live on the scoring server;
editing this copy changes nothing except your own understanding.
"""

import math
import jax, jax.numpy as jnp
import numpy as np

B, S, D = 2, 2048, 768
H = 12
KQ = D // H
VD = D // H
FACTOR = 5
SCALE = 1.0 / math.sqrt(KQ)


def setup_inputs(seed: int = 0) -> dict:
    key = jax.random.key(seed)
    ks = jax.random.split(key, 8)

    def lin(k, o, i):
        return jax.random.normal(k, (o, i), dtype=jnp.float32) * 0.02

    return {
        "queries": jax.random.normal(ks[0], (B, S, D), dtype=jnp.float32),
        "keys": jax.random.normal(ks[1], (B, S, D), dtype=jnp.float32),
        "values": jax.random.normal(ks[2], (B, S, D), dtype=jnp.float32),
        "Wq": lin(ks[3], KQ * H, D), "bq": jnp.zeros((KQ * H,), jnp.float32),
        "Wk": lin(ks[4], KQ * H, D), "bk": jnp.zeros((KQ * H,), jnp.float32),
        "Wv": lin(ks[5], VD * H, D), "bv": jnp.zeros((VD * H,), jnp.float32),
        "Wo": lin(ks[6], D, VD * H), "bo": jnp.zeros((D,), jnp.float32),
    }


def reference(queries, keys, values, Wq, bq, Wk, bk, Wv, bv, Wo, bo):
    batch, q_unit, _ = queries.shape
    k_unit = keys.shape[1]
    v_unit = values.shape[1]
    heads = H

    q_vec = (queries @ Wq.T + bq).reshape(batch, q_unit, heads, -1).transpose(0, 2, 1, 3)
    k_vec = (keys @ Wk.T + bk).reshape(batch, k_unit, heads, -1).transpose(0, 2, 1, 3)
    v_vec = (values @ Wv.T + bv).reshape(batch, v_unit, heads, -1).transpose(0, 2, 1, 3)

    rand_num = FACTOR * int(np.ceil(np.log(k_unit)))
    top_num = FACTOR * int(np.log(q_unit))
    rand_num = rand_num if rand_num < k_unit else k_unit
    top_num = top_num if top_num < q_unit else q_unit

    # torch.randint replaced by a fixed-key jax randint for determinism
    rand_index = jax.random.randint(jax.random.key(42), (q_unit, rand_num), 0, k_unit)

    # gather random keys per query row: (B, H, q, rand_num, d)
    keys_random = k_vec[:, :, rand_index, :]
    qk_prob = jnp.squeeze(
        jnp.matmul(q_vec[:, :, :, None, :], jnp.swapaxes(keys_random, -2, -1)), axis=-2
    )  # (B, H, q, rand_num)

    discrete = qk_prob.max(-1) - qk_prob.sum(-1) / q_unit  # (B, H, q)
    _, top_index = jax.lax.top_k(discrete, top_num)  # (B, H, top_num)

    q_import = jnp.take_along_axis(q_vec, top_index[..., None], axis=2)  # (B, H, top, d)
    qk_import = jnp.matmul(q_import, jnp.swapaxes(k_vec, -2, -1)) * SCALE  # (B, H, top, k)

    v_coupling = jnp.cumsum(v_vec, axis=-2)
    scores_top = jax.nn.softmax(qk_import, axis=-1)
    upd = jnp.matmul(scores_top, v_vec)  # (B, H, top, d)

    b_idx = jnp.arange(batch)[:, None, None]
    h_idx = jnp.arange(heads)[None, :, None]
    v_coupling = v_coupling.at[b_idx, h_idx, top_index].set(upd)

    out = v_coupling.transpose(0, 2, 1, 3).reshape(batch, v_unit, heads * VD) @ Wo.T + bo
    return out

if __name__ == "__main__":
    import jax
    _d = setup_inputs()
    print(jax.jit(kernel)(*tuple(_d.values())))

</pallas_src>

<mosaic_0001>
#map = affine_map<(d0, d1) -> (0, 0, 0, 0)>
#map1 = affine_map<(d0, d1) -> (0, 0)>
module attributes {stable_mosaic.version = 14 : i64} {
  func.func @cum_kernel(%arg0: i32, %arg1: i32, %arg2: memref<3x24x2048x64xf32, #tpu.memory_space<hbm>>, %arg3: memref<49152x64xf32, #tpu.memory_space<hbm>>, %arg4: memref<512x64xf32, #tpu.memory_space<vmem>>, %arg5: memref<512x64xf32, #tpu.memory_space<vmem>>, %arg6: memref<!tpu.dma_semaphore, #tpu.memory_space<semaphore_mem>>, %arg7: memref<!tpu.dma_semaphore, #tpu.memory_space<semaphore_mem>>, %arg8: memref<!tpu.dma_semaphore, #tpu.memory_space<semaphore_mem>>, %arg9: memref<!tpu.dma_semaphore, #tpu.memory_space<semaphore_mem>>) attributes {dimension_semantics = [#tpu.dimension_semantics<core_parallel>, #tpu.dimension_semantics<subcore_parallel>], iteration_bounds = array<i64: 2, 16>, scalar_prefetch = 0 : i64, scratch_operands = 6 : i64, tpu.core_type = #tpu.core_type<sc_vector_subcore>, window_params = [{transform_indices = #map}, {transform_indices = #map1}]} {
    %mul3A = arith.constant 2 : i32
    %mul3A_0 = arith.muli %arg1, %mul3A : i32
    %add3A = arith.addi %mul3A_0, %arg0 : i32
    %lt3A = arith.constant 24 : i32
    %lt3A_1 = arith.cmpi slt, %add3A, %lt3A : i32
    %convert_element_type3A = arith.extui %lt3A_1 : i1 to i32
    %cond3A = arith.constant 0 : i32
    %cond3A_2 = arith.cmpi ne, %convert_element_type3A, %cond3A : i32
    scf.if %cond3A_2 {
      %broadcast_in_dim3A = arith.constant 0.000000e+00 : f32
      %broadcast_in_dim3A_3 = vector.broadcast %broadcast_in_dim3A : f32 to vector<16xf32>
      %broadcast_in_dim3A_4 = arith.constant 0.000000e+00 : f32
      %broadcast_in_dim3A_5 = vector.broadcast %broadcast_in_dim3A_4 : f32 to vector<16xf32>
      %broadcast_in_dim3A_6 = arith.constant 0.000000e+00 : f32
      %broadcast_in_dim3A_7 = vector.broadcast %broadcast_in_dim3A_6 : f32 to vector<16xf32>
      %broadcast_in_dim3A_8 = arith.constant 0.000000e+00 : f32
      %broadcast_in_dim3A_9 = vector.broadcast %broadcast_in_dim3A_8 : f32 to vector<16xf32>
      %dma_start3A = arith.constant 2 : i32
      %dma_start3A_10 = arith.constant 0 : i32
      %dma_start3A_11 = arith.constant 0 : i32
      %dma_start3A_12 = tpu.memref_slice %arg2[%dma_start3A, %add3A, %dma_start3A_10, %dma_start3A_11] : memref<3x24x2048x64xf32, #tpu.memory_space<hbm>> -> memref<1x1x512x64xf32, #tpu.memory_space<hbm>>
      %dma_start3A_13 = tpu.memref_squeeze %dma_start3A_12 : memref<1x1x512x64xf32, #tpu.memory_space<hbm>> -> memref<512x64xf32, #tpu.memory_space<hbm>>
      %dma_start3A_14 = arith.constant 0 : i32
      %dma_start3A_15 = arith.constant 0 : i32
      %dma_start3A_16 = tpu.memref_slice %arg2[%dma_start3A, %add3A, %dma_start3A_14, %dma_start3A_15] : memref<3x24x2048x64xf32, #tpu.memory_space<hbm>> -> memref<1x1x512x64xf32, #tpu.memory_space<hbm>>
      %dma_start3A_17 = tpu.memref_squeeze %dma_start3A_16 : memref<1x1x512x64xf32, #tpu.memory_space<hbm>> -> memref<512x64xf32, #tpu.memory_space<hbm>>
      tpu.enqueue_dma source(%dma_start3A_17 : memref<512x64xf32, #tpu.memory_space<hbm>>) target(%arg4 : memref<512x64xf32, #tpu.memory_space<vmem>>) target_semaphore(%arg6 : memref<!tpu.dma_semaphore, #tpu.memory_space<semaphore_mem>>)
      %dma_start3A_18 = arith.constant 2 : i32
      %dma_start3A_19 = arith.constant 512 : i32
      %dma_start3A_20 = arith.constant 0 : i32
      %dma_start3A_21 = tpu.memref_slice %arg2[%dma_start3A_18, %add3A, %dma_start3A_19, %dma_start3A_20] : memref<3x24x2048x64xf32, #tpu.memory_space<hbm>> -> memref<1x1x512x64xf32, #tpu.memory_space<hbm>>
      %dma_start3A_22 = tpu.memref_squeeze %dma_start3A_21 : memref<1x1x512x64xf32, #tpu.memory_space<hbm>> -> memref<512x64xf32, #tpu.memory_space<hbm>>
      %dma_start3A_23 = arith.constant 512 : i32
      %dma_start3A_24 = arith.constant 0 : i32
      %dma_start3A_25 = tpu.memref_slice %arg2[%dma_start3A_18, %add3A, %dma_start3A_23, %dma_start3A_24] : memref<3x24x2048x64xf32, #tpu.memory_space<hbm>> -> memref<1x1x512x64xf32, #tpu.memory_space<hbm>>
      %dma_start3A_26 = tpu.memref_squeeze %dma_start3A_25 : memref<1x1x512x64xf32, #tpu.memory_space<hbm>> -> memref<512x64xf32, #tpu.memory_space<hbm>>
      tpu.enqueue_dma source(%dma_start3A_26 : memref<512x64xf32, #tpu.memory_space<hbm>>) target(%arg5 : memref<512x64xf32, #tpu.memory_space<vmem>>) target_semaphore(%arg7 : memref<!tpu.dma_semaphore, #tpu.memory_space<semaphore_mem>>)
      %dma_wait3A = arith.constant 2 : i32
      %dma_wait3A_27 = arith.constant 0 : i32
      %dma_wait3A_28 = arith.constant 0 : i32
      %dma_wait3A_29 = tpu.memref_slice %arg2[%dma_wait3A, %add3A, %dma_wait3A_27, %dma_wait3A_28] : memref<3x24x2048x64xf32, #tpu.memory_space<hbm>> -> memref<1x1x512x64xf32, #tpu.memory_space<hbm>>
      %dma_wait3A_30 = tpu.memref_squeeze %dma_wait3A_29 : memref<1x1x512x64xf32, #tpu.memory_space<hbm>> -> memref<512x64xf32, #tpu.memory_space<hbm>>
      %dma_wait3A_31 = arith.constant 0 : i32
      %dma_wait3A_32 = arith.constant 0 : i32
      %dma_wait3A_33 = tpu.memref_slice %arg2[%dma_wait3A, %add3A, %dma_wait3A_31, %dma_wait3A_32] : memref<3x24x2048x64xf32, #tpu.memory_space<hbm>> -> memref<1x1x512x64xf32, #tpu.memory_space<hbm>>
      %dma_wait3A_34 = tpu.memref_squeeze %dma_wait3A_33 : memref<1x1x512x64xf32, #tpu.memory_space<hbm>> -> memref<512x64xf32, #tpu.memory_space<hbm>>
      tpu.wait_dma2 semaphore(%arg6 : memref<!tpu.dma_semaphore, #tpu.memory_space<semaphore_mem>>) src(%dma_wait3A_34 : memref<512x64xf32, #tpu.memory_space<hbm>>) dst(%arg4 : memref<512x64xf32, #tpu.memory_space<vmem>>)
      %scan3A = arith.constant 0 : i32
      %scan3A_35 = arith.constant 64 : i32
      %scan3A_36 = arith.addi %scan3A, %scan3A_35 : i32
      %scan3A_37 = arith.constant 1 : i32
      %scan3A_38:4 = scf.for %scan3A_159 = %scan3A to %scan3A_36 step %scan3A_37 iter_args(%scan3A_160 = %broadcast_in_dim3A_3, %scan3A_161 = %broadcast_in_dim3A_5, %scan3A_162 = %broadcast_in_dim3A_7, %scan3A_163 = %broadcast_in_dim3A_9) -> (vector<16xf32>, vector<16xf32>, vector<16xf32>, vector<16xf32>)  : i32 {
        %mul3A_164 = arith.constant 8 : i32
        %mul3A_165 = arith.muli %scan3A_159, %mul3A_164 : i32
        %add3A_166 = arith.constant 0 : i32
        %add3A_167 = arith.addi %mul3A_165, %add3A_166 : i32
        %get3A = arith.index_cast %add3A_167 : i32 to index
        %get3A_168 = arith.constant 0 : index
        %get3A_169 = tpu.vector_load %arg4[%get3A, %get3A_168] {strides = array<i32>} : memref<512x64xf32, #tpu.memory_space<vmem>>, vector<1x16xf32>,
        %get3A_170 = vector.shape_cast %get3A_169 : vector<1x16xf32> to vector<16xf32>
        %add3A_171 = arith.addf %scan3A_160, %get3A_170 : vector<16xf32>
        %swap3A = arith.index_cast %add3A_167 : i32 to index
        %swap3A_172 = arith.constant 0 : index
        %swap3A_173 = tpu.vector_load %arg4[%swap3A, %swap3A_172] {strides = array<i32>} : memref<512x64xf32, #tpu.memory_space<vmem>>, vector<1x16xf32>,
        %swap3A_174 = vector.shape_cast %swap3A_173 : vector<1x16xf32> to vector<16xf32>
        %swap3A_175 = vector.shape_cast %add3A_171 : vector<16xf32> to vector<1x16xf32>
        tpu.vector_store %arg4[%swap3A, %swap3A_172], %swap3A_175 {strides = array<i32>} : memref<512x64xf32, #tpu.memory_space<vmem>>, vector<1x16xf32>,
        %get3A_176 = arith.index_cast %add3A_167 : i32 to index
        %get3A_177 = arith.constant 16 : index
        %get3A_178 = tpu.vector_load %arg4[%get3A_176, %get3A_177] {strides = array<i32>} : memref<512x64xf32, #tpu.memory_space<vmem>>, vector<1x16xf32>,
        %get3A_179 = vector.shape_cast %get3A_178 : vector<1x16xf32> to vector<16xf32>
        %add3A_180 = arith.addf %scan3A_161, %get3A_179 : vector<16xf32>
        %swap3A_181 = arith.index_cast %add3A_167 : i32 to index
        %swap3A_182 = arith.constant 16 : index
        %swap3A_183 = tpu.vector_load %arg4[%swap3A_181, %swap3A_182] {strides = array<i32>} : memref<512x64xf32, #tpu.memory_space<vmem>>, vector<1x16xf32>,
        %swap3A_184 = vector.shape_cast %swap3A_183 : vector<1x16xf32> to vector<16xf32>
        %swap3A_185 = vector.shape_cast %add3A_180 : vector<16xf32> to vector<1x16xf32>
        tpu.vector_store %arg4[%swap3A_181, %swap3A_182], %swap3A_185 {strides = array<i32>} : memref<512x64xf32, #tpu.memory_space<vmem>>, vector<1x16xf32>,
        %get3A_186 = arith.index_cast %add3A_167 : i32 to index
        %get3A_187 = arith.constant 32 : index
        %get3A_188 = tpu.vector_load %arg4[%get3A_186, %get3A_187] {strides = array<i32>} : memref<512x64xf32, #tpu.memory_space<vmem>>, vector<1x16xf32>,
        %get3A_189 = vector.shape_cast %get3A_188 : vector<1x16xf32> to vector<16xf32>
        %add3A_190 = arith.addf %scan3A_162, %get3A_189 : vector<16xf32>
        %swap3A_191 = arith.index_cast %add3A_167 : i32 to index
        %swap3A_192 = arith.constant 32 : index
        %swap3A_193 = tpu.vector_load %arg4[%swap3A_191, %swap3A_192] {strides = array<i32>} : memref<512x64xf32, #tpu.memory_space<vmem>>, vector<1x16xf32>,
        %swap3A_194 = vector.shape_cast %swap3A_193 : vector<1x16xf32> to vector<16xf32>
        %swap3A_195 = vector.shape_cast %add3A_190 : vector<16xf32> to vector<1x16xf32>
        tpu.vector_store %arg4[%swap3A_191, %swap3A_192], %swap3A_195 {strides = array<i32>} : memref<512x64xf32, #tpu.memory_space<vmem>>, vector<1x16xf32>,
        %get3A_196 = arith.index_cast %add3A_167 : i32 to index
        %get3A_197 = arith.constant 48 : index
        %get3A_198 = tpu.vector_load %arg4[%get3A_196, %get3A_197] {strides = array<i32>} : memref<512x64xf32, #tpu.memory_space<vmem>>, vector<1x16xf32>,
        %get3A_199 = vector.shape_cast %get3A_198 : vector<1x16xf32> to vector<16xf32>
        %add3A_200 = arith.addf %scan3A_163, %get3A_199 : vector<16xf32>
        %swap3A_201 = arith.index_cast %add3A_167 : i32 to index
        %swap3A_202 = arith.constant 48 : index
        %swap3A_203 = tpu.vector_load %arg4[%swap3A_201, %swap3A_202] {strides = array<i32>} : memref<512x64xf32, #tpu.memory_space<vmem>>, vector<1x16xf32>,
        %swap3A_204 = vector.shape_cast %swap3A_203 : vector<1x16xf32> to vector<16xf32>
        %swap3A_205 = vector.shape_cast %add3A_200 : vector<16xf32> to vector<1x16xf32>
        tpu.vector_store %arg4[%swap3A_201, %swap3A_202], %swap3A_205 {strides = array<i32>} : memref<512x64xf32, #tpu.memory_space<vmem>>, vector<1x16xf32>,
        %mul3A_206 = arith.constant 8 : i32
        %mul3A_207 = arith.muli %scan3A_159, %mul3A_206 : i32
        %add3A_208 = arith.constant 1 : i32
        %add3A_209 = arith.addi %mul3A_207, %add3A_208 : i32
        %get3A_210 = arith.index_cast %add3A_209 : i32 to index
        %get3A_211 = arith.constant 0 : index
        %get3A_212 = tpu.vector_load %arg4[%get3A_210, %get3A_211] {strides = array<i32>} : memref<512x64xf32, #tpu.memory_space<vmem>>, vector<1x16xf32>,
        %get3A_213 = vector.shape_cast %get3A_212 : vector<1x16xf32> to vector<16xf32>
        %add3A_214 = arith.addf %add3A_171, %get3A_213 : vector<16xf32>
        %swap3A_215 = arith.index_cast %add3A_209 : i32 to index
        %swap3A_216 = arith.constant 0 : index
        %swap3A_217 = tpu.vector_load %arg4[%swap3A_215, %swap3A_216] {strides = array<i32>} : memref<512x64xf32, #tpu.memory_space<vmem>>, vector<1x16xf32>,
        %swap3A_218 = vector.shape_cast %swap3A_217 : vector<1x16xf32> to vector<16xf32>
        %swap3A_219 = vector.shape_cast %add3A_214 : vector<16xf32> to vector<1x16xf32>
        tpu.vector_store %arg4[%swap3A_215, %swap3A_216], %swap3A_219 {strides = array<i32>} : memref<512x64xf32, #tpu.memory_space<vmem>>, vector<1x16xf32>,
        %get3A_220 = arith.index_cast %add3A_209 : i32 to index
        %get3A_221 = arith.constant 16 : index
        %get3A_222 = tpu.vector_load %arg4[%get3A_220, %get3A_221] {strides = array<i32>} : memref<512x64xf32, #tpu.memory_space<vmem>>, vector<1x16xf32>,
        %get3A_223 = vector.shape_cast %get3A_222 : vector<1x16xf32> to vector<16xf32>
        %add3A_224 = arith.addf %add3A_180, %get3A_223 : vector<16xf32>
        %swap3A_225 = arith.index_cast %add3A_209 : i32 to index
        %swap3A_226 = arith.constant 16 : index
        %swap3A_227 = tpu.vector_load %arg4[%swap3A_225, %swap3A_226] {strides = array<i32>} : memref<512x64xf32, #tpu.memory_space<vmem>>, vector<1x16xf32>,
        %swap3A_228 = vector.shape_cast %swap3A_227 : vector<1x16xf32> to vector<16xf32>
        %swap3A_229 = vector.shape_cast %add3A_224 : vector<16xf32> to vector<1x16xf32>
        tpu.vector_store %arg4[%swap3A_225, %swap3A_226], %swap3A_229 {strides = array<i32>} : memref<512x64xf32, #tpu.memory_space<vmem>>, vector<1x16xf32>,
        %get3A_230 = arith.index_cast %add3A_209 : i32 to index
        %get3A_231 = arith.constant 32 : index
        %get3A_232 = tpu.vector_load %arg4[%get3A_230, %get3A_231] {strides = array<i32>} : memref<512x64xf32, #tpu.memory_space<vmem>>, vector<1x16xf32>,
        %get3A_233 = vector.shape_cast %get3A_232 : vector<1x16xf32> to vector<16xf32>
        %add3A_234 = arith.addf %add3A_190, %get3A_233 : vector<16xf32>
        %swap3A_235 = arith.index_cast %add3A_209 : i32 to index
        %swap3A_236 = arith.constant 32 : index
        %swap3A_237 = tpu.vector_load %arg4[%swap3A_235, %swap3A_236] {strides = array<i32>} : memref<512x64xf32, #tpu.memory_space<vmem>>, vector<1x16xf32>,
        %swap3A_238 = vector.shape_cast %swap3A_237 : vector<1x16xf32> to vector<16xf32>
        %swap3A_239 = vector.shape_cast %add3A_234 : vector<16xf32> to vector<1x16xf32>
        tpu.vector_store %arg4[%swap3A_235, %swap3A_236], %swap3A_239 {strides = array<i32>} : memref<512x64xf32, #tpu.memory_space<vmem>>, vector<1x16xf32>,
        %get3A_240 = arith.index_cast %add3A_209 : i32 to index
        %get3A_241 = arith.constant 48 : index
        %get3A_242 = tpu.vector_load %arg4[%get3A_240, %get3A_241] {strides = array<i32>} : memref<512x64xf32, #tpu.memory_space<vmem>>, vector<1x16xf32>,
        %get3A_243 = vector.shape_cast %get3A_242 : vector<1x16xf32> to vector<16xf32>
        %add3A_244 = arith.addf %add3A_200, %get3A_243 : vector<16xf32>
        %swap3A_245 = arith.index_cast %add3A_209 : i32 to index
        %swap3A_246 = arith.constant 48 : index
        %swap3A_247 = tpu.vector_load %arg4[%swap3A_245, %swap3A_246] {strides = array<i32>} : memref<512x64xf32, #tpu.memory_space<vmem>>, vector<1x16xf32>,
        %swap3A_248 = vector.shape_cast %swap3A_247 : vector<1x16xf32> to vector<16xf32>
        %swap3A_249 = vector.shape_cast %add3A_244 : vector<16xf32> to vector<1x16xf32>
        tpu.vector_store %arg4[%swap3A_245, %swap3A_246], %swap3A_249 {strides = array<i32>} : memref<512x64xf32, #tpu.memory_space<vmem>>, vector<1x16xf32>,
        %mul3A_250 = arith.constant 8 : i32
        %mul3A_251 = arith.muli %scan3A_159, %mul3A_250 : i32
        %add3A_252 = arith.constant 2 : i32
        %add3A_253 = arith.addi %mul3A_251, %add3A_252 : i32
        %get3A_254 = arith.index_cast %add3A_253 : i32 to index
        %get3A_255 = arith.constant 0 : index
        %get3A_256 = tpu.vector_load %arg4[%get3A_254, %get3A_255] {strides = array<i32>} : memref<512x64xf32, #tpu.memory_space<vmem>>, vector<1x16xf32>,
        %get3A_257 = vector.shape_cast %get3A_256 : vector<1x16xf32> to vector<16xf32>
        %add3A_258 = arith.addf %add3A_214, %get3A_257 : vector<16xf32>
        %swap3A_259 = arith.index_cast %add3A_253 : i32 to index
        %swap3A_260 = arith.constant 0 : index
        %swap3A_261 = tpu.vector_load %arg4[%swap3A_259, %swap3A_260] {strides = array<i32>} : memref<512x64xf32, #tpu.memory_space<vmem>>, vector<1x16xf32>,
        %swap3A_262 = vector.shape_cast %swap3A_261 : vector<1x16xf32> to vector<16xf32>
        %swap3A_263 = vector.shape_cast %add3A_258 : vector<16xf32> to vector<1x16xf32>
        tpu.vector_store %arg4[%swap3A_259, %swap3A_260], %swap3A_263 {strides = array<i32>} : memref<512x64xf32, #tpu.memory_space<vmem>>, vector<1x16xf32>,
        %get3A_264 = arith.index_cast %add3A_253 : i32 to index
        %get3A_265 = arith.constant 16 : index
        %get3A_266 = tpu.vector_load %arg4[%get3A_264, %get3A_265] {strides = array<i32>} : memref<512x64xf32, #tpu.memory_space<vmem>>, vector<1x16xf32>,
        %get3A_267 = vector.shape_cast %get3A_266 : vector<1x16xf32> to vector<16xf32>
        %add3A_268 = arith.addf %add3A_224, %get3A_267 : vector<16xf32>
        %swap3A_269 = arith.index_cast %add3A_253 : i32 to index
        %swap3A_270 = arith.constant 16 : index
        %swap3A_271 = tpu.vector_load %arg4[%swap3A_269, %swap3A_270] {strides = array<i32>} : memref<512x64xf32, #tpu.memory_space<vmem>>, vector<1x16xf32>,
        %swap3A_272 = vector.shape_cast %swap3A_271 : vector<1x16xf32> to vector<16xf32>
        %swap3A_273 = vector.shape_cast %add3A_268 : vector<16xf32> to vector<1x16xf32>
        tpu.vector_store %arg4[%swap3A_269, %swap3A_270], %swap3A_273 {strides = array<i32>} : memref<512x64xf32, #tpu.memory_space<vmem>>, vector<1x16xf32>,
        %get3A_274 = arith.index_cast %add3A_253 : i32 to index
        %get3A_275 = arith.constant 32 : index
        %get3A_276 = tpu.vector_load %arg4[%get3A_274, %get3A_275] {strides = array<i32>} : memref<512x64xf32, #tpu.memory_space<vmem>>, vector<1x16xf32>,
        %get3A_277 = vector.shape_cast %get3A_276 : vector<1x16xf32> to vector<16xf32>
        %add3A_278 = arith.addf %add3A_234, %get3A_277 : vector<16xf32>
        %swap3A_279 = arith.index_cast %add3A_253 : i32 to index
        %swap3A_280 = arith.constant 32 : index
        %swap3A_281 = tpu.vector_load %arg4[%swap3A_279, %swap3A_280] {strides = array<i32>} : memref<512x64xf32, #tpu.memory_space<vmem>>, vector<1x16xf32>,
        %swap3A_282 = vector.shape_cast %swap3A_281 : vector<1x16xf32> to vector<16xf32>
        %swap3A_283 = vector.shape_cast %add3A_278 : vector<16xf32> to vector<1x16xf32>
        tpu.vector_store %arg4[%swap3A_279, %swap3A_280], %swap3A_283 {strides = array<i32>} : memref<512x64xf32, #tpu.memory_space<vmem>>, vector<1x16xf32>,
        %get3A_284 = arith.index_cast %add3A_253 : i32 to index
        %get3A_285 = arith.constant 48 : index
        %get3A_286 = tpu.vector_load %arg4[%get3A_284, %get3A_285] {strides = array<i32>} : memref<512x64xf32, #tpu.memory_space<vmem>>, vector<1x16xf32>,
        %get3A_287 = vector.shape_cast %get3A_286 : vector<1x16xf32> to vector<16xf32>
        %add3A_288 = arith.addf %add3A_244, %get3A_287 : vector<16xf32>
        %swap3A_289 = arith.index_cast %add3A_253 : i32 to index
        %swap3A_290 = arith.constant 48 : index
        %swap3A_291 = tpu.vector_load %arg4[%swap3A_289, %swap3A_290] {strides = array<i32>} : memref<512x64xf32, #tpu.memory_space<vmem>>, vector<1x16xf32>,
        %swap3A_292 = vector.shape_cast %swap3A_291 : vector<1x16xf32> to vector<16xf32>
        %swap3A_293 = vector.shape_cast %add3A_288 : vector<16xf32> to vector<1x16xf32>
        tpu.vector_store %arg4[%swap3A_289, %swap3A_290], %swap3A_293 {strides = array<i32>} : memref<512x64xf32, #tpu.memory_space<vmem>>, vector<1x16xf32>,
        %mul3A_294 = arith.constant 8 : i32
        %mul3A_295 = arith.muli %scan3A_159, %mul3A_294 : i32
        %add3A_296 = arith.constant 3 : i32
        %add3A_297 = arith.addi %mul3A_295, %add3A_296 : i32
        %get3A_298 = arith.index_cast %add3A_297 : i32 to index
        %get3A_299 = arith.constant 0 : index
        %get3A_300 = tpu.vector_load %arg4[%get3A_298, %get3A_299] {strides = array<i32>} : memref<512x64xf32, #tpu.memory_space<vmem>>, vector<1x16xf32>,
        %get3A_301 = vector.shape_cast %get3A_300 : vector<1x16xf32> to vector<16xf32>
        %add3A_302 = arith.addf %add3A_258, %get3A_301 : vector<16xf32>
        %swap3A_303 = arith.index_cast %add3A_297 : i32 to index
        %swap3A_304 = arith.constant 0 : index
        %swap3A_305 = tpu.vector_load %arg4[%swap3A_303, %swap3A_304] {strides = array<i32>} : memref<512x64xf32, #tpu.memory_space<vmem>>, vector<1x16xf32>,
        %swap3A_306 = vector.shape_cast %swap3A_305 : vector<1x16xf32> to vector<16xf32>
        %swap3A_307 = vector.shape_cast %add3A_302 : vector<16xf32> to vector<1x16xf32>
        tpu.vector_store %arg4[%swap3A_303, %swap3A_304], %swap3A_307 {strides = array<i32>} : memref<512x64xf32, #tpu.memory_space<vmem>>, vector<1x16xf32>,
        %get3A_308 = arith.index_cast %add3A_297 : i32 to index
        %get3A_309 = arith.constant 16 : index
        %get3A_310 = tpu.vector_load %arg4[%get3A_308, %get3A_309] {strides = array<i32>} : memref<512x64xf32, #tpu.memory_space<vmem>>, vector<1x16xf32>,
        %get3A_311 = vector.shape_cast %get3A_310 : vector<1x16xf32> to vector<16xf32>
        %add3A_312 = arith.addf %add3A_268, %get3A_311 : vector<16xf32>
        %swap3A_313 = arith.index_cast %add3A_297 : i32 to index
        %swap3A_314 = arith.constant 16 : index
        %swap3A_315 = tpu.vector_load %arg4[%swap3A_313, %swap3A_314] {strides = array<i32>} : memref<512x64xf32, #tpu.memory_space<vmem>>, vector<1x16xf32>,
        %swap3A_316 = vector.shape_cast %swap3A_315 : vector<1x16xf32> to vector<16xf32>
        %swap3A_317 = vector.shape_cast %add3A_312 : vector<16xf32> to vector<1x16xf32>
        tpu.vector_store %arg4[%swap3A_313, %swap3A_314], %swap3A_317 {strides = array<i32>} : memref<512x64xf32, #tpu.memory_space<vmem>>, vector<1x16xf32>,
        %get3A_318 = arith.index_cast %add3A_297 : i32 to index
        %get3A_319 = arith.constant 32 : index
        %get3A_320 = tpu.vector_load %arg4[%get3A_318, %get3A_319] {strides = array<i32>} : memref<512x64xf32, #tpu.memory_space<vmem>>, vector<1x16xf32>,
        %get3A_321 = vector.shape_cast %get3A_320 : vector<1x16xf32> to vector<16xf32>
        %add3A_322 = arith.addf %add3A_278, %get3A_321 : vector<16xf32>
        %swap3A_323 = arith.index_cast %add3A_297 : i32 to index
        %swap3A_324 = arith.constant 32 : index
        %swap3A_325 = tpu.vector_load %arg4[%swap3A_323, %swap3A_324] {strides = array<i32>} : memref<512x64xf32, #tpu.memory_space<vmem>>, vector<1x16xf32>,
        %swap3A_326 = vector.shape_cast %swap3A_325 : vector<1x16xf32> to vector<16xf32>
        %swap3A_327 = vector.shape_cast %add3A_322 : vector<16xf32> to vector<1x16xf32>
        tpu.vector_store %arg4[%swap3A_323, %swap3A_324], %swap3A_327 {strides = array<i32>} : memref<512x64xf32, #tpu.memory_space<vmem>>, vector<1x16xf32>,
        %get3A_328 = arith.index_cast %add3A_297 : i32 to index
        %get3A_329 = arith.constant 48 : index
        %get3A_330 = tpu.vector_load %arg4[%get3A_328, %get3A_329] {strides = array<i32>} : memref<512x64xf32, #tpu.memory_space<vmem>>, vector<1x16xf32>,
        %get3A_331 = vector.shape_cast %get3A_330 : vector<1x16xf32> to vector<16xf32>
        %add3A_332 = arith.addf %add3A_288, %get3A_331 : vector<16xf32>
        %swap3A_333 = arith.index_cast %add3A_297 : i32 to index
        %swap3A_334 = arith.constant 48 : index
        %swap3A_335 = tpu.vector_load %arg4[%swap3A_333, %swap3A_334] {strides = array<i32>} : memref<512x64xf32, #tpu.memory_space<vmem>>, vector<1x16xf32>,
        %swap3A_336 = vector.shape_cast %swap3A_335 : vector<1x16xf32> to vector<16xf32>
        %swap3A_337 = vector.shape_cast %add3A_332 : vector<16xf32> to vector<1x16xf32>
        tpu.vector_store %arg4[%swap3A_333, %swap3A_334], %swap3A_337 {strides = array<i32>} : memref<512x64xf32, #tpu.memory_space<vmem>>, vector<1x16xf32>,
        %mul3A_338 = arith.constant 8 : i32
        %mul3A_339 = arith.muli %scan3A_159, %mul3A_338 : i32
        %add3A_340 = arith.constant 4 : i32
        %add3A_341 = arith.addi %mul3A_339, %add3A_340 : i32
        %get3A_342 = arith.index_cast %add3A_341 : i32 to index
        %get3A_343 = arith.constant 0 : index
        %get3A_344 = tpu.vector_load %arg4[%get3A_342, %get3A_343] {strides = array<i32>} : memref<512x64xf32, #tpu.memory_space<vmem>>, vector<1x16xf32>,
        %get3A_345 = vector.shape_cast %get3A_344 : vector<1x16xf32> to vector<16xf32>
        %add3A_346 = arith.addf %add3A_302, %get3A_345 : vector<16xf32>
        %swap3A_347 = arith.index_cast %add3A_341 : i32 to index
        %swap3A_348 = arith.constant 0 : index
        %swap3A_349 = tpu.vector_load %arg4[%swap3A_347, %swap3A_348] {strides = array<i32>} : memref<512x64xf32, #tpu.memory_space<vmem>>, vector<1x16xf32>,
        %swap3A_350 = vector.shape_cast %swap3A_349 : vector<1x16xf32> to vector<16xf32>
        %swap3A_351 = vector.shape_cast %add3A_346 : vector<16xf32> to vector<1x16xf32>
        tpu.vector_store %arg4[%swap3A_347, %swap3A_348], %swap3A_351 {strides = array<i32>} : memref<512x64xf32, #tpu.memory_space<vmem>>, vector<1x16xf32>,
        %get3A_352 = arith.index_cast %add3A_341 : i32 to index
        %get3A_353 = arith.constant 16 : index
        %get3A_354 = tpu.vector_load %arg4[%get3A_352, %get3A_353] {strides = array<i32>} : memref<512x64xf32, #tpu.memory_space<vmem>>, vector<1x16xf32>,
        %get3A_355 = vector.shape_cast %get3A_354 : vector<1x16xf32> to vector<16xf32>
        %add3A_356 = arith.addf %add3A_312, %get3A_355 : vector<16xf32>
        %swap3A_357 = arith.index_cast %add3A_341 : i32 to index
        %swap3A_358 = arith.constant 16 : index
        %swap3A_359 = tpu.vector_load %arg4[%swap3A_357, %swap3A_358] {strides = array<i32>} : memref<512x64xf32, #tpu.memory_space<vmem>>, vector<1x16xf32>,
        %swap3A_360 = vector.shape_cast %swap3A_359 : vector<1x16xf32> to vector<16xf32>
        %swap3A_361 = vector.shape_cast %add3A_356 : vector<16xf32> to vector<1x16xf32>
        tpu.vector_store %arg4[%swap3A_357, %swap3A_358], %swap3A_361 {strides = array<i32>} : memref<512x64xf32, #tpu.memory_space<vmem>>, vector<1x16xf32>,
        %get3A_362 = arith.index_cast %add3A_341 : i32 to index
        %get3A_363 = arith.constant 32 : index
        %get3A_364 = tpu.vector_load %arg4[%get3A_362, %get3A_363] {strides = array<i32>} : memref<512x64xf32, #tpu.memory_space<vmem>>, vector<1x16xf32>,
        %get3A_365 = vector.shape_cast %get3A_364 : vector<1x16xf32> to vector<16xf32>
        %add3A_366 = arith.addf %add3A_322, %get3A_365 : vector<16xf32>
        %swap3A_367 = arith.index_cast %add3A_341 : i32 to index
        %swap3A_368 = arith.constant 32 : index
        %swap3A_369 = tpu.vector_load %arg4[%swap3A_367, %swap3A_368] {strides = array<i32>} : memref<512x64xf32, #tpu.memory_space<vmem>>, vector<1x16xf32>,
        %swap3A_370 = vector.shape_cast %swap3A_369 : vector<1x16xf32> to vector<16xf32>
        %swap3A_371 = vector.shape_cast %add3A_366 : vector<16xf32> to vector<1x16xf32>
        tpu.vector_store %arg4[%swap3A_367, %swap3A_368], %swap3A_371 {strides = array<i32>} : memref<512x64xf32, #tpu.memory_space<vmem>>, vector<1x16xf32>,
        %get3A_372 = arith.index_cast %add3A_341 : i32 to index
        %get3A_373 = arith.constant 48 : index
        %get3A_374 = tpu.vector_load %arg4[%get3A_372, %get3A_373] {strides = array<i32>} : memref<512x64xf32, #tpu.memory_space<vmem>>, vector<1x16xf32>,
        %get3A_375 = vector.shape_cast %get3A_374 : vector<1x16xf32> to vector<16xf32>
        %add3A_376 = arith.addf %add3A_332, %get3A_375 : vector<16xf32>
        %swap3A_377 = arith.index_cast %add3A_341 : i32 to index
        %swap3A_378 = arith.constant 48 : index
        %swap3A_379 = tpu.vector_load %arg4[%swap3A_377, %swap3A_378] {strides = array<i32>} : memref<512x64xf32, #tpu.memory_space<vmem>>, vector<1x16xf32>,
        %swap3A_380 = vector.shape_cast %swap3A_379 : vector<1x16xf32> to vector<16xf32>
        %swap3A_381 = vector.shape_cast %add3A_376 : vector<16xf32> to vector<1x16xf32>
        tpu.vector_store %arg4[%swap3A_377, %swap3A_378], %swap3A_381 {strides = array<i32>} : memref<512x64xf32, #tpu.memory_space<vmem>>, vector<1x16xf32>,
        %mul3A_382 = arith.constant 8 : i32
        %mul3A_383 = arith.muli %scan3A_159, %mul3A_382 : i32
        %add3A_384 = arith.constant 5 : i32
        %add3A_385 = arith.addi %mul3A_383, %add3A_384 : i32
        %get3A_386 = arith.index_cast %add3A_385 : i32 to index
        %get3A_387 = arith.constant 0 : index
        %get3A_388 = tpu.vector_load %arg4[%get3A_386, %get3A_387] {strides = array<i32>} : memref<512x64xf32, #tpu.memory_space<vmem>>, vector<1x16xf32>,
        %get3A_389 = vector.shape_cast %get3A_388 : vector<1x16xf32> to vector<16xf32>
        %add3A_390 = arith.addf %add3A_346, %get3A_389 : vector<16xf32>
        %swap3A_391 = arith.index_cast %add3A_385 : i32 to index
        %swap3A_392 = arith.constant 0 : index
        %swap3A_393 = tpu.vector_load %arg4[%swap3A_391, %swap3A_392] {strides = array<i32>} : memref<512x64xf32, #tpu.memory_space<vmem>>, vector<1x16xf32>,
        %swap3A_394 = vector.shape_cast %swap3A_393 : vector<1x16xf32> to vector<16xf32>
        %swap3A_395 = vector.shape_cast %add3A_390 : vector<16xf32> to vector<1x16xf32>
        tpu.vector_store %arg4[%swap3A_391, %swap3A_392], %swap3A_395 {strides = array<i32>} : memref<512x64xf32, #tpu.memory_space<vmem>>, vector<1x16xf32>,
        %get3A_396 = arith.index_cast %add3A_385 : i32 to index
        %get3A_397 = arith.constant 16 : index
        %get3A_398 = tpu.vector_load %arg4[%get3A_396, %get3A_397] {strides = array<i32>} : memref<512x64xf32, #tpu.memory_space<vmem>>, vector<1x16xf32>,
        %get3A_399 = vector.shape_cast %get3A_398 : vector<1x16xf32> to vector<16xf32>
        %add3A_400 = arith.addf %add3A_356, %get3A_399 : vector<16xf32>
        %swap3A_401 = arith.index_cast %add3A_385 : i32 to index
        %swap3A_402 = arith.constant 16 : index
        %swap3A_403 = tpu.vector_load %arg4[%swap3A_401, %swap3A_402] {strides = array<i32>} : memref<512x64xf32, #tpu.memory_space<vmem>>, vector<1x16xf32>,
        %swap3A_404 = vector.shape_cast %swap3A_403 : vector<1x16xf32> to vector<16xf32>
        %swap3A_405 = vector.shape_cast %add3A_400 : vector<16xf32> to vector<1x16xf32>
        tpu.vector_store %arg4[%swap3A_401, %swap3A_402], %swap3A_405 {strides = array<i32>} : memref<512x64xf32, #tpu.memory_space<vmem>>, vector<1x16xf32>,
        %get3A_406 = arith.index_cast %add3A_385 : i32 to index
        %get3A_407 = arith.constant 32 : index
        %get3A_408 = tpu.vector_load %arg4[%get3A_406, %get3A_407] {strides = array<i32>} : memref<512x64xf32, #tpu.memory_space<vmem>>, vector<1x16xf32>,
        %get3A_409 = vector.shape_cast %get3A_408 : vector<1x16xf32> to vector<16xf32>
        %add3A_410 = arith.addf %add3A_366, %get3A_409 : vector<16xf32>
        %swap3A_411 = arith.index_cast %add3A_385 : i32 to index
        %swap3A_412 = arith.constant 32 : index
        %swap3A_413 = tpu.vector_load %arg4[%swap3A_411, %swap3A_412] {strides = array<i32>} : memref<512x64xf32, #tpu.memory_space<vmem>>, vector<1x16xf32>,
        %swap3A_414 = vector.shape_cast %swap3A_413 : vector<1x16xf32> to vector<16xf32>
        %swap3A_415 = vector.shape_cast %add3A_410 : vector<16xf32> to vector<1x16xf32>
        tpu.vector_store %arg4[%swap3A_411, %swap3A_412], %swap3A_415 {strides = array<i32>} : memref<512x64xf32, #tpu.memory_space<vmem>>, vector<1x16xf32>,
        %get3A_416 = arith.index_cast %add3A_385 : i32 to index
        %get3A_417 = arith.constant 48 : index
        %get3A_418 = tpu.vector_load %arg4[%get3A_416, %get3A_417] {strides = array<i32>} : memref<512x64xf32, #tpu.memory_space<vmem>>, vector<1x16xf32>,
        %get3A_419 = vector.shape_cast %get3A_418 : vector<1x16xf32> to vector<16xf32>
        %add3A_420 = arith.addf %add3A_376, %get3A_419 : vector<16xf32>
        %swap3A_421 = arith.index_cast %add3A_385 : i32 to index
        %swap3A_422 = arith.constant 48 : index
        %swap3A_423 = tpu.vector_load %arg4[%swap3A_421, %swap3A_422] {strides = array<i32>} : memref<512x64xf32, #tpu.memory_space<vmem>>, vector<1x16xf32>,
        %swap3A_424 = vector.shape_cast %swap3A_423 : vector<1x16xf32> to vector<16xf32>
        %swap3A_425 = vector.shape_cast %add3A_420 : vector<16xf32> to vector<1x16xf32>
        tpu.vector_store %arg4[%swap3A_421, %swap3A_422], %swap3A_425 {strides = array<i32>} : memref<512x64xf32, #tpu.memory_space<vmem>>, vector<1x16xf32>,
        %mul3A_426 = arith.constant 8 : i32
        %mul3A_427 = arith.muli %scan3A_159, %mul3A_426 : i32
        %add3A_428 = arith.constant 6 : i32
        %add3A_429 = arith.addi %mul3A_427, %add3A_428 : i32
        %get3A_430 = arith.index_cast %add3A_429 : i32 to index
        %get3A_431 = arith.constant 0 : index
        %get3A_432 = tpu.vector_load %arg4[%get3A_430, %get3A_431] {strides = array<i32>} : memref<512x64xf32, #tpu.memory_space<vmem>>, vector<1x16xf32>,
        %get3A_433 = vector.shape_cast %get3A_432 : vector<1x16xf32> to vector<16xf32>
        %add3A_434 = arith.addf %add3A_390, %get3A_433 : vector<16xf32>
        %swap3A_435 = arith.index_cast %add3A_429 : i32 to index
        %swap3A_436 = arith.constant 0 : index
        %swap3A_437 = tpu.vector_load %arg4[%swap3A_435, %swap3A_436] {strides = array<i32>} : memref<512x64xf32, #tpu.memory_space<vmem>>, vector<1x16xf32>,
        %swap3A_438 = vector.shape_cast %swap3A_437 : vector<1x16xf32> to vector<16xf32>
        %swap3A_439 = vector.shape_cast %add3A_434 : vector<16xf32> to vector<1x16xf32>
        tpu.vector_store %arg4[%swap3A_435, %swap3A_436], %swap3A_439 {strides = array<i32>} : memref<512x64xf32, #tpu.memory_space<vmem>>, vector<1x16xf32>,
        %get3A_440 = arith.index_cast %add3A_429 : i32 to index
        %get3A_441 = arith.constant 16 : index
        %get3A_442 = tpu.vector_load %arg4[%get3A_440, %get3A_441] {strides = array<i32>} : memref<512x64xf32, #tpu.memory_space<vmem>>, vector<1x16xf32>,
        %get3A_443 = vector.shape_cast %get3A_442 : vector<1x16xf32> to vector<16xf32>
        %add3A_444 = arith.addf %add3A_400, %get3A_443 : vector<16xf32>
        %swap3A_445 = arith.index_cast %add3A_429 : i32 to index
        %swap3A_446 = arith.constant 16 : index
        %swap3A_447 = tpu.vector_load %arg4[%swap3A_445, %swap3A_446] {strides = array<i32>} : memref<512x64xf32, #tpu.memory_space<vmem>>, vector<1x16xf32>,
        %swap3A_448 = vector.shape_cast %swap3A_447 : vector<1x16xf32> to vector<16xf32>
        %swap3A_449 = vector.shape_cast %add3A_444 : vector<16xf32> to vector<1x16xf32>
        tpu.vector_store %arg4[%swap3A_445, %swap3A_446], %swap3A_449 {strides = array<i32>} : memref<512x64xf32, #tpu.memory_space<vmem>>, vector<1x16xf32>,
        %get3A_450 = arith.index_cast %add3A_429 : i32 to index
        %get3A_451 = arith.constant 32 : index
        %get3A_452 = tpu.vector_load %arg4[%get3A_450, %get3A_451] {strides = array<i32>} : memref<512x64xf32, #tpu.memory_space<vmem>>, vector<1x16xf32>,
        %get3A_453 = vector.shape_cast %get3A_452 : vector<1x16xf32> to vector<16xf32>
        %add3A_454 = arith.addf %add3A_410, %get3A_453 : vector<16xf32>
        %swap3A_455 = arith.index_cast %add3A_429 : i32 to index
        %swap3A_456 = arith.constant 32 : index
        %swap3A_457 = tpu.vector_load %arg4[%swap3A_455, %swap3A_456] {strides = array<i32>} : memref<512x64xf32, #tpu.memory_space<vmem>>, vector<1x16xf32>,
        %swap3A_458 = vector.shape_cast %swap3A_457 : vector<1x16xf32> to vector<16xf32>
        %swap3A_459 = vector.shape_cast %add3A_454 : vector<16xf32> to vector<1x16xf32>
        tpu.vector_store %arg4[%swap3A_455, %swap3A_456], %swap3A_459 {strides = array<i32>} : memref<512x64xf32, #tpu.memory_space<vmem>>, vector<1x16xf32>,
        %get3A_460 = arith.index_cast %add3A_429 : i32 to index
        %get3A_461 = arith.constant 48 : index
        %get3A_462 = tpu.vector_load %arg4[%get3A_460, %get3A_461] {strides = array<i32>} : memref<512x64xf32, #tpu.memory_space<vmem>>, vector<1x16xf32>,
        %get3A_463 = vector.shape_cast %get3A_462 : vector<1x16xf32> to vector<16xf32>
        %add3A_464 = arith.addf %add3A_420, %get3A_463 : vector<16xf32>
        %swap3A_465 = arith.index_cast %add3A_429 : i32 to index
        %swap3A_466 = arith.constant 48 : index
        %swap3A_467 = tpu.vector_load %arg4[%swap3A_465, %swap3A_466] {strides = array<i32>} : memref<512x64xf32, #tpu.memory_space<vmem>>, vector<1x16xf32>,
        %swap3A_468 = vector.shape_cast %swap3A_467 : vector<1x16xf32> to vector<16xf32>
        %swap3A_469 = vector.shape_cast %add3A_464 : vector<16xf32> to vector<1x16xf32>
        tpu.vector_store %arg4[%swap3A_465, %swap3A_466], %swap3A_469 {strides = array<i32>} : memref<512x64xf32, #tpu.memory_space<vmem>>, vector<1x16xf32>,
        %mul3A_470 = arith.constant 8 : i32
        %mul3A_471 = arith.muli %scan3A_159, %mul3A_470 : i32
        %add3A_472 = arith.constant 7 : i32
        %add3A_473 = arith.addi %mul3A_471, %add3A_472 : i32
        %get3A_474 = arith.index_cast %add3A_473 : i32 to index
        %get3A_475 = arith.constant 0 : index
        %get3A_476 = tpu.vector_load %arg4[%get3A_474, %get3A_475] {strides = array<i32>} : memref<512x64xf32, #tpu.memory_space<vmem>>, vector<1x16xf32>,
        %get3A_477 = vector.shape_cast %get3A_476 : vector<1x16xf32> to vector<16xf32>
        %add3A_478 = arith.addf %add3A_434, %get3A_477 : vector<16xf32>
        %swap3A_479 = arith.index_cast %add3A_473 : i32 to index
        %swap3A_480 = arith.constant 0 : index
        %swap3A_481 = tpu.vector_load %arg4[%swap3A_479, %swap3A_480] {strides = array<i32>} : memref<512x64xf32, #tpu.memory_space<vmem>>, vector<1x16xf32>,
        %swap3A_482 = vector.shape_cast %swap3A_481 : vector<1x16xf32> to vector<16xf32>
        %swap3A_483 = vector.shape_cast %add3A_478 : vector<16xf32> to vector<1x16xf32>
        tpu.vector_store %arg4[%swap3A_479, %swap3A_480], %swap3A_483 {strides = array<i32>} : memref<512x64xf32, #tpu.memory_space<vmem>>, vector<1x16xf32>,
        %get3A_484 = arith.index_cast %add3A_473 : i32 to index
        %get3A_485 = arith.constant 16 : index
        %get3A_486 = tpu.vector_load %arg4[%get3A_484, %get3A_485] {strides = array<i32>} : memref<512x64xf32, #tpu.memory_space<vmem>>, vector<1x16xf32>,
        %get3A_487 = vector.shape_cast %get3A_486 : vector<1x16xf32> to vector<16xf32>
        %add3A_488 = arith.addf %add3A_444, %get3A_487 : vector<16xf32>
        %swap3A_489 = arith.index_cast %add3A_473 : i32 to index
        %swap3A_490 = arith.constant 16 : index
        %swap3A_491 = tpu.vector_load %arg4[%swap3A_489, %swap3A_490] {strides = array<i32>} : memref<512x64xf32, #tpu.memory_space<vmem>>, vector<1x16xf32>,
        %swap3A_492 = vector.shape_cast %swap3A_491 : vector<1x16xf32> to vector<16xf32>
        %swap3A_493 = vector.shape_cast %add3A_488 : vector<16xf32> to vector<1x16xf32>
        tpu.vector_store %arg4[%swap3A_489, %swap3A_490], %swap3A_493 {strides = array<i32>} : memref<512x64xf32, #tpu.memory_space<vmem>>, vector<1x16xf32>,
        %get3A_494 = arith.index_cast %add3A_473 : i32 to index
        %get3A_495 = arith.constant 32 : index
        %get3A_496 = tpu.vector_load %arg4[%get3A_494, %get3A_495] {strides = array<i32>} : memref<512x64xf32, #tpu.memory_space<vmem>>, vector<1x16xf32>,
        %get3A_497 = vector.shape_cast %get3A_496 : vector<1x16xf32> to vector<16xf32>
        %add3A_498 = arith.addf %add3A_454, %get3A_497 : vector<16xf32>
        %swap3A_499 = arith.index_cast %add3A_473 : i32 to index
        %swap3A_500 = arith.constant 32 : index
        %swap3A_501 = tpu.vector_load %arg4[%swap3A_499, %swap3A_500] {strides = array<i32>} : memref<512x64xf32, #tpu.memory_space<vmem>>, vector<1x16xf32>,
        %swap3A_502 = vector.shape_cast %swap3A_501 : vector<1x16xf32> to vector<16xf32>
        %swap3A_503 = vector.shape_cast %add3A_498 : vector<16xf32> to vector<1x16xf32>
        tpu.vector_store %arg4[%swap3A_499, %swap3A_500], %swap3A_503 {strides = array<i32>} : memref<512x64xf32, #tpu.memory_space<vmem>>, vector<1x16xf32>,
        %get3A_504 = arith.index_cast %add3A_473 : i32 to index
        %get3A_505 = arith.constant 48 : index
        %get3A_506 = tpu.vector_load %arg4[%get3A_504, %get3A_505] {strides = array<i32>} : memref<512x64xf32, #tpu.memory_space<vmem>>, vector<1x16xf32>,
        %get3A_507 = vector.shape_cast %get3A_506 : vector<1x16xf32> to vector<16xf32>
        %add3A_508 = arith.addf %add3A_464, %get3A_507 : vector<16xf32>
        %swap3A_509 = arith.index_cast %add3A_473 : i32 to index
        %swap3A_510 = arith.constant 48 : index
        %swap3A_511 = tpu.vector_load %arg4[%swap3A_509, %swap3A_510] {strides = array<i32>} : memref<512x64xf32, #tpu.memory_space<vmem>>, vector<1x16xf32>,
        %swap3A_512 = vector.shape_cast %swap3A_511 : vector<1x16xf32> to vector<16xf32>
        %swap3A_513 = vector.shape_cast %add3A_508 : vector<16xf32> to vector<1x16xf32>
        tpu.vector_store %arg4[%swap3A_509, %swap3A_510], %swap3A_513 {strides = array<i32>} : memref<512x64xf32, #tpu.memory_space<vmem>>, vector<1x16xf32>,
        scf.yield %add3A_478, %add3A_488, %add3A_498, %add3A_508 : vector<16xf32>, vector<16xf32>, vector<16xf32>, vector<16xf32>
      }
      %scan3A_39 = arith.constant 64 : i32
      %mul3A_40 = arith.constant 4 : i32
      %mul3A_41 = arith.muli %add3A, %mul3A_40 : i32
      %add3A_42 = arith.constant 0 : i32
      %add3A_43 = arith.addi %mul3A_41, %add3A_42 : i32
      %mul3A_44 = arith.constant 512 : i32
      %mul3A_45 = arith.muli %add3A_43, %mul3A_44 : i32
      %dma_start3A_46 = arith.constant 0 : i32
      %dma_start3A_47 = tpu.memref_slice %arg3[%mul3A_45, %dma_start3A_46] : memref<49152x64xf32, #tpu.memory_space<hbm>> -> memref<512x64xf32, #tpu.memory_space<hbm>>
      %dma_start3A_48 = arith.constant 0 : i32
      %dma_start3A_49 = tpu.memref_slice %arg3[%mul3A_45, %dma_start3A_48] : memref<49152x64xf32, #tpu.memory_space<hbm>> -> memref<512x64xf32, #tpu.memory_space<hbm>>
      tpu.enqueue_dma source(%arg4 : memref<512x64xf32, #tpu.memory_space<vmem>>) target(%dma_start3A_49 : memref<512x64xf32, #tpu.memory_space<hbm>>) target_semaphore(%arg8 : memref<!tpu.dma_semaphore, #tpu.memory_space<semaphore_mem>>)
      %dma_wait3A_50 = arith.constant 0 : i32
      %dma_wait3A_51 = tpu.memref_slice %arg3[%mul3A_45, %dma_wait3A_50] : memref<49152x64xf32, #tpu.memory_space<hbm>> -> memref<512x64xf32, #tpu.memory_space<hbm>>
      %dma_wait3A_52 = arith.constant 0 : i32
      %dma_wait3A_53 = tpu.memref_slice %arg3[%mul3A_45, %dma_wait3A_52] : memref<49152x64xf32, #tpu.memory_space<hbm>> -> memref<512x64xf32, #tpu.memory_space<hbm>>
      tpu.wait_dma2 semaphore(%arg8 : memref<!tpu.dma_semaphore, #tpu.memory_space<semaphore_mem>>) src(%arg4 : memref<512x64xf32, #tpu.memory_space<vmem>>) dst(%dma_wait3A_53 : memref<512x64xf32, #tpu.memory_space<hbm>>)
      %dma_start3A_54 = arith.constant 2 : i32
      %dma_start3A_55 = arith.constant 1024 : i32
      %dma_start3A_56 = arith.constant 0 : i32
      %dma_start3A_57 = tpu.memref_slice %arg2[%dma_start3A_54, %add3A, %dma_start3A_55, %dma_start3A_56] : memref<3x24x2048x64xf32, #tpu.memory_space<hbm>> -> memref<1x1x512x64xf32, #tpu.memory_space<hbm>>
      %dma_start3A_58 = tpu.memref_squeeze %dma_start3A_57 : memref<1x1x512x64xf32, #tpu.memory_space<hbm>> -> memref<512x64xf32, #tpu.memory_space<hbm>>
      %dma_start3A_59 = arith.constant 1024 : i32
      %dma_start3A_60 = arith.constant 0 : i32
      %dma_start3A_61 = tpu.memref_slice %arg2[%dma_start3A_54, %add3A, %dma_start3A_59, %dma_start3A_60] : memref<3x24x2048x64xf32, #tpu.memory_space<hbm>> -> memref<1x1x512x64xf32, #tpu.memory_space<hbm>>
      %dma_start3A_62 = tpu.memref_squeeze %dma_start3A_61 : memref<1x1x512x64xf32, #tpu.memory_space<hbm>> -> memref<512x64xf32, #tpu.memory_space<hbm>>
      tpu.enqueue_dma source(%dma_start3A_62 : memref<512x64xf32, #tpu.memory_space<hbm>>) target(%arg4 : memref<512x64xf32, #tpu.memory_space<vmem>>) target_semaphore(%arg6 : memref<!tpu.dma_semaphore, #tpu.memory_space<semaphore_mem>>)
      %dma_wait3A_63 = arith.constant 2 : i32
      %dma_wait3A_64 = arith.constant 512 : i32
      %dma_wait3A_65 = arith.constant 0 : i32
      %dma_wait3A_66 = tpu.memref_slice %arg2[%dma_wait3A_63, %add3A, %dma_wait3A_64, %dma_wait3A_65] : memref<3x24x2048x64xf32, #tpu.memory_space<hbm>> -> memref<1x1x512x64xf32, #tpu.memory_space<hbm>>
      %dma_wait3A_67 = tpu.memref_squeeze %dma_wait3A_66 : memref<1x1x512x64xf32, #tpu.memory_space<hbm>> -> memref<512x64xf32, #tpu.memory_space<hbm>>
      %dma_wait3A_68 = arith.constant 512 : i32
      %dma_wait3A_69 = arith.constant 0 : i32
      %dma_wait3A_70 = tpu.memref_slice %arg2[%dma_wait3A_63, %add3A, %dma_wait3A_68, %dma_wait3A_69] : memref<3x24x2048x64xf32, #tpu.memory_space<hbm>> -> memref<1x1x512x64xf32, #tpu.memory_space<hbm>>
      %dma_wait3A_71 = tpu.memref_squeeze %dma_wait3A_70 : memref<1x1x512x64xf32, #tpu.memory_space<hbm>> -> memref<512x64xf32, #tpu.memory_space<hbm>>
      tpu.wait_dma2 semaphore(%arg7 : memref<!tpu.dma_semaphore, #tpu.memory_space<semaphore_mem>>) src(%dma_wait3A_71 : memref<512x64xf32, #tpu.memory_space<hbm>>) dst(%arg5 : memref<512x64xf32, #tpu.memory_space<vmem>>)
      %scan3A_72 = arith.constant 0 : i32
      %scan3A_73 = arith.constant 64 : i32
      %scan3A_74 = arith.addi %scan3A_72, %scan3A_73 : i32
      %scan3A_75 = arith.constant 1 : i32
      %scan3A_76:4 = scf.for %scan3A_159 = %scan3A_72 to %scan3A_74 step %scan3A_75 iter_args(%scan3A_160 = %scan3A_38#0, %scan3A_161 = %scan3A_38#1, %scan3A_162 = %scan3A_38#2, %scan3A_163 = %scan3A_38#3) -> (vector<16xf32>, vector<16xf32>, vector<16xf32>, vector<16xf32>)  : i32 {
        %mul3A_164 = arith.constant 8 : i32
        %mul3A_165 = arith.muli %scan3A_159, %mul3A_164 : i32
        %add3A_166 = arith.constant 0 : i32
        %add3A_167 = arith.addi %mul3A_165, %add3A_166 : i32
        %get3A = arith.index_cast %add3A_167 : i32 to index
        %get3A_168 = arith.constant 0 : index
        %get3A_169 = tpu.vector_load %arg5[%get3A, %get3A_168] {strides = array<i32>} : memref<512x64xf32, #tpu.memory_space<vmem>>, vector<1x16xf32>,
        %get3A_170 = vector.shape_cast %get3A_169 : vector<1x16xf32> to vector<16xf32>
        %add3A_171 = arith.addf %scan3A_160, %get3A_170 : vector<16xf32>
        %swap3A = arith.index_cast %add3A_167 : i32 to index
        %swap3A_172 = arith.constant 0 : index
        %swap3A_173 = tpu.vector_load %arg5[%swap3A, %swap3A_172] {strides = array<i32>} : memref<512x64xf32, #tpu.memory_space<vmem>>, vector<1x16xf32>,
        %swap3A_174 = vector.shape_cast %swap3A_173 : vector<1x16xf32> to vector<16xf32>
        %swap3A_175 = vector.shape_cast %add3A_171 : vector<16xf32> to vector<1x16xf32>
        tpu.vector_store %arg5[%swap3A, %swap3A_172], %swap3A_175 {strides = array<i32>} : memref<512x64xf32, #tpu.memory_space<vmem>>, vector<1x16xf32>,
        %get3A_176 = arith.index_cast %add3A_167 : i32 to index
        %get3A_177 = arith.constant 16 : index
        %get3A_178 = tpu.vector_load %arg5[%get3A_176, %get3A_177] {strides = array<i32>} : memref<512x64xf32, #tpu.memory_space<vmem>>, vector<1x16xf32>,
        %get3A_179 = vector.shape_cast %get3A_178 : vector<1x16xf32> to vector<16xf32>
        %add3A_180 = arith.addf %scan3A_161, %get3A_179 : vector<16xf32>
        %swap3A_181 = arith.index_cast %add3A_167 : i32 to index
        %swap3A_182 = arith.constant 16 : index
        %swap3A_183 = tpu.vector_load %arg5[%swap3A_181, %swap3A_182] {strides = array<i32>} : memref<512x64xf32, #tpu.memory_space<vmem>>, vector<1x16xf32>,
        %swap3A_184 = vector.shape_cast %swap3A_183 : vector<1x16xf32> to vector<16xf32>
        %swap3A_185 = vector.shape_cast %add3A_180 : vector<16xf32> to vector<1x16xf32>
        tpu.vector_store %arg5[%swap3A_181, %swap3A_182], %swap3A_185 {strides = array<i32>} : memref<512x64xf32, #tpu.memory_space<vmem>>, vector<1x16xf32>,
        %get3A_186 = arith.index_cast %add3A_167 : i32 to index
        %get3A_187 = arith.constant 32 : index
        %get3A_188 = tpu.vector_load %arg5[%get3A_186, %get3A_187] {strides = array<i32>} : memref<512x64xf32, #tpu.memory_space<vmem>>, vector<1x16xf32>,
        %get3A_189 = vector.shape_cast %get3A_188 : vector<1x16xf32> to vector<16xf32>
        %add3A_190 = arith.addf %scan3A_162, %get3A_189 : vector<16xf32>
        %swap3A_191 = arith.index_cast %add3A_167 : i32 to index
        %swap3A_192 = arith.constant 32 : index
        %swap3A_193 = tpu.vector_load %arg5[%swap3A_191, %swap3A_192] {strides = array<i32>} : memref<512x64xf32, #tpu.memory_space<vmem>>, vector<1x16xf32>,
        %swap3A_194 = vector.shape_cast %swap3A_193 : vector<1x16xf32> to vector<16xf32>
        %swap3A_195 = vector.shape_cast %add3A_190 : vector<16xf32> to vector<1x16xf32>
        tpu.vector_store %arg5[%swap3A_191, %swap3A_192], %swap3A_195 {strides = array<i32>} : memref<512x64xf32, #tpu.memory_space<vmem>>, vector<1x16xf32>,
        %get3A_196 = arith.index_cast %add3A_167 : i32 to index
        %get3A_197 = arith.constant 48 : index
        %get3A_198 = tpu.vector_load %arg5[%get3A_196, %get3A_197] {strides = array<i32>} : memref<512x64xf32, #tpu.memory_space<vmem>>, vector<1x16xf32>,
        %get3A_199 = vector.shape_cast %get3A_198 : vector<1x16xf32> to vector<16xf32>
        %add3A_200 = arith.addf %scan3A_163, %get3A_199 : vector<16xf32>
        %swap3A_201 = arith.index_cast %add3A_167 : i32 to index
        %swap3A_202 = arith.constant 48 : index
        %swap3A_203 = tpu.vector_load %arg5[%swap3A_201, %swap3A_202] {strides = array<i32>} : memref<512x64xf32, #tpu.memory_space<vmem>>, vector<1x16xf32>,
        %swap3A_204 = vector.shape_cast %swap3A_203 : vector<1x16xf32> to vector<16xf32>
        %swap3A_205 = vector.shape_cast %add3A_200 : vector<16xf32> to vector<1x16xf32>
        tpu.vector_store %arg5[%swap3A_201, %swap3A_202], %swap3A_205 {strides = array<i32>} : memref<512x64xf32, #tpu.memory_space<vmem>>, vector<1x16xf32>,
        %mul3A_206 = arith.constant 8 : i32
        %mul3A_207 = arith.muli %scan3A_159, %mul3A_206 : i32
        %add3A_208 = arith.constant 1 : i32
        %add3A_209 = arith.addi %mul3A_207, %add3A_208 : i32
        %get3A_210 = arith.index_cast %add3A_209 : i32 to index
        %get3A_211 = arith.constant 0 : index
        %get3A_212 = tpu.vector_load %arg5[%get3A_210, %get3A_211] {strides = array<i32>} : memref<512x64xf32, #tpu.memory_space<vmem>>, vector<1x16xf32>,
        %get3A_213 = vector.shape_cast %get3A_212 : vector<1x16xf32> to vector<16xf32>
        %add3A_214 = arith.addf %add3A_171, %get3A_213 : vector<16xf32>
        %swap3A_215 = arith.index_cast %add3A_209 : i32 to index
        %swap3A_216 = arith.constant 0 : index
        %swap3A_217 = tpu.vector_load %arg5[%swap3A_215, %swap3A_216] {strides = array<i32>} : memref<512x64xf32, #tpu.memory_space<vmem>>, vector<1x16xf32>,
        %swap3A_218 = vector.shape_cast %swap3A_217 : vector<1x16xf32> to vector<16xf32>
        %swap3A_219 = vector.shape_cast %add3A_214 : vector<16xf32> to vector<1x16xf32>
        tpu.vector_store %arg5[%swap3A_215, %swap3A_216], %swap3A_219 {strides = array<i32>} : memref<512x64xf32, #tpu.memory_space<vmem>>, vector<1x16xf32>,
        %get3A_220 = arith.index_cast %add3A_209 : i32 to index
        %get3A_221 = arith.constant 16 : index
        %get3A_222 = tpu.vector_load %arg5[%get3A_220, %get3A_221] {strides = array<i32>} : memref<512x64xf32, #tpu.memory_space<vmem>>, vector<1x16xf32>,
        %get3A_223 = vector.shape_cast %get3A_222 : vector<1x16xf32> to vector<16xf32>
        %add3A_224 = arith.addf %add3A_180, %get3A_223 : vector<16xf32>
        %swap3A_225 = arith.index_cast %add3A_209 : i32 to index
        %swap3A_226 = arith.constant 16 : index
        %swap3A_227 = tpu.vector_load %arg5[%swap3A_225, %swap3A_226] {strides = array<i32>} : memref<512x64xf32, #tpu.memory_space<vmem>>, vector<1x16xf32>,
        %swap3A_228 = vector.shape_cast %swap3A_227 : vector<1x16xf32> to vector<16xf32>
        %swap3A_229 = vector.shape_cast %add3A_224 : vector<16xf32> to vector<1x16xf32>
        tpu.vector_store %arg5[%swap3A_225, %swap3A_226], %swap3A_229 {strides = array<i32>} : memref<512x64xf32, #tpu.memory_space<vmem>>, vector<1x16xf32>,
        %get3A_230 = arith.index_cast %add3A_209 : i32 to index
        %get3A_231 = arith.constant 32 : index
        %get3A_232 = tpu.vector_load %arg5[%get3A_230, %get3A_231] {strides = array<i32>} : memref<512x64xf32, #tpu.memory_space<vmem>>, vector<1x16xf32>,
        %get3A_233 = vector.shape_cast %get3A_232 : vector<1x16xf32> to vector<16xf32>
        %add3A_234 = arith.addf %add3A_190, %get3A_233 : vector<16xf32>
        %swap3A_235 = arith.index_cast %add3A_209 : i32 to index
        %swap3A_236 = arith.constant 32 : index
        %swap3A_237 = tpu.vector_load %arg5[%swap3A_235, %swap3A_236] {strides = array<i32>} : memref<512x64xf32, #tpu.memory_space<vmem>>, vector<1x16xf32>,
        %swap3A_238 = vector.shape_cast %swap3A_237 : vector<1x16xf32> to vector<16xf32>
        %swap3A_239 = vector.shape_cast %add3A_234 : vector<16xf32> to vector<1x16xf32>
        tpu.vector_store %arg5[%swap3A_235, %swap3A_236], %swap3A_239 {strides = array<i32>} : memref<512x64xf32, #tpu.memory_space<vmem>>, vector<1x16xf32>,
        %get3A_240 = arith.index_cast %add3A_209 : i32 to index
        %get3A_241 = arith.constant 48 : index
        %get3A_242 = tpu.vector_load %arg5[%get3A_240, %get3A_241] {strides = array<i32>} : memref<512x64xf32, #tpu.memory_space<vmem>>, vector<1x16xf32>,
        %get3A_243 = vector.shape_cast %get3A_242 : vector<1x16xf32> to vector<16xf32>
        %add3A_244 = arith.addf %add3A_200, %get3A_243 : vector<16xf32>
        %swap3A_245 = arith.index_cast %add3A_209 : i32 to index
        %swap3A_246 = arith.constant 48 : index
        %swap3A_247 = tpu.vector_load %arg5[%swap3A_245, %swap3A_246] {strides = array<i32>} : memref<512x64xf32, #tpu.memory_space<vmem>>, vector<1x16xf32>,
        %swap3A_248 = vector.shape_cast %swap3A_247 : vector<1x16xf32> to vector<16xf32>
        %swap3A_249 = vector.shape_cast %add3A_244 : vector<16xf32> to vector<1x16xf32>
        tpu.vector_store %arg5[%swap3A_245, %swap3A_246], %swap3A_249 {strides = array<i32>} : memref<512x64xf32, #tpu.memory_space<vmem>>, vector<1x16xf32>,
        %mul3A_250 = arith.constant 8 : i32
        %mul3A_251 = arith.muli %scan3A_159, %mul3A_250 : i32
        %add3A_252 = arith.constant 2 : i32
        %add3A_253 = arith.addi %mul3A_251, %add3A_252 : i32
        %get3A_254 = arith.index_cast %add3A_253 : i32 to index
        %get3A_255 = arith.constant 0 : index
        %get3A_256 = tpu.vector_load %arg5[%get3A_254, %get3A_255] {strides = array<i32>} : memref<512x64xf32, #tpu.memory_space<vmem>>, vector<1x16xf32>,
        %get3A_257 = vector.shape_cast %get3A_256 : vector<1x16xf32> to vector<16xf32>
        %add3A_258 = arith.addf %add3A_214, %get3A_257 : vector<16xf32>
        %swap3A_259 = arith.index_cast %add3A_253 : i32 to index
        %swap3A_260 = arith.constant 0 : index
        %swap3A_261 = tpu.vector_load %arg5[%swap3A_259, %swap3A_260] {strides = array<i32>} : memref<512x64xf32, #tpu.memory_space<vmem>>, vector<1x16xf32>,
        %swap3A_262 = vector.shape_cast %swap3A_261 : vector<1x16xf32> to vector<16xf32>
        %swap3A_263 = vector.shape_cast %add3A_258 : vector<16xf32> to vector<1x16xf32>
        tpu.vector_store %arg5[%swap3A_259, %swap3A_260], %swap3A_263 {strides = array<i32>} : memref<512x64xf32, #tpu.memory_space<vmem>>, vector<1x16xf32>,
        %get3A_264 = arith.index_cast %add3A_253 : i32 to index
        %get3A_265 = arith.constant 16 : index
        %get3A_266 = tpu.vector_load %arg5[%get3A_264, %get3A_265] {strides = array<i32>} : memref<512x64xf32, #tpu.memory_space<vmem>>, vector<1x16xf32>,
        %get3A_267 = vector.shape_cast %get3A_266 : vector<1x16xf32> to vector<16xf32>
        %add3A_268 = arith.addf %add3A_224, %get3A_267 : vector<16xf32>
        %swap3A_269 = arith.index_cast %add3A_253 : i32 to index
        %swap3A_270 = arith.constant 16 : index
        %swap3A_271 = tpu.vector_load %arg5[%swap3A_269, %swap3A_270] {strides = array<i32>} : memref<512x64xf32, #tpu.memory_space<vmem>>, vector<1x16xf32>,
        %swap3A_272 = vector.shape_cast %swap3A_271 : vector<1x16xf32> to vector<16xf32>
        %swap3A_273 = vector.shape_cast %add3A_268 : vector<16xf32> to vector<1x16xf32>
        tpu.vector_store %arg5[%swap3A_269, %swap3A_270], %swap3A_273 {strides = array<i32>} : memref<512x64xf32, #tpu.memory_space<vmem>>, vector<1x16xf32>,
        %get3A_274 = arith.index_cast %add3A_253 : i32 to index
        %get3A_275 = arith.constant 32 : index
        %get3A_276 = tpu.vector_load %arg5[%get3A_274, %get3A_275] {strides = array<i32>} : memref<512x64xf32, #tpu.memory_space<vmem>>, vector<1x16xf32>,
        %get3A_277 = vector.shape_cast %get3A_276 : vector<1x16xf32> to vector<16xf32>
        %add3A_278 = arith.addf %add3A_234, %get3A_277 : vector<16xf32>
        %swap3A_279 = arith.index_cast %add3A_253 : i32 to index
        %swap3A_280 = arith.constant 32 : index
        %swap3A_281 = tpu.vector_load %arg5[%swap3A_279, %swap3A_280] {strides = array<i32>} : memref<512x64xf32, #tpu.memory_space<vmem>>, vector<1x16xf32>,
        %swap3A_282 = vector.shape_cast %swap3A_281 : vector<1x16xf32> to vector<16xf32>
        %swap3A_283 = vector.shape_cast %add3A_278 : vector<16xf32> to vector<1x16xf32>
        tpu.vector_store %arg5[%swap3A_279, %swap3A_280], %swap3A_283 {strides = array<i32>} : memref<512x64xf32, #tpu.memory_space<vmem>>, vector<1x16xf32>,
        %get3A_284 = arith.index_cast %add3A_253 : i32 to index
        %get3A_285 = arith.constant 48 : index
        %get3A_286 = tpu.vector_load %arg5[%get3A_284, %get3A_285] {strides = array<i32>} : memref<512x64xf32, #tpu.memory_space<vmem>>, vector<1x16xf32>,
        %get3A_287 = vector.shape_cast %get3A_286 : vector<1x16xf32> to vector<16xf32>
        %add3A_288 = arith.addf %add3A_244, %get3A_287 : vector<16xf32>
        %swap3A_289 = arith.index_cast %add3A_253 : i32 to index
        %swap3A_290 = arith.constant 48 : index
        %swap3A_291 = tpu.vector_load %arg5[%swap3A_289, %swap3A_290] {strides = array<i32>} : memref<512x64xf32, #tpu.memory_space<vmem>>, vector<1x16xf32>,
        %swap3A_292 = vector.shape_cast %swap3A_291 : vector<1x16xf32> to vector<16xf32>
        %swap3A_293 = vector.shape_cast %add3A_288 : vector<16xf32> to vector<1x16xf32>
        tpu.vector_store %arg5[%swap3A_289, %swap3A_290], %swap3A_293 {strides = array<i32>} : memref<512x64xf32, #tpu.memory_space<vmem>>, vector<1x16xf32>,
        %mul3A_294 = arith.constant 8 : i32
        %mul3A_295 = arith.muli %scan3A_159, %mul3A_294 : i32
        %add3A_296 = arith.constant 3 : i32
        %add3A_297 = arith.addi %mul3A_295, %add3A_296 : i32
        %get3A_298 = arith.index_cast %add3A_297 : i32 to index
        %get3A_299 = arith.constant 0 : index
        %get3A_300 = tpu.vector_load %arg5[%get3A_298, %get3A_299] {strides = array<i32>} : memref<512x64xf32, #tpu.memory_space<vmem>>, vector<1x16xf32>,
        %get3A_301 = vector.shape_cast %get3A_300 : vector<1x16xf32> to vector<16xf32>
        %add3A_302 = arith.addf %add3A_258, %get3A_301 : vector<16xf32>
        %swap3A_303 = arith.index_cast %add3A_297 : i32 to index
        %swap3A_304 = arith.constant 0 : index
        %swap3A_305 = tpu.vector_load %arg5[%swap3A_303, %swap3A_304] {strides = array<i32>} : memref<512x64xf32, #tpu.memory_space<vmem>>, vector<1x16xf32>,
        %swap3A_306 = vector.shape_cast %swap3A_305 : vector<1x16xf32> to vector<16xf32>
        %swap3A_307 = vector.shape_cast %add3A_302 : vector<16xf32> to vector<1x16xf32>
        tpu.vector_store %arg5[%swap3A_303, %swap3A_304], %swap3A_307 {strides = array<i32>} : memref<512x64xf32, #tpu.memory_space<vmem>>, vector<1x16xf32>,
        %get3A_308 = arith.index_cast %add3A_297 : i32 to index
        %get3A_309 = arith.constant 16 : index
        %get3A_310 = tpu.vector_load %arg5[%get3A_308, %get3A_309] {strides = array<i32>} : memref<512x64xf32, #tpu.memory_space<vmem>>, vector<1x16xf32>,
        %get3A_311 = vector.shape_cast %get3A_310 : vector<1x16xf32> to vector<16xf32>
        %add3A_312 = arith.addf %add3A_268, %get3A_311 : vector<16xf32>
        %swap3A_313 = arith.index_cast %add3A_297 : i32 to index
        %swap3A_314 = arith.constant 16 : index
        %swap3A_315 = tpu.vector_load %arg5[%swap3A_313, %swap3A_314] {strides = array<i32>} : memref<512x64xf32, #tpu.memory_space<vmem>>, vector<1x16xf32>,
        %swap3A_316 = vector.shape_cast %swap3A_315 : vector<1x16xf32> to vector<16xf32>
        %swap3A_317 = vector.shape_cast %add3A_312 : vector<16xf32> to vector<1x16xf32>
        tpu.vector_store %arg5[%swap3A_313, %swap3A_314], %swap3A_317 {strides = array<i32>} : memref<512x64xf32, #tpu.memory_space<vmem>>, vector<1x16xf32>,
        %get3A_318 = arith.index_cast %add3A_297 : i32 to index
        %get3A_319 = arith.constant 32 : index
        %get3A_320 = tpu.vector_load %arg5[%get3A_318, %get3A_319] {strides = array<i32>} : memref<512x64xf32, #tpu.memory_space<vmem>>, vector<1x16xf32>,
        %get3A_321 = vector.shape_cast %get3A_320 : vector<1x16xf32> to vector<16xf32>
        %add3A_322 = arith.addf %add3A_278, %get3A_321 : vector<16xf32>
        %swap3A_323 = arith.index_cast %add3A_297 : i32 to index
        %swap3A_324 = arith.constant 32 : index
        %swap3A_325 = tpu.vector_load %arg5[%swap3A_323, %swap3A_324] {strides = array<i32>} : memref<512x64xf32, #tpu.memory_space<vmem>>, vector<1x16xf32>,
        %swap3A_326 = vector.shape_cast %swap3A_325 : vector<1x16xf32> to vector<16xf32>
        %swap3A_327 = vector.shape_cast %add3A_322 : vector<16xf32> to vector<1x16xf32>
        tpu.vector_store %arg5[%swap3A_323, %swap3A_324], %swap3A_327 {strides = array<i32>} : memref<512x64xf32, #tpu.memory_space<vmem>>, vector<1x16xf32>,
        %get3A_328 = arith.index_cast %add3A_297 : i32 to index
        %get3A_329 = arith.constant 48 : index
        %get3A_330 = tpu.vector_load %arg5[%get3A_328, %get3A_329] {strides = array<i32>} : memref<512x64xf32, #tpu.memory_space<vmem>>, vector<1x16xf32>,
        %get3A_331 = vector.shape_cast %get3A_330 : vector<1x16xf32> to vector<16xf32>
        %add3A_332 = arith.addf %add3A_288, %get3A_331 : vector<16xf32>
        %swap3A_333 = arith.index_cast %add3A_297 : i32 to index
        %swap3A_334 = arith.constant 48 : index
        %swap3A_335 = tpu.vector_load %arg5[%swap3A_333, %swap3A_334] {strides = array<i32>} : memref<512x64xf32, #tpu.memory_space<vmem>>, vector<1x16xf32>,
        %swap3A_336 = vector.shape_cast %swap3A_335 : vector<1x16xf32> to vector<16xf32>
        %swap3A_337 = vector.shape_cast %add3A_332 : vector<16xf32> to vector<1x16xf32>
        tpu.vector_store %arg5[%swap3A_333, %swap3A_334], %swap3A_337 {strides = array<i32>} : memref<512x64xf32, #tpu.memory_space<vmem>>, vector<1x16xf32>,
        %mul3A_338 = arith.constant 8 : i32
        %mul3A_339 = arith.muli %scan3A_159, %mul3A_338 : i32
        %add3A_340 = arith.constant 4 : i32
        %add3A_341 = arith.addi %mul3A_339, %add3A_340 : i32
        %get3A_342 = arith.index_cast %add3A_341 : i32 to index
        %get3A_343 = arith.constant 0 : index
        %get3A_344 = tpu.vector_load %arg5[%get3A_342, %get3A_343] {strides = array<i32>} : memref<512x64xf32, #tpu.memory_space<vmem>>, vector<1x16xf32>,
        %get3A_345 = vector.shape_cast %get3A_344 : vector<1x16xf32> to vector<16xf32>
        %add3A_346 = arith.addf %add3A_302, %get3A_345 : vector<16xf32>
        %swap3A_347 = arith.index_cast %add3A_341 : i32 to index
        %swap3A_348 = arith.constant 0 : index
        %swap3A_349 = tpu.vector_load %arg5[%swap3A_347, %swap3A_348] {strides = array<i32>} : memref<512x64xf32, #tpu.memory_space<vmem>>, vector<1x16xf32>,
        %swap3A_350 = vector.shape_cast %swap3A_349 : vector<1x16xf32> to vector<16xf32>
        %swap3A_351 = vector.shape_cast %add3A_346 : vector<16xf32> to vector<1x16xf32>
        tpu.vector_store %arg5[%swap3A_347, %swap3A_348], %swap3A_351 {strides = array<i32>} : memref<512x64xf32, #tpu.memory_space<vmem>>, vector<1x16xf32>,
        %get3A_352 = arith.index_cast %add3A_341 : i32 to index
        %get3A_353 = arith.constant 16 : index
        %get3A_354 = tpu.vector_load %arg5[%get3A_352, %get3A_353] {strides = array<i32>} : memref<512x64xf32, #tpu.memory_space<vmem>>, vector<1x16xf32>,
        %get3A_355 = vector.shape_cast %get3A_354 : vector<1x16xf32> to vector<16xf32>
        %add3A_356 = arith.addf %add3A_312, %get3A_355 : vector<16xf32>
        %swap3A_357 = arith.index_cast %add3A_341 : i32 to index
        %swap3A_358 = arith.constant 16 : index
        %swap3A_359 = tpu.vector_load %arg5[%swap3A_357, %swap3A_358] {strides = array<i32>} : memref<512x64xf32, #tpu.memory_space<vmem>>, vector<1x16xf32>,
        %swap3A_360 = vector.shape_cast %swap3A_359 : vector<1x16xf32> to vector<16xf32>
        %swap3A_361 = vector.shape_cast %add3A_356 : vector<16xf32> to vector<1x16xf32>
        tpu.vector_store %arg5[%swap3A_357, %swap3A_358], %swap3A_361 {strides = array<i32>} : memref<512x64xf32, #tpu.memory_space<vmem>>, vector<1x16xf32>,
        %get3A_362 = arith.index_cast %add3A_341 : i32 to index
        %get3A_363 = arith.constant 32 : index
        %get3A_364 = tpu.vector_load %arg5[%get3A_362, %get3A_363] {strides = array<i32>} : memref<512x64xf32, #tpu.memory_space<vmem>>, vector<1x16xf32>,
        %get3A_365 = vector.shape_cast %get3A_364 : vector<1x16xf32> to vector<16xf32>
        %add3A_366 = arith.addf %add3A_322, %get3A_365 : vector<16xf32>
        %swap3A_367 = arith.index_cast %add3A_341 : i32 to index
        %swap3A_368 = arith.constant 32 : index
        %swap3A_369 = tpu.vector_load %arg5[%swap3A_367, %swap3A_368] {strides = array<i32>} : memref<512x64xf32, #tpu.memory_space<vmem>>, vector<1x16xf32>,
        %swap3A_370 = vector.shape_cast %swap3A_369 : vector<1x16xf32> to vector<16xf32>
        %swap3A_371 = vector.shape_cast %add3A_366 : vector<16xf32> to vector<1x16xf32>
        tpu.vector_store %arg5[%swap3A_367, %swap3A_368], %swap3A_371 {strides = array<i32>} : memref<512x64xf32, #tpu.memory_space<vmem>>, vector<1x16xf32>,
        %get3A_372 = arith.index_cast %add3A_341 : i32 to index
        %get3A_373 = arith.constant 48 : index
        %get3A_374 = tpu.vector_load %arg5[%get3A_372, %get3A_373] {strides = array<i32>} : memref<512x64xf32, #tpu.memory_space<vmem>>, vector<1x16xf32>,
        %get3A_375 = vector.shape_cast %get3A_374 : vector<1x16xf32> to vector<16xf32>
        %add3A_376 = arith.addf %add3A_332, %get3A_375 : vector<16xf32>
        %swap3A_377 = arith.index_cast %add3A_341 : i32 to index
        %swap3A_378 = arith.constant 48 : index
        %swap3A_379 = tpu.vector_load %arg5[%swap3A_377, %swap3A_378] {strides = array<i32>} : memref<512x64xf32, #tpu.memory_space<vmem>>, vector<1x16xf32>,
        %swap3A_380 = vector.shape_cast %swap3A_379 : vector<1x16xf32> to vector<16xf32>
        %swap3A_381 = vector.shape_cast %add3A_376 : vector<16xf32> to vector<1x16xf32>
        tpu.vector_store %arg5[%swap3A_377, %swap3A_378], %swap3A_381 {strides = array<i32>} : memref<512x64xf32, #tpu.memory_space<vmem>>, vector<1x16xf32>,
        %mul3A_382 = arith.constant 8 : i32
        %mul3A_383 = arith.muli %scan3A_159, %mul3A_382 : i32
        %add3A_384 = arith.constant 5 : i32
        %add3A_385 = arith.addi %mul3A_383, %add3A_384 : i32
        %get3A_386 = arith.index_cast %add3A_385 : i32 to index
        %get3A_387 = arith.constant 0 : index
        %get3A_388 = tpu.vector_load %arg5[%get3A_386, %get3A_387] {strides = array<i32>} : memref<512x64xf32, #tpu.memory_space<vmem>>, vector<1x16xf32>,
        %get3A_389 = vector.shape_cast %get3A_388 : vector<1x16xf32> to vector<16xf32>
        %add3A_390 = arith.addf %add3A_346, %get3A_389 : vector<16xf32>
        %swap3A_391 = arith.index_cast %add3A_385 : i32 to index
        %swap3A_392 = arith.constant 0 : index
        %swap3A_393 = tpu.vector_load %arg5[%swap3A_391, %swap3A_392] {strides = array<i32>} : memref<512x64xf32, #tpu.memory_space<vmem>>, vector<1x16xf32>,
        %swap3A_394 = vector.shape_cast %swap3A_393 : vector<1x16xf32> to vector<16xf32>
        %swap3A_395 = vector.shape_cast %add3A_390 : vector<16xf32> to vector<1x16xf32>
        tpu.vector_store %arg5[%swap3A_391, %swap3A_392], %swap3A_395 {strides = array<i32>} : memref<512x64xf32, #tpu.memory_space<vmem>>, vector<1x16xf32>,
        %get3A_396 = arith.index_cast %add3A_385 : i32 to index
        %get3A_397 = arith.constant 16 : index
        %get3A_398 = tpu.vector_load %arg5[%get3A_396, %get3A_397] {strides = array<i32>} : memref<512x64xf32, #tpu.memory_space<vmem>>, vector<1x16xf32>,
        %get3A_399 = vector.shape_cast %get3A_398 : vector<1x16xf32> to vector<16xf32>
        %add3A_400 = arith.addf %add3A_356, %get3A_399 : vector<16xf32>
        %swap3A_401 = arith.index_cast %add3A_385 : i32 to index
        %swap3A_402 = arith.constant 16 : index
        %swap3A_403 = tpu.vector_load %arg5[%swap3A_401, %swap3A_402] {strides = array<i32>} : memref<512x64xf32, #tpu.memory_space<vmem>>, vector<1x16xf32>,
        %swap3A_404 = vector.shape_cast %swap3A_403 : vector<1x16xf32> to vector<16xf32>
        %swap3A_405 = vector.shape_cast %add3A_400 : vector<16xf32> to vector<1x16xf32>
        tpu.vector_store %arg5[%swap3A_401, %swap3A_402], %swap3A_405 {strides = array<i32>} : memref<512x64xf32, #tpu.memory_space<vmem>>, vector<1x16xf32>,
        %get3A_406 = arith.index_cast %add3A_385 : i32 to index
        %get3A_407 = arith.constant 32 : index
        %get3A_408 = tpu.vector_load %arg5[%get3A_406, %get3A_407] {strides = array<i32>} : memref<512x64xf32, #tpu.memory_space<vmem>>, vector<1x16xf32>,
        %get3A_409 = vector.shape_cast %get3A_408 : vector<1x16xf32> to vector<16xf32>
        %add3A_410 = arith.addf %add3A_366, %get3A_409 : vector<16xf32>
        %swap3A_411 = arith.index_cast %add3A_385 : i32 to index
        %swap3A_412 = arith.constant 32 : index
        %swap3A_413 = tpu.vector_load %arg5[%swap3A_411, %swap3A_412] {strides = array<i32>} : memref<512x64xf32, #tpu.memory_space<vmem>>, vector<1x16xf32>,
        %swap3A_414 = vector.shape_cast %swap3A_413 : vector<1x16xf32> to vector<16xf32>
        %swap3A_415 = vector.shape_cast %add3A_410 : vector<16xf32> to vector<1x16xf32>
        tpu.vector_store %arg5[%swap3A_411, %swap3A_412], %swap3A_415 {strides = array<i32>} : memref<512x64xf32, #tpu.memory_space<vmem>>, vector<1x16xf32>,
        %get3A_416 = arith.index_cast %add3A_385 : i32 to index
        %get3A_417 = arith.constant 48 : index
        %get3A_418 = tpu.vector_load %arg5[%get3A_416, %get3A_417] {strides = array<i32>} : memref<512x64xf32, #tpu.memory_space<vmem>>, vector<1x16xf32>,
        %get3A_419 = vector.shape_cast %get3A_418 : vector<1x16xf32> to vector<16xf32>
        %add3A_420 = arith.addf %add3A_376, %get3A_419 : vector<16xf32>
        %swap3A_421 = arith.index_cast %add3A_385 : i32 to index
        %swap3A_422 = arith.constant 48 : index
        %swap3A_423 = tpu.vector_load %arg5[%swap3A_421, %swap3A_422] {strides = array<i32>} : memref<512x64xf32, #tpu.memory_space<vmem>>, vector<1x16xf32>,
        %swap3A_424 = vector.shape_cast %swap3A_423 : vector<1x16xf32> to vector<16xf32>
        %swap3A_425 = vector.shape_cast %add3A_420 : vector<16xf32> to vector<1x16xf32>
        tpu.vector_store %arg5[%swap3A_421, %swap3A_422], %swap3A_425 {strides = array<i32>} : memref<512x64xf32, #tpu.memory_space<vmem>>, vector<1x16xf32>,
        %mul3A_426 = arith.constant 8 : i32
        %mul3A_427 = arith.muli %scan3A_159, %mul3A_426 : i32
        %add3A_428 = arith.constant 6 : i32
        %add3A_429 = arith.addi %mul3A_427, %add3A_428 : i32
        %get3A_430 = arith.index_cast %add3A_429 : i32 to index
        %get3A_431 = arith.constant 0 : index
        %get3A_432 = tpu.vector_load %arg5[%get3A_430, %get3A_431] {strides = array<i32>} : memref<512x64xf32, #tpu.memory_space<vmem>>, vector<1x16xf32>,
        %get3A_433 = vector.shape_cast %get3A_432 : vector<1x16xf32> to vector<16xf32>
        %add3A_434 = arith.addf %add3A_390, %get3A_433 : vector<16xf32>
        %swap3A_435 = arith.index_cast %add3A_429 : i32 to index
        %swap3A_436 = arith.constant 0 : index
        %swap3A_437 = tpu.vector_load %arg5[%swap3A_435, %swap3A_436] {strides = array<i32>} : memref<512x64xf32, #tpu.memory_space<vmem>>, vector<1x16xf32>,
        %swap3A_438 = vector.shape_cast %swap3A_437 : vector<1x16xf32> to vector<16xf32>
        %swap3A_439 = vector.shape_cast %add3A_434 : vector<16xf32> to vector<1x16xf32>
        tpu.vector_store %arg5[%swap3A_435, %swap3A_436], %swap3A_439 {strides = array<i32>} : memref<512x64xf32, #tpu.memory_space<vmem>>, vector<1x16xf32>,
        %get3A_440 = arith.index_cast %add3A_429 : i32 to index
        %get3A_441 = arith.constant 16 : index
        %get3A_442 = tpu.vector_load %arg5[%get3A_440, %get3A_441] {strides = array<i32>} : memref<512x64xf32, #tpu.memory_space<vmem>>, vector<1x16xf32>,
        %get3A_443 = vector.shape_cast %get3A_442 : vector<1x16xf32> to vector<16xf32>
        %add3A_444 = arith.addf %add3A_400, %get3A_443 : vector<16xf32>
        %swap3A_445 = arith.index_cast %add3A_429 : i32 to index
        %swap3A_446 = arith.constant 16 : index
        %swap3A_447 = tpu.vector_load %arg5[%swap3A_445, %swap3A_446] {strides = array<i32>} : memref<512x64xf32, #tpu.memory_space<vmem>>, vector<1x16xf32>,
        %swap3A_448 = vector.shape_cast %swap3A_447 : vector<1x16xf32> to vector<16xf32>
        %swap3A_449 = vector.shape_cast %add3A_444 : vector<16xf32> to vector<1x16xf32>
        tpu.vector_store %arg5[%swap3A_445, %swap3A_446], %swap3A_449 {strides = array<i32>} : memref<512x64xf32, #tpu.memory_space<vmem>>, vector<1x16xf32>,
        %get3A_450 = arith.index_cast %add3A_429 : i32 to index
        %get3A_451 = arith.constant 32 : index
        %get3A_452 = tpu.vector_load %arg5[%get3A_450, %get3A_451] {strides = array<i32>} : memref<512x64xf32, #tpu.memory_space<vmem>>, vector<1x16xf32>,
        %get3A_453 = vector.shape_cast %get3A_452 : vector<1x16xf32> to vector<16xf32>
        %add3A_454 = arith.addf %add3A_410, %get3A_453 : vector<16xf32>
        %swap3A_455 = arith.index_cast %add3A_429 : i32 to index
        %swap3A_456 = arith.constant 32 : index
        %swap3A_457 = tpu.vector_load %arg5[%swap3A_455, %swap3A_456] {strides = array<i32>} : memref<512x64xf32, #tpu.memory_space<vmem>>, vector<1x16xf32>,
        %swap3A_458 = vector.shape_cast %swap3A_457 : vector<1x16xf32> to vector<16xf32>
        %swap3A_459 = vector.shape_cast %add3A_454 : vector<16xf32> to vector<1x16xf32>
        tpu.vector_store %arg5[%swap3A_455, %swap3A_456], %swap3A_459 {strides = array<i32>} : memref<512x64xf32, #tpu.memory_space<vmem>>, vector<1x16xf32>,
        %get3A_460 = arith.index_cast %add3A_429 : i32 to index
        %get3A_461 = arith.constant 48 : index
        %get3A_462 = tpu.vector_load %arg5[%get3A_460, %get3A_461] {strides = array<i32>} : memref<512x64xf32, #tpu.memory_space<vmem>>, vector<1x16xf32>,
        %get3A_463 = vector.shape_cast %get3A_462 : vector<1x16xf32> to vector<16xf32>
        %add3A_464 = arith.addf %add3A_420, %get3A_463 : vector<16xf32>
        %swap3A_465 = arith.index_cast %add3A_429 : i32 to index
        %swap3A_466 = arith.constant 48 : index
        %swap3A_467 = tpu.vector_load %arg5[%swap3A_465, %swap3A_466] {strides = array<i32>} : memref<512x64xf32, #tpu.memory_space<vmem>>, vector<1x16xf32>,
        %swap3A_468 = vector.shape_cast %swap3A_467 : vector<1x16xf32> to vector<16xf32>
        %swap3A_469 = vector.shape_cast %add3A_464 : vector<16xf32> to vector<1x16xf32>
        tpu.vector_store %arg5[%swap3A_465, %swap3A_466], %swap3A_469 {strides = array<i32>} : memref<512x64xf32, #tpu.memory_space<vmem>>, vector<1x16xf32>,
        %mul3A_470 = arith.constant 8 : i32
        %mul3A_471 = arith.muli %scan3A_159, %mul3A_470 : i32
        %add3A_472 = arith.constant 7 : i32
        %add3A_473 = arith.addi %mul3A_471, %add3A_472 : i32
        %get3A_474 = arith.index_cast %add3A_473 : i32 to index
        %get3A_475 = arith.constant 0 : index
        %get3A_476 = tpu.vector_load %arg5[%get3A_474, %get3A_475] {strides = array<i32>} : memref<512x64xf32, #tpu.memory_space<vmem>>, vector<1x16xf32>,
        %get3A_477 = vector.shape_cast %get3A_476 : vector<1x16xf32> to vector<16xf32>
        %add3A_478 = arith.addf %add3A_434, %get3A_477 : vector<16xf32>
        %swap3A_479 = arith.index_cast %add3A_473 : i32 to index
        %swap3A_480 = arith.constant 0 : index
        %swap3A_481 = tpu.vector_load %arg5[%swap3A_479, %swap3A_480] {strides = array<i32>} : memref<512x64xf32, #tpu.memory_space<vmem>>, vector<1x16xf32>,
        %swap3A_482 = vector.shape_cast %swap3A_481 : vector<1x16xf32> to vector<16xf32>
        %swap3A_483 = vector.shape_cast %add3A_478 : vector<16xf32> to vector<1x16xf32>
        tpu.vector_store %arg5[%swap3A_479, %swap3A_480], %swap3A_483 {strides = array<i32>} : memref<512x64xf32, #tpu.memory_space<vmem>>, vector<1x16xf32>,
        %get3A_484 = arith.index_cast %add3A_473 : i32 to index
        %get3A_485 = arith.constant 16 : index
        %get3A_486 = tpu.vector_load %arg5[%get3A_484, %get3A_485] {strides = array<i32>} : memref<512x64xf32, #tpu.memory_space<vmem>>, vector<1x16xf32>,
        %get3A_487 = vector.shape_cast %get3A_486 : vector<1x16xf32> to vector<16xf32>
        %add3A_488 = arith.addf %add3A_444, %get3A_487 : vector<16xf32>
        %swap3A_489 = arith.index_cast %add3A_473 : i32 to index
        %swap3A_490 = arith.constant 16 : index
        %swap3A_491 = tpu.vector_load %arg5[%swap3A_489, %swap3A_490] {strides = array<i32>} : memref<512x64xf32, #tpu.memory_space<vmem>>, vector<1x16xf32>,
        %swap3A_492 = vector.shape_cast %swap3A_491 : vector<1x16xf32> to vector<16xf32>
        %swap3A_493 = vector.shape_cast %add3A_488 : vector<16xf32> to vector<1x16xf32>
        tpu.vector_store %arg5[%swap3A_489, %swap3A_490], %swap3A_493 {strides = array<i32>} : memref<512x64xf32, #tpu.memory_space<vmem>>, vector<1x16xf32>,
        %get3A_494 = arith.index_cast %add3A_473 : i32 to index
        %get3A_495 = arith.constant 32 : index
        %get3A_496 = tpu.vector_load %arg5[%get3A_494, %get3A_495] {strides = array<i32>} : memref<512x64xf32, #tpu.memory_space<vmem>>, vector<1x16xf32>,
        %get3A_497 = vector.shape_cast %get3A_496 : vector<1x16xf32> to vector<16xf32>
        %add3A_498 = arith.addf %add3A_454, %get3A_497 : vector<16xf32>
        %swap3A_499 = arith.index_cast %add3A_473 : i32 to index
        %swap3A_500 = arith.constant 32 : index
        %swap3A_501 = tpu.vector_load %arg5[%swap3A_499, %swap3A_500] {strides = array<i32>} : memref<512x64xf32, #tpu.memory_space<vmem>>, vector<1x16xf32>,
        %swap3A_502 = vector.shape_cast %swap3A_501 : vector<1x16xf32> to vector<16xf32>
        %swap3A_503 = vector.shape_cast %add3A_498 : vector<16xf32> to vector<1x16xf32>
        tpu.vector_store %arg5[%swap3A_499, %swap3A_500], %swap3A_503 {strides = array<i32>} : memref<512x64xf32, #tpu.memory_space<vmem>>, vector<1x16xf32>,
        %get3A_504 = arith.index_cast %add3A_473 : i32 to index
        %get3A_505 = arith.constant 48 : index
        %get3A_506 = tpu.vector_load %arg5[%get3A_504, %get3A_505] {strides = array<i32>} : memref<512x64xf32, #tpu.memory_space<vmem>>, vector<1x16xf32>,
        %get3A_507 = vector.shape_cast %get3A_506 : vector<1x16xf32> to vector<16xf32>
        %add3A_508 = arith.addf %add3A_464, %get3A_507 : vector<16xf32>
        %swap3A_509 = arith.index_cast %add3A_473 : i32 to index
        %swap3A_510 = arith.constant 48 : index
        %swap3A_511 = tpu.vector_load %arg5[%swap3A_509, %swap3A_510] {strides = array<i32>} : memref<512x64xf32, #tpu.memory_space<vmem>>, vector<1x16xf32>,
        %swap3A_512 = vector.shape_cast %swap3A_511 : vector<1x16xf32> to vector<16xf32>
        %swap3A_513 = vector.shape_cast %add3A_508 : vector<16xf32> to vector<1x16xf32>
        tpu.vector_store %arg5[%swap3A_509, %swap3A_510], %swap3A_513 {strides = array<i32>} : memref<512x64xf32, #tpu.memory_space<vmem>>, vector<1x16xf32>,
        scf.yield %add3A_478, %add3A_488, %add3A_498, %add3A_508 : vector<16xf32>, vector<16xf32>, vector<16xf32>, vector<16xf32>
      }
      %scan3A_77 = arith.constant 64 : i32
      %mul3A_78 = arith.constant 4 : i32
      %mul3A_79 = arith.muli %add3A, %mul3A_78 : i32
      %add3A_80 = arith.constant 1 : i32
      %add3A_81 = arith.addi %mul3A_79, %add3A_80 : i32
      %mul3A_82 = arith.constant 512 : i32
      %mul3A_83 = arith.muli %add3A_81, %mul3A_82 : i32
      %dma_start3A_84 = arith.constant 0 : i32
      %dma_start3A_85 = tpu.memref_slice %arg3[%mul3A_83, %dma_start3A_84] : memref<49152x64xf32, #tpu.memory_space<hbm>> -> memref<512x64xf32, #tpu.memory_space<hbm>>
      %dma_start3A_86 = arith.constant 0 : i32
      %dma_start3A_87 = tpu.memref_slice %arg3[%mul3A_83, %dma_start3A_86] : memref<49152x64xf32, #tpu.memory_space<hbm>> -> memref<512x64xf32, #tpu.memory_space<hbm>>
      tpu.enqueue_dma source(%arg5 : memref<512x64xf32, #tpu.memory_space<vmem>>) target(%dma_start3A_87 : memref<512x64xf32, #tpu.memory_space<hbm>>) target_semaphore(%arg9 : memref<!tpu.dma_semaphore, #tpu.memory_space<semaphore_mem>>)
      %dma_wait3A_88 = arith.constant 0 : i32
      %dma_wait3A_89 = tpu.memref_slice %arg3[%mul3A_83, %dma_wait3A_88] : memref<49152x64xf32, #tpu.memory_space<hbm>> -> memref<512x64xf32, #tpu.memory_space<hbm>>
      %dma_wait3A_90 = arith.constant 0 : i32
      %dma_wait3A_91 = tpu.memref_slice %arg3[%mul3A_83, %dma_wait3A_90] : memref<49152x64xf32, #tpu.memory_space<hbm>> -> memref<512x64xf32, #tpu.memory_space<hbm>>
      tpu.wait_dma2 semaphore(%arg9 : memref<!tpu.dma_semaphore, #tpu.memory_space<semaphore_mem>>) src(%arg5 : memref<512x64xf32, #tpu.memory_space<vmem>>) dst(%dma_wait3A_91 : memref<512x64xf32, #tpu.memory_space<hbm>>)
      %dma_start3A_92 = arith.constant 2 : i32
      %dma_start3A_93 = arith.constant 1536 : i32
      %dma_start3A_94 = arith.constant 0 : i32
      %dma_start3A_95 = tpu.memref_slice %arg2[%dma_start3A_92, %add3A, %dma_start3A_93, %dma_start3A_94] : memref<3x24x2048x64xf32, #tpu.memory_space<hbm>> -> memref<1x1x512x64xf32, #tpu.memory_space<hbm>>
      %dma_start3A_96 = tpu.memref_squeeze %dma_start3A_95 : memref<1x1x512x64xf32, #tpu.memory_space<hbm>> -> memref<512x64xf32, #tpu.memory_space<hbm>>
      %dma_start3A_97 = arith.constant 1536 : i32
      %dma_start3A_98 = arith.constant 0 : i32
      %dma_start3A_99 = tpu.memref_slice %arg2[%dma_start3A_92, %add3A, %dma_start3A_97, %dma_start3A_98] : memref<3x24x2048x64xf32, #tpu.memory_space<hbm>> -> memref<1x1x512x64xf32, #tpu.memory_space<hbm>>
      %dma_start3A_100 = tpu.memref_squeeze %dma_start3A_99 : memref<1x1x512x64xf32, #tpu.memory_space<hbm>> -> memref<512x64xf32, #tpu.memory_space<hbm>>
      tpu.enqueue_dma source(%dma_start3A_100 : memref<512x64xf32, #tpu.memory_space<hbm>>) target(%arg5 : memref<512x64xf32, #tpu.memory_space<vmem>>) target_semaphore(%arg7 : memref<!tpu.dma_semaphore, #tpu.memory_space<semaphore_mem>>)
      %dma_wait3A_101 = arith.constant 2 : i32
      %dma_wait3A_102 = arith.constant 1024 : i32
      %dma_wait3A_103 = arith.constant 0 : i32
      %dma_wait3A_104 = tpu.memref_slice %arg2[%dma_wait3A_101, %add3A, %dma_wait3A_102, %dma_wait3A_103] : memref<3x24x2048x64xf32, #tpu.memory_space<hbm>> -> memref<1x1x512x64xf32, #tpu.memory_space<hbm>>
      %dma_wait3A_105 = tpu.memref_squeeze %dma_wait3A_104 : memref<1x1x512x64xf32, #tpu.memory_space<hbm>> -> memref<512x64xf32, #tpu.memory_space<hbm>>
      %dma_wait3A_106 = arith.constant 1024 : i32
      %dma_wait3A_107 = arith.constant 0 : i32
      %dma_wait3A_108 = tpu.memref_slice %arg2[%dma_wait3A_101, %add3A, %dma_wait3A_106, %dma_wait3A_107] : memref<3x24x2048x64xf32, #tpu.memory_space<hbm>> -> memref<1x1x512x64xf32, #tpu.memory_space<hbm>>
      %dma_wait3A_109 = tpu.memref_squeeze %dma_wait3A_108 : memref<1x1x512x64xf32, #tpu.memory_space<hbm>> -> memref<512x64xf32, #tpu.memory_space<hbm>>
      tpu.wait_dma2 semaphore(%arg6 : memref<!tpu.dma_semaphore, #tpu.memory_space<semaphore_mem>>) src(%dma_wait3A_109 : memref<512x64xf32, #tpu.memory_space<hbm>>) dst(%arg4 : memref<512x64xf32, #tpu.memory_space<vmem>>)
      %scan3A_110 = arith.constant 0 : i32
      %scan3A_111 = arith.constant 64 : i32
      %scan3A_112 = arith.addi %scan3A_110, %scan3A_111 : i32
      %scan3A_113 = arith.constant 1 : i32
      %scan3A_114:4 = scf.for %scan3A_159 = %scan3A_110 to %scan3A_112 step %scan3A_113 iter_args(%scan3A_160 = %scan3A_76#0, %scan3A_161 = %scan3A_76#1, %scan3A_162 = %scan3A_76#2, %scan3A_163 = %scan3A_76#3) -> (vector<16xf32>, vector<16xf32>, vector<16xf32>, vector<16xf32>)  : i32 {
        %mul3A_164 = arith.constant 8 : i32
        %mul3A_165 = arith.muli %scan3A_159, %mul3A_164 : i32
        %add3A_166 = arith.constant 0 : i32
        %add3A_167 = arith.addi %mul3A_165, %add3A_166 : i32
        %get3A = arith.index_cast %add3A_167 : i32 to index
        %get3A_168 = arith.constant 0 : index
        %get3A_169 = tpu.vector_load %arg4[%get3A, %get3A_168] {strides = array<i32>} : memref<512x64xf32, #tpu.memory_space<vmem>>, vector<1x16xf32>,
        %get3A_170 = vector.shape_cast %get3A_169 : vector<1x16xf32> to vector<16xf32>
        %add3A_171 = arith.addf %scan3A_160, %get3A_170 : vector<16xf32>
        %swap3A = arith.index_cast %add3A_167 : i32 to index
        %swap3A_172 = arith.constant 0 : index
        %swap3A_173 = tpu.vector_load %arg4[%swap3A, %swap3A_172] {strides = array<i32>} : memref<512x64xf32, #tpu.memory_space<vmem>>, vector<1x16xf32>,
        %swap3A_174 = vector.shape_cast %swap3A_173 : vector<1x16xf32> to vector<16xf32>
        %swap3A_175 = vector.shape_cast %add3A_171 : vector<16xf32> to vector<1x16xf32>
        tpu.vector_store %arg4[%swap3A, %swap3A_172], %swap3A_175 {strides = array<i32>} : memref<512x64xf32, #tpu.memory_space<vmem>>, vector<1x16xf32>,
        %get3A_176 = arith.index_cast %add3A_167 : i32 to index
        %get3A_177 = arith.constant 16 : index
        %get3A_178 = tpu.vector_load %arg4[%get3A_176, %get3A_177] {strides = array<i32>} : memref<512x64xf32, #tpu.memory_space<vmem>>, vector<1x16xf32>,
        %get3A_179 = vector.shape_cast %get3A_178 : vector<1x16xf32> to vector<16xf32>
        %add3A_180 = arith.addf %scan3A_161, %get3A_179 : vector<16xf32>
        %swap3A_181 = arith.index_cast %add3A_167 : i32 to index
        %swap3A_182 = arith.constant 16 : index
        %swap3A_183 = tpu.vector_load %arg4[%swap3A_181, %swap3A_182] {strides = array<i32>} : memref<512x64xf32, #tpu.memory_space<vmem>>, vector<1x16xf32>,
        %swap3A_184 = vector.shape_cast %swap3A_183 : vector<1x16xf32> to vector<16xf32>
        %swap3A_185 = vector.shape_cast %add3A_180 : vector<16xf32> to vector<1x16xf32>
        tpu.vector_store %arg4[%swap3A_181, %swap3A_182], %swap3A_185 {strides = array<i32>} : memref<512x64xf32, #tpu.memory_space<vmem>>, vector<1x16xf32>,
        %get3A_186 = arith.index_cast %add3A_167 : i32 to index
        %get3A_187 = arith.constant 32 : index
        %get3A_188 = tpu.vector_load %arg4[%get3A_186, %get3A_187] {strides = array<i32>} : memref<512x64xf32, #tpu.memory_space<vmem>>, vector<1x16xf32>,
        %get3A_189 = vector.shape_cast %get3A_188 : vector<1x16xf32> to vector<16xf32>
        %add3A_190 = arith.addf %scan3A_162, %get3A_189 : vector<16xf32>
        %swap3A_191 = arith.index_cast %add3A_167 : i32 to index
        %swap3A_192 = arith.constant 32 : index
        %swap3A_193 = tpu.vector_load %arg4[%swap3A_191, %swap3A_192] {strides = array<i32>} : memref<512x64xf32, #tpu.memory_space<vmem>>, vector<1x16xf32>,
        %swap3A_194 = vector.shape_cast %swap3A_193 : vector<1x16xf32> to vector<16xf32>
        %swap3A_195 = vector.shape_cast %add3A_190 : vector<16xf32> to vector<1x16xf32>
        tpu.vector_store %arg4[%swap3A_191, %swap3A_192], %swap3A_195 {strides = array<i32>} : memref<512x64xf32, #tpu.memory_space<vmem>>, vector<1x16xf32>,
        %get3A_196 = arith.index_cast %add3A_167 : i32 to index
        %get3A_197 = arith.constant 48 : index
        %get3A_198 = tpu.vector_load %arg4[%get3A_196, %get3A_197] {strides = array<i32>} : memref<512x64xf32, #tpu.memory_space<vmem>>, vector<1x16xf32>,
        %get3A_199 = vector.shape_cast %get3A_198 : vector<1x16xf32> to vector<16xf32>
        %add3A_200 = arith.addf %scan3A_163, %get3A_199 : vector<16xf32>
        %swap3A_201 = arith.index_cast %add3A_167 : i32 to index
        %swap3A_202 = arith.constant 48 : index
        %swap3A_203 = tpu.vector_load %arg4[%swap3A_201, %swap3A_202] {strides = array<i32>} : memref<512x64xf32, #tpu.memory_space<vmem>>, vector<1x16xf32>,
        %swap3A_204 = vector.shape_cast %swap3A_203 : vector<1x16xf32> to vector<16xf32>
        %swap3A_205 = vector.shape_cast %add3A_200 : vector<16xf32> to vector<1x16xf32>
        tpu.vector_store %arg4[%swap3A_201, %swap3A_202], %swap3A_205 {strides = array<i32>} : memref<512x64xf32, #tpu.memory_space<vmem>>, vector<1x16xf32>,
        %mul3A_206 = arith.constant 8 : i32
        %mul3A_207 = arith.muli %scan3A_159, %mul3A_206 : i32
        %add3A_208 = arith.constant 1 : i32
        %add3A_209 = arith.addi %mul3A_207, %add3A_208 : i32
        %get3A_210 = arith.index_cast %add3A_209 : i32 to index
        %get3A_211 = arith.constant 0 : index
        %get3A_212 = tpu.vector_load %arg4[%get3A_210, %get3A_211] {strides = array<i32>} : memref<512x64xf32, #tpu.memory_space<vmem>>, vector<1x16xf32>,
        %get3A_213 = vector.shape_cast %get3A_212 : vector<1x16xf32> to vector<16xf32>
        %add3A_214 = arith.addf %add3A_171, %get3A_213 : vector<16xf32>
        %swap3A_215 = arith.index_cast %add3A_209 : i32 to index
        %swap3A_216 = arith.constant 0 : index
        %swap3A_217 = tpu.vector_load %arg4[%swap3A_215, %swap3A_216] {strides = array<i32>} : memref<512x64xf32, #tpu.memory_space<vmem>>, vector<1x16xf32>,
        %swap3A_218 = vector.shape_cast %swap3A_217 : vector<1x16xf32> to vector<16xf32>
        %swap3A_219 = vector.shape_cast %add3A_214 : vector<16xf32> to vector<1x16xf32>
        tpu.vector_store %arg4[%swap3A_215, %swap3A_216], %swap3A_219 {strides = array<i32>} : memref<512x64xf32, #tpu.memory_space<vmem>>, vector<1x16xf32>,
        %get3A_220 = arith.index_cast %add3A_209 : i32 to index
        %get3A_221 = arith.constant 16 : index
        %get3A_222 = tpu.vector_load %arg4[%get3A_220, %get3A_221] {strides = array<i32>} : memref<512x64xf32, #tpu.memory_space<vmem>>, vector<1x16xf32>,
        %get3A_223 = vector.shape_cast %get3A_222 : vector<1x16xf32> to vector<16xf32>
        %add3A_224 = arith.addf %add3A_180, %get3A_223 : vector<16xf32>
        %swap3A_225 = arith.index_cast %add3A_209 : i32 to index
        %swap3A_226 = arith.constant 16 : index
        %swap3A_227 = tpu.vector_load %arg4[%swap3A_225, %swap3A_226] {strides = array<i32>} : memref<512x64xf32, #tpu.memory_space<vmem>>, vector<1x16xf32>,
        %swap3A_228 = vector.shape_cast %swap3A_227 : vector<1x16xf32> to vector<16xf32>
        %swap3A_229 = vector.shape_cast %add3A_224 : vector<16xf32> to vector<1x16xf32>
        tpu.vector_store %arg4[%swap3A_225, %swap3A_226], %swap3A_229 {strides = array<i32>} : memref<512x64xf32, #tpu.memory_space<vmem>>, vector<1x16xf32>,
        %get3A_230 = arith.index_cast %add3A_209 : i32 to index
        %get3A_231 = arith.constant 32 : index
        %get3A_232 = tpu.vector_load %arg4[%get3A_230, %get3A_231] {strides = array<i32>} : memref<512x64xf32, #tpu.memory_space<vmem>>, vector<1x16xf32>,
        %get3A_233 = vector.shape_cast %get3A_232 : vector<1x16xf32> to vector<16xf32>
        %add3A_234 = arith.addf %add3A_190, %get3A_233 : vector<16xf32>
        %swap3A_235 = arith.index_cast %add3A_209 : i32 to index
        %swap3A_236 = arith.constant 32 : index
        %swap3A_237 = tpu.vector_load %arg4[%swap3A_235, %swap3A_236] {strides = array<i32>} : memref<512x64xf32, #tpu.memory_space<vmem>>, vector<1x16xf32>,
        %swap3A_238 = vector.shape_cast %swap3A_237 : vector<1x16xf32> to vector<16xf32>
        %swap3A_239 = vector.shape_cast %add3A_234 : vector<16xf32> to vector<1x16xf32>
        tpu.vector_store %arg4[%swap3A_235, %swap3A_236], %swap3A_239 {strides = array<i32>} : memref<512x64xf32, #tpu.memory_space<vmem>>, vector<1x16xf32>,
        %get3A_240 = arith.index_cast %add3A_209 : i32 to index
        %get3A_241 = arith.constant 48 : index
        %get3A_242 = tpu.vector_load %arg4[%get3A_240, %get3A_241] {strides = array<i32>} : memref<512x64xf32, #tpu.memory_space<vmem>>, vector<1x16xf32>,
        %get3A_243 = vector.shape_cast %get3A_242 : vector<1x16xf32> to vector<16xf32>
        %add3A_244 = arith.addf %add3A_200, %get3A_243 : vector<16xf32>
        %swap3A_245 = arith.index_cast %add3A_209 : i32 to index
        %swap3A_246 = arith.constant 48 : index
        %swap3A_247 = tpu.vector_load %arg4[%swap3A_245, %swap3A_246] {strides = array<i32>} : memref<512x64xf32, #tpu.memory_space<vmem>>, vector<1x16xf32>,
        %swap3A_248 = vector.shape_cast %swap3A_247 : vector<1x16xf32> to vector<16xf32>
        %swap3A_249 = vector.shape_cast %add3A_244 : vector<16xf32> to vector<1x16xf32>
        tpu.vector_store %arg4[%swap3A_245, %swap3A_246], %swap3A_249 {strides = array<i32>} : memref<512x64xf32, #tpu.memory_space<vmem>>, vector<1x16xf32>,
        %mul3A_250 = arith.constant 8 : i32
        %mul3A_251 = arith.muli %scan3A_159, %mul3A_250 : i32
        %add3A_252 = arith.constant 2 : i32
        %add3A_253 = arith.addi %mul3A_251, %add3A_252 : i32
        %get3A_254 = arith.index_cast %add3A_253 : i32 to index
        %get3A_255 = arith.constant 0 : index
        %get3A_256 = tpu.vector_load %arg4[%get3A_254, %get3A_255] {strides = array<i32>} : memref<512x64xf32, #tpu.memory_space<vmem>>, vector<1x16xf32>,
        %get3A_257 = vector.shape_cast %get3A_256 : vector<1x16xf32> to vector<16xf32>
        %add3A_258 = arith.addf %add3A_214, %get3A_257 : vector<16xf32>
        %swap3A_259 = arith.index_cast %add3A_253 : i32 to index
        %swap3A_260 = arith.constant 0 : index
        %swap3A_261 = tpu.vector_load %arg4[%swap3A_259, %swap3A_260] {strides = array<i32>} : memref<512x64xf32, #tpu.memory_space<vmem>>, vector<1x16xf32>,
        %swap3A_262 = vector.shape_cast %swap3A_261 : vector<1x16xf32> to vector<16xf32>
        %swap3A_263 = vector.shape_cast %add3A_258 : vector<16xf32> to vector<1x16xf32>
        tpu.vector_store %arg4[%swap3A_259, %swap3A_260], %swap3A_263 {strides = array<i32>} : memref<512x64xf32, #tpu.memory_space<vmem>>, vector<1x16xf32>,
        %get3A_264 = arith.index_cast %add3A_253 : i32 to index
        %get3A_265 = arith.constant 16 : index
        %get3A_266 = tpu.vector_load %arg4[%get3A_264, %get3A_265] {strides = array<i32>} : memref<512x64xf32, #tpu.memory_space<vmem>>, vector<1x16xf32>,
        %get3A_267 = vector.shape_cast %get3A_266 : vector<1x16xf32> to vector<16xf32>
        %add3A_268 = arith.addf %add3A_224, %get3A_267 : vector<16xf32>
        %swap3A_269 = arith.index_cast %add3A_253 : i32 to index
        %swap3A_270 = arith.constant 16 : index
        %swap3A_271 = tpu.vector_load %arg4[%swap3A_269, %swap3A_270] {strides = array<i32>} : memref<512x64xf32, #tpu.memory_space<vmem>>, vector<1x16xf32>,
        %swap3A_272 = vector.shape_cast %swap3A_271 : vector<1x16xf32> to vector<16xf32>
        %swap3A_273 = vector.shape_cast %add3A_268 : vector<16xf32> to vector<1x16xf32>
        tpu.vector_store %arg4[%swap3A_269, %swap3A_270], %swap3A_273 {strides = array<i32>} : memref<512x64xf32, #tpu.memory_space<vmem>>, vector<1x16xf32>,
        %get3A_274 = arith.index_cast %add3A_253 : i32 to index
        %get3A_275 = arith.constant 32 : index
        %get3A_276 = tpu.vector_load %arg4[%get3A_274, %get3A_275] {strides = array<i32>} : memref<512x64xf32, #tpu.memory_space<vmem>>, vector<1x16xf32>,
        %get3A_277 = vector.shape_cast %get3A_276 : vector<1x16xf32> to vector<16xf32>
        %add3A_278 = arith.addf %add3A_234, %get3A_277 : vector<16xf32>
        %swap3A_279 = arith.index_cast %add3A_253 : i32 to index
        %swap3A_280 = arith.constant 32 : index
        %swap3A_281 = tpu.vector_load %arg4[%swap3A_279, %swap3A_280] {strides = array<i32>} : memref<512x64xf32, #tpu.memory_space<vmem>>, vector<1x16xf32>,
        %swap3A_282 = vector.shape_cast %swap3A_281 : vector<1x16xf32> to vector<16xf32>
        %swap3A_283 = vector.shape_cast %add3A_278 : vector<16xf32> to vector<1x16xf32>
        tpu.vector_store %arg4[%swap3A_279, %swap3A_280], %swap3A_283 {strides = array<i32>} : memref<512x64xf32, #tpu.memory_space<vmem>>, vector<1x16xf32>,
        %get3A_284 = arith.index_cast %add3A_253 : i32 to index
        %get3A_285 = arith.constant 48 : index
        %get3A_286 = tpu.vector_load %arg4[%get3A_284, %get3A_285] {strides = array<i32>} : memref<512x64xf32, #tpu.memory_space<vmem>>, vector<1x16xf32>,
        %get3A_287 = vector.shape_cast %get3A_286 : vector<1x16xf32> to vector<16xf32>
        %add3A_288 = arith.addf %add3A_244, %get3A_287 : vector<16xf32>
        %swap3A_289 = arith.index_cast %add3A_253 : i32 to index
        %swap3A_290 = arith.constant 48 : index
        %swap3A_291 = tpu.vector_load %arg4[%swap3A_289, %swap3A_290] {strides = array<i32>} : memref<512x64xf32, #tpu.memory_space<vmem>>, vector<1x16xf32>,
        %swap3A_292 = vector.shape_cast %swap3A_291 : vector<1x16xf32> to vector<16xf32>
        %swap3A_293 = vector.shape_cast %add3A_288 : vector<16xf32> to vector<1x16xf32>
        tpu.vector_store %arg4[%swap3A_289, %swap3A_290], %swap3A_293 {strides = array<i32>} : memref<512x64xf32, #tpu.memory_space<vmem>>, vector<1x16xf32>,
        %mul3A_294 = arith.constant 8 : i32
        %mul3A_295 = arith.muli %scan3A_159, %mul3A_294 : i32
        %add3A_296 = arith.constant 3 : i32
        %add3A_297 = arith.addi %mul3A_295, %add3A_296 : i32
        %get3A_298 = arith.index_cast %add3A_297 : i32 to index
        %get3A_299 = arith.constant 0 : index
        %get3A_300 = tpu.vector_load %arg4[%get3A_298, %get3A_299] {strides = array<i32>} : memref<512x64xf32, #tpu.memory_space<vmem>>, vector<1x16xf32>,
        %get3A_301 = vector.shape_cast %get3A_300 : vector<1x16xf32> to vector<16xf32>
        %add3A_302 = arith.addf %add3A_258, %get3A_301 : vector<16xf32>
        %swap3A_303 = arith.index_cast %add3A_297 : i32 to index
        %swap3A_304 = arith.constant 0 : index
        %swap3A_305 = tpu.vector_load %arg4[%swap3A_303, %swap3A_304] {strides = array<i32>} : memref<512x64xf32, #tpu.memory_space<vmem>>, vector<1x16xf32>,
        %swap3A_306 = vector.shape_cast %swap3A_305 : vector<1x16xf32> to vector<16xf32>
        %swap3A_307 = vector.shape_cast %add3A_302 : vector<16xf32> to vector<1x16xf32>
        tpu.vector_store %arg4[%swap3A_303, %swap3A_304], %swap3A_307 {strides = array<i32>} : memref<512x64xf32, #tpu.memory_space<vmem>>, vector<1x16xf32>,
        %get3A_308 = arith.index_cast %add3A_297 : i32 to index
        %get3A_309 = arith.constant 16 : index
        %get3A_310 = tpu.vector_load %arg4[%get3A_308, %get3A_309] {strides = array<i32>} : memref<512x64xf32, #tpu.memory_space<vmem>>, vector<1x16xf32>,
        %get3A_311 = vector.shape_cast %get3A_310 : vector<1x16xf32> to vector<16xf32>
        %add3A_312 = arith.addf %add3A_268, %get3A_311 : vector<16xf32>
        %swap3A_313 = arith.index_cast %add3A_297 : i32 to index
        %swap3A_314 = arith.constant 16 : index
        %swap3A_315 = tpu.vector_load %arg4[%swap3A_313, %swap3A_314] {strides = array<i32>} : memref<512x64xf32, #tpu.memory_space<vmem>>, vector<1x16xf32>,
        %swap3A_316 = vector.shape_cast %swap3A_315 : vector<1x16xf32> to vector<16xf32>
        %swap3A_317 = vector.shape_cast %add3A_312 : vector<16xf32> to vector<1x16xf32>
        tpu.vector_store %arg4[%swap3A_313, %swap3A_314], %swap3A_317 {strides = array<i32>} : memref<512x64xf32, #tpu.memory_space<vmem>>, vector<1x16xf32>,
        %get3A_318 = arith.index_cast %add3A_297 : i32 to index
        %get3A_319 = arith.constant 32 : index
        %get3A_320 = tpu.vector_load %arg4[%get3A_318, %get3A_319] {strides = array<i32>} : memref<512x64xf32, #tpu.memory_space<vmem>>, vector<1x16xf32>,
        %get3A_321 = vector.shape_cast %get3A_320 : vector<1x16xf32> to vector<16xf32>
        %add3A_322 = arith.addf %add3A_278, %get3A_321 : vector<16xf32>
        %swap3A_323 = arith.index_cast %add3A_297 : i32 to index
        %swap3A_324 = arith.constant 32 : index
        %swap3A_325 = tpu.vector_load %arg4[%swap3A_323, %swap3A_324] {strides = array<i32>} : memref<512x64xf32, #tpu.memory_space<vmem>>, vector<1x16xf32>,
        %swap3A_326 = vector.shape_cast %swap3A_325 : vector<1x16xf32> to vector<16xf32>
        %swap3A_327 = vector.shape_cast %add3A_322 : vector<16xf32> to vector<1x16xf32>
        tpu.vector_store %arg4[%swap3A_323, %swap3A_324], %swap3A_327 {strides = array<i32>} : memref<512x64xf32, #tpu.memory_space<vmem>>, vector<1x16xf32>,
        %get3A_328 = arith.index_cast %add3A_297 : i32 to index
        %get3A_329 = arith.constant 48 : index
        %get3A_330 = tpu.vector_load %arg4[%get3A_328, %get3A_329] {strides = array<i32>} : memref<512x64xf32, #tpu.memory_space<vmem>>, vector<1x16xf32>,
        %get3A_331 = vector.shape_cast %get3A_330 : vector<1x16xf32> to vector<16xf32>
        %add3A_332 = arith.addf %add3A_288, %get3A_331 : vector<16xf32>
        %swap3A_333 = arith.index_cast %add3A_297 : i32 to index
        %swap3A_334 = arith.constant 48 : index
        %swap3A_335 = tpu.vector_load %arg4[%swap3A_333, %swap3A_334] {strides = array<i32>} : memref<512x64xf32, #tpu.memory_space<vmem>>, vector<1x16xf32>,
        %swap3A_336 = vector.shape_cast %swap3A_335 : vector<1x16xf32> to vector<16xf32>
        %swap3A_337 = vector.shape_cast %add3A_332 : vector<16xf32> to vector<1x16xf32>
        tpu.vector_store %arg4[%swap3A_333, %swap3A_334], %swap3A_337 {strides = array<i32>} : memref<512x64xf32, #tpu.memory_space<vmem>>, vector<1x16xf32>,
        %mul3A_338 = arith.constant 8 : i32
        %mul3A_339 = arith.muli %scan3A_159, %mul3A_338 : i32
        %add3A_340 = arith.constant 4 : i32
        %add3A_341 = arith.addi %mul3A_339, %add3A_340 : i32
        %get3A_342 = arith.index_cast %add3A_341 : i32 to index
        %get3A_343 = arith.constant 0 : index
        %get3A_344 = tpu.vector_load %arg4[%get3A_342, %get3A_343] {strides = array<i32>} : memref<512x64xf32, #tpu.memory_space<vmem>>, vector<1x16xf32>,
        %get3A_345 = vector.shape_cast %get3A_344 : vector<1x16xf32> to vector<16xf32>
        %add3A_346 = arith.addf %add3A_302, %get3A_345 : vector<16xf32>
        %swap3A_347 = arith.index_cast %add3A_341 : i32 to index
        %swap3A_348 = arith.constant 0 : index
        %swap3A_349 = tpu.vector_load %arg4[%swap3A_347, %swap3A_348] {strides = array<i32>} : memref<512x64xf32, #tpu.memory_space<vmem>>, vector<1x16xf32>,
        %swap3A_350 = vector.shape_cast %swap3A_349 : vector<1x16xf32> to vector<16xf32>
        %swap3A_351 = vector.shape_cast %add3A_346 : vector<16xf32> to vector<1x16xf32>
        tpu.vector_store %arg4[%swap3A_347, %swap3A_348], %swap3A_351 {strides = array<i32>} : memref<512x64xf32, #tpu.memory_space<vmem>>, vector<1x16xf32>,
        %get3A_352 = arith.index_cast %add3A_341 : i32 to index
        %get3A_353 = arith.constant 16 : index
        %get3A_354 = tpu.vector_load %arg4[%get3A_352, %get3A_353] {strides = array<i32>} : memref<512x64xf32, #tpu.memory_space<vmem>>, vector<1x16xf32>,
        %get3A_355 = vector.shape_cast %get3A_354 : vector<1x16xf32> to vector<16xf32>
        %add3A_356 = arith.addf %add3A_312, %get3A_355 : vector<16xf32>
        %swap3A_357 = arith.index_cast %add3A_341 : i32 to index
        %swap3A_358 = arith.constant 16 : index
        %swap3A_359 = tpu.vector_load %arg4[%swap3A_357, %swap3A_358] {strides = array<i32>} : memref<512x64xf32, #tpu.memory_space<vmem>>, vector<1x16xf32>,
        %swap3A_360 = vector.shape_cast %swap3A_359 : vector<1x16xf32> to vector<16xf32>
        %swap3A_361 = vector.shape_cast %add3A_356 : vector<16xf32> to vector<1x16xf32>
        tpu.vector_store %arg4[%swap3A_357, %swap3A_358], %swap3A_361 {strides = array<i32>} : memref<512x64xf32, #tpu.memory_space<vmem>>, vector<1x16xf32>,
        %get3A_362 = arith.index_cast %add3A_341 : i32 to index
        %get3A_363 = arith.constant 32 : index
        %get3A_364 = tpu.vector_load %arg4[%get3A_362, %get3A_363] {strides = array<i32>} : memref<512x64xf32, #tpu.memory_space<vmem>>, vector<1x16xf32>,
        %get3A_365 = vector.shape_cast %get3A_364 : vector<1x16xf32> to vector<16xf32>
        %add3A_366 = arith.addf %add3A_322, %get3A_365 : vector<16xf32>
        %swap3A_367 = arith.index_cast %add3A_341 : i32 to index
        %swap3A_368 = arith.constant 32 : index
        %swap3A_369 = tpu.vector_load %arg4[%swap3A_367, %swap3A_368] {strides = array<i32>} : memref<512x64xf32, #tpu.memory_space<vmem>>, vector<1x16xf32>,
        %swap3A_370 = vector.shape_cast %swap3A_369 : vector<1x16xf32> to vector<16xf32>
        %swap3A_371 = vector.shape_cast %add3A_366 : vector<16xf32> to vector<1x16xf32>
        tpu.vector_store %arg4[%swap3A_367, %swap3A_368], %swap3A_371 {strides = array<i32>} : memref<512x64xf32, #tpu.memory_space<vmem>>, vector<1x16xf32>,
        %get3A_372 = arith.index_cast %add3A_341 : i32 to index
        %get3A_373 = arith.constant 48 : index
        %get3A_374 = tpu.vector_load %arg4[%get3A_372, %get3A_373] {strides = array<i32>} : memref<512x64xf32, #tpu.memory_space<vmem>>, vector<1x16xf32>,
        %get3A_375 = vector.shape_cast %get3A_374 : vector<1x16xf32> to vector<16xf32>
        %add3A_376 = arith.addf %add3A_332, %get3A_375 : vector<16xf32>
        %swap3A_377 = arith.index_cast %add3A_341 : i32 to index
        %swap3A_378 = arith.constant 48 : index
        %swap3A_379 = tpu.vector_load %arg4[%swap3A_377, %swap3A_378] {strides = array<i32>} : memref<512x64xf32, #tpu.memory_space<vmem>>, vector<1x16xf32>,
        %swap3A_380 = vector.shape_cast %swap3A_379 : vector<1x16xf32> to vector<16xf32>
        %swap3A_381 = vector.shape_cast %add3A_376 : vector<16xf32> to vector<1x16xf32>
        tpu.vector_store %arg4[%swap3A_377, %swap3A_378], %swap3A_381 {strides = array<i32>} : memref<512x64xf32, #tpu.memory_space<vmem>>, vector<1x16xf32>,
        %mul3A_382 = arith.constant 8 : i32
        %mul3A_383 = arith.muli %scan3A_159, %mul3A_382 : i32
        %add3A_384 = arith.constant 5 : i32
        %add3A_385 = arith.addi %mul3A_383, %add3A_384 : i32
        %get3A_386 = arith.index_cast %add3A_385 : i32 to index
        %get3A_387 = arith.constant 0 : index
        %get3A_388 = tpu.vector_load %arg4[%get3A_386, %get3A_387] {strides = array<i32>} : memref<512x64xf32, #tpu.memory_space<vmem>>, vector<1x16xf32>,
        %get3A_389 = vector.shape_cast %get3A_388 : vector<1x16xf32> to vector<16xf32>
        %add3A_390 = arith.addf %add3A_346, %get3A_389 : vector<16xf32>
        %swap3A_391 = arith.index_cast %add3A_385 : i32 to index
        %swap3A_392 = arith.constant 0 : index
        %swap3A_393 = tpu.vector_load %arg4[%swap3A_391, %swap3A_392] {strides = array<i32>} : memref<512x64xf32, #tpu.memory_space<vmem>>, vector<1x16xf32>,
        %swap3A_394 = vector.shape_cast %swap3A_393 : vector<1x16xf32> to vector<16xf32>
        %swap3A_395 = vector.shape_cast %add3A_390 : vector<16xf32> to vector<1x16xf32>
        tpu.vector_store %arg4[%swap3A_391, %swap3A_392], %swap3A_395 {strides = array<i32>} : memref<512x64xf32, #tpu.memory_space<vmem>>, vector<1x16xf32>,
        %get3A_396 = arith.index_cast %add3A_385 : i32 to index
        %get3A_397 = arith.constant 16 : index
        %get3A_398 = tpu.vector_load %arg4[%get3A_396, %get3A_397] {strides = array<i32>} : memref<512x64xf32, #tpu.memory_space<vmem>>, vector<1x16xf32>,
        %get3A_399 = vector.shape_cast %get3A_398 : vector<1x16xf32> to vector<16xf32>
        %add3A_400 = arith.addf %add3A_356, %get3A_399 : vector<16xf32>
        %swap3A_401 = arith.index_cast %add3A_385 : i32 to index
        %swap3A_402 = arith.constant 16 : index
        %swap3A_403 = tpu.vector_load %arg4[%swap3A_401, %swap3A_402] {strides = array<i32>} : memref<512x64xf32, #tpu.memory_space<vmem>>, vector<1x16xf32>,
        %swap3A_404 = vector.shape_cast %swap3A_403 : vector<1x16xf32> to vector<16xf32>
        %swap3A_405 = vector.shape_cast %add3A_400 : vector<16xf32> to vector<1x16xf32>
        tpu.vector_store %arg4[%swap3A_401, %swap3A_402], %swap3A_405 {strides = array<i32>} : memref<512x64xf32, #tpu.memory_space<vmem>>, vector<1x16xf32>,
        %get3A_406 = arith.index_cast %add3A_385 : i32 to index
        %get3A_407 = arith.constant 32 : index
        %get3A_408 = tpu.vector_load %arg4[%get3A_406, %get3A_407] {strides = array<i32>} : memref<512x64xf32, #tpu.memory_space<vmem>>, vector<1x16xf32>,
        %get3A_409 = vector.shape_cast %get3A_408 : vector<1x16xf32> to vector<16xf32>
        %add3A_410 = arith.addf %add3A_366, %get3A_409 : vector<16xf32>
        %swap3A_411 = arith.index_cast %add3A_385 : i32 to index
        %swap3A_412 = arith.constant 32 : index
        %swap3A_413 = tpu.vector_load %arg4[%swap3A_411, %swap3A_412] {strides = array<i32>} : memref<512x64xf32, #tpu.memory_space<vmem>>, vector<1x16xf32>,
        %swap3A_414 = vector.shape_cast %swap3A_413 : vector<1x16xf32> to vector<16xf32>
        %swap3A_415 = vector.shape_cast %add3A_410 : vector<16xf32> to vector<1x16xf32>
        tpu.vector_store %arg4[%swap3A_411, %swap3A_412], %swap3A_415 {strides = array<i32>} : memref<512x64xf32, #tpu.memory_space<vmem>>, vector<1x16xf32>,
        %get3A_416 = arith.index_cast %add3A_385 : i32 to index
        %get3A_417 = arith.constant 48 : index
        %get3A_418 = tpu.vector_load %arg4[%get3A_416, %get3A_417] {strides = array<i32>} : memref<512x64xf32, #tpu.memory_space<vmem>>, vector<1x16xf32>,
        %get3A_419 = vector.shape_cast %get3A_418 : vector<1x16xf32> to vector<16xf32>
        %add3A_420 = arith.addf %add3A_376, %get3A_419 : vector<16xf32>
        %swap3A_421 = arith.index_cast %add3A_385 : i32 to index
        %swap3A_422 = arith.constant 48 : index
        %swap3A_423 = tpu.vector_load %arg4[%swap3A_421, %swap3A_422] {strides = array<i32>} : memref<512x64xf32, #tpu.memory_space<vmem>>, vector<1x16xf32>,
        %swap3A_424 = vector.shape_cast %swap3A_423 : vector<1x16xf32> to vector<16xf32>
        %swap3A_425 = vector.shape_cast %add3A_420 : vector<16xf32> to vector<1x16xf32>
        tpu.vector_store %arg4[%swap3A_421, %swap3A_422], %swap3A_425 {strides = array<i32>} : memref<512x64xf32, #tpu.memory_space<vmem>>, vector<1x16xf32>,
        %mul3A_426 = arith.constant 8 : i32
        %mul3A_427 = arith.muli %scan3A_159, %mul3A_426 : i32
        %add3A_428 = arith.constant 6 : i32
        %add3A_429 = arith.addi %mul3A_427, %add3A_428 : i32
        %get3A_430 = arith.index_cast %add3A_429 : i32 to index
        %get3A_431 = arith.constant 0 : index
        %get3A_432 = tpu.vector_load %arg4[%get3A_430, %get3A_431] {strides = array<i32>} : memref<512x64xf32, #tpu.memory_space<vmem>>, vector<1x16xf32>,
        %get3A_433 = vector.shape_cast %get3A_432 : vector<1x16xf32> to vector<16xf32>
        %add3A_434 = arith.addf %add3A_390, %get3A_433 : vector<16xf32>
        %swap3A_435 = arith.index_cast %add3A_429 : i32 to index
        %swap3A_436 = arith.constant 0 : index
        %swap3A_437 = tpu.vector_load %arg4[%swap3A_435, %swap3A_436] {strides = array<i32>} : memref<512x64xf32, #tpu.memory_space<vmem>>, vector<1x16xf32>,
        %swap3A_438 = vector.shape_cast %swap3A_437 : vector<1x16xf32> to vector<16xf32>
        %swap3A_439 = vector.shape_cast %add3A_434 : vector<16xf32> to vector<1x16xf32>
        tpu.vector_store %arg4[%swap3A_435, %swap3A_436], %swap3A_439 {strides = array<i32>} : memref<512x64xf32, #tpu.memory_space<vmem>>, vector<1x16xf32>,
        %get3A_440 = arith.index_cast %add3A_429 : i32 to index
        %get3A_441 = arith.constant 16 : index
        %get3A_442 = tpu.vector_load %arg4[%get3A_440, %get3A_441] {strides = array<i32>} : memref<512x64xf32, #tpu.memory_space<vmem>>, vector<1x16xf32>,
        %get3A_443 = vector.shape_cast %get3A_442 : vector<1x16xf32> to vector<16xf32>
        %add3A_444 = arith.addf %add3A_400, %get3A_443 : vector<16xf32>
        %swap3A_445 = arith.index_cast %add3A_429 : i32 to index
        %swap3A_446 = arith.constant 16 : index
        %swap3A_447 = tpu.vector_load %arg4[%swap3A_445, %swap3A_446] {strides = array<i32>} : memref<512x64xf32, #tpu.memory_space<vmem>>, vector<1x16xf32>,
        %swap3A_448 = vector.shape_cast %swap3A_447 : vector<1x16xf32> to vector<16xf32>
        %swap3A_449 = vector.shape_cast %add3A_444 : vector<16xf32> to vector<1x16xf32>
        tpu.vector_store %arg4[%swap3A_445, %swap3A_446], %swap3A_449 {strides = array<i32>} : memref<512x64xf32, #tpu.memory_space<vmem>>, vector<1x16xf32>,
        %get3A_450 = arith.index_cast %add3A_429 : i32 to index
        %get3A_451 = arith.constant 32 : index
        %get3A_452 = tpu.vector_load %arg4[%get3A_450, %get3A_451] {strides = array<i32>} : memref<512x64xf32, #tpu.memory_space<vmem>>, vector<1x16xf32>,
        %get3A_453 = vector.shape_cast %get3A_452 : vector<1x16xf32> to vector<16xf32>
        %add3A_454 = arith.addf %add3A_410, %get3A_453 : vector<16xf32>
        %swap3A_455 = arith.index_cast %add3A_429 : i32 to index
        %swap3A_456 = arith.constant 32 : index
        %swap3A_457 = tpu.vector_load %arg4[%swap3A_455, %swap3A_456] {strides = array<i32>} : memref<512x64xf32, #tpu.memory_space<vmem>>, vector<1x16xf32>,
        %swap3A_458 = vector.shape_cast %swap3A_457 : vector<1x16xf32> to vector<16xf32>
        %swap3A_459 = vector.shape_cast %add3A_454 : vector<16xf32> to vector<1x16xf32>
        tpu.vector_store %arg4[%swap3A_455, %swap3A_456], %swap3A_459 {strides = array<i32>} : memref<512x64xf32, #tpu.memory_space<vmem>>, vector<1x16xf32>,
        %get3A_460 = arith.index_cast %add3A_429 : i32 to index
        %get3A_461 = arith.constant 48 : index
        %get3A_462 = tpu.vector_load %arg4[%get3A_460, %get3A_461] {strides = array<i32>} : memref<512x64xf32, #tpu.memory_space<vmem>>, vector<1x16xf32>,
        %get3A_463 = vector.shape_cast %get3A_462 : vector<1x16xf32> to vector<16xf32>
        %add3A_464 = arith.addf %add3A_420, %get3A_463 : vector<16xf32>
        %swap3A_465 = arith.index_cast %add3A_429 : i32 to index
        %swap3A_466 = arith.constant 48 : index
        %swap3A_467 = tpu.vector_load %arg4[%swap3A_465, %swap3A_466] {strides = array<i32>} : memref<512x64xf32, #tpu.memory_space<vmem>>, vector<1x16xf32>,
        %swap3A_468 = vector.shape_cast %swap3A_467 : vector<1x16xf32> to vector<16xf32>
        %swap3A_469 = vector.shape_cast %add3A_464 : vector<16xf32> to vector<1x16xf32>
        tpu.vector_store %arg4[%swap3A_465, %swap3A_466], %swap3A_469 {strides = array<i32>} : memref<512x64xf32, #tpu.memory_space<vmem>>, vector<1x16xf32>,
        %mul3A_470 = arith.constant 8 : i32
        %mul3A_471 = arith.muli %scan3A_159, %mul3A_470 : i32
        %add3A_472 = arith.constant 7 : i32
        %add3A_473 = arith.addi %mul3A_471, %add3A_472 : i32
        %get3A_474 = arith.index_cast %add3A_473 : i32 to index
        %get3A_475 = arith.constant 0 : index
        %get3A_476 = tpu.vector_load %arg4[%get3A_474, %get3A_475] {strides = array<i32>} : memref<512x64xf32, #tpu.memory_space<vmem>>, vector<1x16xf32>,
        %get3A_477 = vector.shape_cast %get3A_476 : vector<1x16xf32> to vector<16xf32>
        %add3A_478 = arith.addf %add3A_434, %get3A_477 : vector<16xf32>
        %swap3A_479 = arith.index_cast %add3A_473 : i32 to index
        %swap3A_480 = arith.constant 0 : index
        %swap3A_481 = tpu.vector_load %arg4[%swap3A_479, %swap3A_480] {strides = array<i32>} : memref<512x64xf32, #tpu.memory_space<vmem>>, vector<1x16xf32>,
        %swap3A_482 = vector.shape_cast %swap3A_481 : vector<1x16xf32> to vector<16xf32>
        %swap3A_483 = vector.shape_cast %add3A_478 : vector<16xf32> to vector<1x16xf32>
        tpu.vector_store %arg4[%swap3A_479, %swap3A_480], %swap3A_483 {strides = array<i32>} : memref<512x64xf32, #tpu.memory_space<vmem>>, vector<1x16xf32>,
        %get3A_484 = arith.index_cast %add3A_473 : i32 to index
        %get3A_485 = arith.constant 16 : index
        %get3A_486 = tpu.vector_load %arg4[%get3A_484, %get3A_485] {strides = array<i32>} : memref<512x64xf32, #tpu.memory_space<vmem>>, vector<1x16xf32>,
        %get3A_487 = vector.shape_cast %get3A_486 : vector<1x16xf32> to vector<16xf32>
        %add3A_488 = arith.addf %add3A_444, %get3A_487 : vector<16xf32>
        %swap3A_489 = arith.index_cast %add3A_473 : i32 to index
        %swap3A_490 = arith.constant 16 : index
        %swap3A_491 = tpu.vector_load %arg4[%swap3A_489, %swap3A_490] {strides = array<i32>} : memref<512x64xf32, #tpu.memory_space<vmem>>, vector<1x16xf32>,
        %swap3A_492 = vector.shape_cast %swap3A_491 : vector<1x16xf32> to vector<16xf32>
        %swap3A_493 = vector.shape_cast %add3A_488 : vector<16xf32> to vector<1x16xf32>
        tpu.vector_store %arg4[%swap3A_489, %swap3A_490], %swap3A_493 {strides = array<i32>} : memref<512x64xf32, #tpu.memory_space<vmem>>, vector<1x16xf32>,
        %get3A_494 = arith.index_cast %add3A_473 : i32 to index
        %get3A_495 = arith.constant 32 : index
        %get3A_496 = tpu.vector_load %arg4[%get3A_494, %get3A_495] {strides = array<i32>} : memref<512x64xf32, #tpu.memory_space<vmem>>, vector<1x16xf32>,
        %get3A_497 = vector.shape_cast %get3A_496 : vector<1x16xf32> to vector<16xf32>
        %add3A_498 = arith.addf %add3A_454, %get3A_497 : vector<16xf32>
        %swap3A_499 = arith.index_cast %add3A_473 : i32 to index
        %swap3A_500 = arith.constant 32 : index
        %swap3A_501 = tpu.vector_load %arg4[%swap3A_499, %swap3A_500] {strides = array<i32>} : memref<512x64xf32, #tpu.memory_space<vmem>>, vector<1x16xf32>,
        %swap3A_502 = vector.shape_cast %swap3A_501 : vector<1x16xf32> to vector<16xf32>
        %swap3A_503 = vector.shape_cast %add3A_498 : vector<16xf32> to vector<1x16xf32>
        tpu.vector_store %arg4[%swap3A_499, %swap3A_500], %swap3A_503 {strides = array<i32>} : memref<512x64xf32, #tpu.memory_space<vmem>>, vector<1x16xf32>,
        %get3A_504 = arith.index_cast %add3A_473 : i32 to index
        %get3A_505 = arith.constant 48 : index
        %get3A_506 = tpu.vector_load %arg4[%get3A_504, %get3A_505] {strides = array<i32>} : memref<512x64xf32, #tpu.memory_space<vmem>>, vector<1x16xf32>,
        %get3A_507 = vector.shape_cast %get3A_506 : vector<1x16xf32> to vector<16xf32>
        %add3A_508 = arith.addf %add3A_464, %get3A_507 : vector<16xf32>
        %swap3A_509 = arith.index_cast %add3A_473 : i32 to index
        %swap3A_510 = arith.constant 48 : index
        %swap3A_511 = tpu.vector_load %arg4[%swap3A_509, %swap3A_510] {strides = array<i32>} : memref<512x64xf32, #tpu.memory_space<vmem>>, vector<1x16xf32>,
        %swap3A_512 = vector.shape_cast %swap3A_511 : vector<1x16xf32> to vector<16xf32>
        %swap3A_513 = vector.shape_cast %add3A_508 : vector<16xf32> to vector<1x16xf32>
        tpu.vector_store %arg4[%swap3A_509, %swap3A_510], %swap3A_513 {strides = array<i32>} : memref<512x64xf32, #tpu.memory_space<vmem>>, vector<1x16xf32>,
        scf.yield %add3A_478, %add3A_488, %add3A_498, %add3A_508 : vector<16xf32>, vector<16xf32>, vector<16xf32>, vector<16xf32>
      }
      %scan3A_115 = arith.constant 64 : i32
      %mul3A_116 = arith.constant 4 : i32
      %mul3A_117 = arith.muli %add3A, %mul3A_116 : i32
      %add3A_118 = arith.constant 2 : i32
      %add3A_119 = arith.addi %mul3A_117, %add3A_118 : i32
      %mul3A_120 = arith.constant 512 : i32
      %mul3A_121 = arith.muli %add3A_119, %mul3A_120 : i32
      %dma_start3A_122 = arith.constant 0 : i32
      %dma_start3A_123 = tpu.memref_slice %arg3[%mul3A_121, %dma_start3A_122] : memref<49152x64xf32, #tpu.memory_space<hbm>> -> memref<512x64xf32, #tpu.memory_space<hbm>>
      %dma_start3A_124 = arith.constant 0 : i32
      %dma_start3A_125 = tpu.memref_slice %arg3[%mul3A_121, %dma_start3A_124] : memref<49152x64xf32, #tpu.memory_space<hbm>> -> memref<512x64xf32, #tpu.memory_space<hbm>>
      tpu.enqueue_dma source(%arg4 : memref<512x64xf32, #tpu.memory_space<vmem>>) target(%dma_start3A_125 : memref<512x64xf32, #tpu.memory_space<hbm>>) target_semaphore(%arg8 : memref<!tpu.dma_semaphore, #tpu.memory_space<semaphore_mem>>)
      %dma_wait3A_126 = arith.constant 2 : i32
      %dma_wait3A_127 = arith.constant 1536 : i32
      %dma_wait3A_128 = arith.constant 0 : i32
      %dma_wait3A_129 = tpu.memref_slice %arg2[%dma_wait3A_126, %add3A, %dma_wait3A_127, %dma_wait3A_128] : memref<3x24x2048x64xf32, #tpu.memory_space<hbm>> -> memref<1x1x512x64xf32, #tpu.memory_space<hbm>>
      %dma_wait3A_130 = tpu.memref_squeeze %dma_wait3A_129 : memref<1x1x512x64xf32, #tpu.memory_space<hbm>> -> memref<512x64xf32, #tpu.memory_space<hbm>>
      %dma_wait3A_131 = arith.constant 1536 : i32
      %dma_wait3A_132 = arith.constant 0 : i32
      %dma_wait3A_133 = tpu.memref_slice %arg2[%dma_wait3A_126, %add3A, %dma_wait3A_131, %dma_wait3A_132] : memref<3x24x2048x64xf32, #tpu.memory_space<hbm>> -> memref<1x1x512x64xf32, #tpu.memory_space<hbm>>
      %dma_wait3A_134 = tpu.memref_squeeze %dma_wait3A_133 : memref<1x1x512x64xf32, #tpu.memory_space<hbm>> -> memref<512x64xf32, #tpu.memory_space<hbm>>
      tpu.wait_dma2 semaphore(%arg7 : memref<!tpu.dma_semaphore, #tpu.memory_space<semaphore_mem>>) src(%dma_wait3A_134 : memref<512x64xf32, #tpu.memory_space<hbm>>) dst(%arg5 : memref<512x64xf32, #tpu.memory_space<vmem>>)
      %scan3A_135 = arith.constant 0 : i32
      %scan3A_136 = arith.constant 64 : i32
      %scan3A_137 = arith.addi %scan3A_135, %scan3A_136 : i32
      %scan3A_138 = arith.constant 1 : i32
      %scan3A_139:4 = scf.for %scan3A_159 = %scan3A_135 to %scan3A_137 step %scan3A_138 iter_args(%scan3A_160 = %scan3A_114#0, %scan3A_161 = %scan3A_114#1, %scan3A_162 = %scan3A_114#2, %scan3A_163 = %scan3A_114#3) -> (vector<16xf32>, vector<16xf32>, vector<16xf32>, vector<16xf32>)  : i32 {
        %mul3A_164 = arith.constant 8 : i32
        %mul3A_165 = arith.muli %scan3A_159, %mul3A_164 : i32
        %add3A_166 = arith.constant 0 : i32
        %add3A_167 = arith.addi %mul3A_165, %add3A_166 : i32
        %get3A = arith.index_cast %add3A_167 : i32 to index
        %get3A_168 = arith.constant 0 : index
        %get3A_169 = tpu.vector_load %arg5[%get3A, %get3A_168] {strides = array<i32>} : memref<512x64xf32, #tpu.memory_space<vmem>>, vector<1x16xf32>,
        %get3A_170 = vector.shape_cast %get3A_169 : vector<1x16xf32> to vector<16xf32>
        %add3A_171 = arith.addf %scan3A_160, %get3A_170 : vector<16xf32>
        %swap3A = arith.index_cast %add3A_167 : i32 to index
        %swap3A_172 = arith.constant 0 : index
        %swap3A_173 = tpu.vector_load %arg5[%swap3A, %swap3A_172] {strides = array<i32>} : memref<512x64xf32, #tpu.memory_space<vmem>>, vector<1x16xf32>,
        %swap3A_174 = vector.shape_cast %swap3A_173 : vector<1x16xf32> to vector<16xf32>
        %swap3A_175 = vector.shape_cast %add3A_171 : vector<16xf32> to vector<1x16xf32>
        tpu.vector_store %arg5[%swap3A, %swap3A_172], %swap3A_175 {strides = array<i32>} : memref<512x64xf32, #tpu.memory_space<vmem>>, vector<1x16xf32>,
        %get3A_176 = arith.index_cast %add3A_167 : i32 to index
        %get3A_177 = arith.constant 16 : index
        %get3A_178 = tpu.vector_load %arg5[%get3A_176, %get3A_177] {strides = array<i32>} : memref<512x64xf32, #tpu.memory_space<vmem>>, vector<1x16xf32>,
        %get3A_179 = vector.shape_cast %get3A_178 : vector<1x16xf32> to vector<16xf32>
        %add3A_180 = arith.addf %scan3A_161, %get3A_179 : vector<16xf32>
        %swap3A_181 = arith.index_cast %add3A_167 : i32 to index
        %swap3A_182 = arith.constant 16 : index
        %swap3A_183 = tpu.vector_load %arg5[%swap3A_181, %swap3A_182] {strides = array<i32>} : memref<512x64xf32, #tpu.memory_space<vmem>>, vector<1x16xf32>,
        %swap3A_184 = vector.shape_cast %swap3A_183 : vector<1x16xf32> to vector<16xf32>
        %swap3A_185 = vector.shape_cast %add3A_180 : vector<16xf32> to vector<1x16xf32>
        tpu.vector_store %arg5[%swap3A_181, %swap3A_182], %swap3A_185 {strides = array<i32>} : memref<512x64xf32, #tpu.memory_space<vmem>>, vector<1x16xf32>,
        %get3A_186 = arith.index_cast %add3A_167 : i32 to index
        %get3A_187 = arith.constant 32 : index
        %get3A_188 = tpu.vector_load %arg5[%get3A_186, %get3A_187] {strides = array<i32>} : memref<512x64xf32, #tpu.memory_space<vmem>>, vector<1x16xf32>,
        %get3A_189 = vector.shape_cast %get3A_188 : vector<1x16xf32> to vector<16xf32>
        %add3A_190 = arith.addf %scan3A_162, %get3A_189 : vector<16xf32>
        %swap3A_191 = arith.index_cast %add3A_167 : i32 to index
        %swap3A_192 = arith.constant 32 : index
        %swap3A_193 = tpu.vector_load %arg5[%swap3A_191, %swap3A_192] {strides = array<i32>} : memref<512x64xf32, #tpu.memory_space<vmem>>, vector<1x16xf32>,
        %swap3A_194 = vector.shape_cast %swap3A_193 : vector<1x16xf32> to vector<16xf32>
        %swap3A_195 = vector.shape_cast %add3A_190 : vector<16xf32> to vector<1x16xf32>
        tpu.vector_store %arg5[%swap3A_191, %swap3A_192], %swap3A_195 {strides = array<i32>} : memref<512x64xf32, #tpu.memory_space<vmem>>, vector<1x16xf32>,
        %get3A_196 = arith.index_cast %add3A_167 : i32 to index
        %get3A_197 = arith.constant 48 : index
        %get3A_198 = tpu.vector_load %arg5[%get3A_196, %get3A_197] {strides = array<i32>} : memref<512x64xf32, #tpu.memory_space<vmem>>, vector<1x16xf32>,
        %get3A_199 = vector.shape_cast %get3A_198 : vector<1x16xf32> to vector<16xf32>
        %add3A_200 = arith.addf %scan3A_163, %get3A_199 : vector<16xf32>
        %swap3A_201 = arith.index_cast %add3A_167 : i32 to index
        %swap3A_202 = arith.constant 48 : index
        %swap3A_203 = tpu.vector_load %arg5[%swap3A_201, %swap3A_202] {strides = array<i32>} : memref<512x64xf32, #tpu.memory_space<vmem>>, vector<1x16xf32>,
        %swap3A_204 = vector.shape_cast %swap3A_203 : vector<1x16xf32> to vector<16xf32>
        %swap3A_205 = vector.shape_cast %add3A_200 : vector<16xf32> to vector<1x16xf32>
        tpu.vector_store %arg5[%swap3A_201, %swap3A_202], %swap3A_205 {strides = array<i32>} : memref<512x64xf32, #tpu.memory_space<vmem>>, vector<1x16xf32>,
        %mul3A_206 = arith.constant 8 : i32
        %mul3A_207 = arith.muli %scan3A_159, %mul3A_206 : i32
        %add3A_208 = arith.constant 1 : i32
        %add3A_209 = arith.addi %mul3A_207, %add3A_208 : i32
        %get3A_210 = arith.index_cast %add3A_209 : i32 to index
        %get3A_211 = arith.constant 0 : index
        %get3A_212 = tpu.vector_load %arg5[%get3A_210, %get3A_211] {strides = array<i32>} : memref<512x64xf32, #tpu.memory_space<vmem>>, vector<1x16xf32>,
        %get3A_213 = vector.shape_cast %get3A_212 : vector<1x16xf32> to vector<16xf32>
        %add3A_214 = arith.addf %add3A_171, %get3A_213 : vector<16xf32>
        %swap3A_215 = arith.index_cast %add3A_209 : i32 to index
        %swap3A_216 = arith.constant 0 : index
        %swap3A_217 = tpu.vector_load %arg5[%swap3A_215, %swap3A_216] {strides = array<i32>} : memref<512x64xf32, #tpu.memory_space<vmem>>, vector<1x16xf32>,
        %swap3A_218 = vector.shape_cast %swap3A_217 : vector<1x16xf32> to vector<16xf32>
        %swap3A_219 = vector.shape_cast %add3A_214 : vector<16xf32> to vector<1x16xf32>
        tpu.vector_store %arg5[%swap3A_215, %swap3A_216], %swap3A_219 {strides = array<i32>} : memref<512x64xf32, #tpu.memory_space<vmem>>, vector<1x16xf32>,
        %get3A_220 = arith.index_cast %add3A_209 : i32 to index
        %get3A_221 = arith.constant 16 : index
        %get3A_222 = tpu.vector_load %arg5[%get3A_220, %get3A_221] {strides = array<i32>} : memref<512x64xf32, #tpu.memory_space<vmem>>, vector<1x16xf32>,
        %get3A_223 = vector.shape_cast %get3A_222 : vector<1x16xf32> to vector<16xf32>
        %add3A_224 = arith.addf %add3A_180, %get3A_223 : vector<16xf32>
        %swap3A_225 = arith.index_cast %add3A_209 : i32 to index
        %swap3A_226 = arith.constant 16 : index
        %swap3A_227 = tpu.vector_load %arg5[%swap3A_225, %swap3A_226] {strides = array<i32>} : memref<512x64xf32, #tpu.memory_space<vmem>>, vector<1x16xf32>,
        %swap3A_228 = vector.shape_cast %swap3A_227 : vector<1x16xf32> to vector<16xf32>
        %swap3A_229 = vector.shape_cast %add3A_224 : vector<16xf32> to vector<1x16xf32>
        tpu.vector_store %arg5[%swap3A_225, %swap3A_226], %swap3A_229 {strides = array<i32>} : memref<512x64xf32, #tpu.memory_space<vmem>>, vector<1x16xf32>,
        %get3A_230 = arith.index_cast %add3A_209 : i32 to index
        %get3A_231 = arith.constant 32 : index
        %get3A_232 = tpu.vector_load %arg5[%get3A_230, %get3A_231] {strides = array<i32>} : memref<512x64xf32, #tpu.memory_space<vmem>>, vector<1x16xf32>,
        %get3A_233 = vector.shape_cast %get3A_232 : vector<1x16xf32> to vector<16xf32>
        %add3A_234 = arith.addf %add3A_190, %get3A_233 : vector<16xf32>
        %swap3A_235 = arith.index_cast %add3A_209 : i32 to index
        %swap3A_236 = arith.constant 32 : index
        %swap3A_237 = tpu.vector_load %arg5[%swap3A_235, %swap3A_236] {strides = array<i32>} : memref<512x64xf32, #tpu.memory_space<vmem>>, vector<1x16xf32>,
        %swap3A_238 = vector.shape_cast %swap3A_237 : vector<1x16xf32> to vector<16xf32>
        %swap3A_239 = vector.shape_cast %add3A_234 : vector<16xf32> to vector<1x16xf32>
        tpu.vector_store %arg5[%swap3A_235, %swap3A_236], %swap3A_239 {strides = array<i32>} : memref<512x64xf32, #tpu.memory_space<vmem>>, vector<1x16xf32>,
        %get3A_240 = arith.index_cast %add3A_209 : i32 to index
        %get3A_241 = arith.constant 48 : index
        %get3A_242 = tpu.vector_load %arg5[%get3A_240, %get3A_241] {strides = array<i32>} : memref<512x64xf32, #tpu.memory_space<vmem>>, vector<1x16xf32>,
        %get3A_243 = vector.shape_cast %get3A_242 : vector<1x16xf32> to vector<16xf32>
        %add3A_244 = arith.addf %add3A_200, %get3A_243 : vector<16xf32>
        %swap3A_245 = arith.index_cast %add3A_209 : i32 to index
        %swap3A_246 = arith.constant 48 : index
        %swap3A_247 = tpu.vector_load %arg5[%swap3A_245, %swap3A_246] {strides = array<i32>} : memref<512x64xf32, #tpu.memory_space<vmem>>, vector<1x16xf32>,
        %swap3A_248 = vector.shape_cast %swap3A_247 : vector<1x16xf32> to vector<16xf32>
        %swap3A_249 = vector.shape_cast %add3A_244 : vector<16xf32> to vector<1x16xf32>
        tpu.vector_store %arg5[%swap3A_245, %swap3A_246], %swap3A_249 {strides = array<i32>} : memref<512x64xf32, #tpu.memory_space<vmem>>, vector<1x16xf32>,
        %mul3A_250 = arith.constant 8 : i32
        %mul3A_251 = arith.muli %scan3A_159, %mul3A_250 : i32
        %add3A_252 = arith.constant 2 : i32
        %add3A_253 = arith.addi %mul3A_251, %add3A_252 : i32
        %get3A_254 = arith.index_cast %add3A_253 : i32 to index
        %get3A_255 = arith.constant 0 : index
        %get3A_256 = tpu.vector_load %arg5[%get3A_254, %get3A_255] {strides = array<i32>} : memref<512x64xf32, #tpu.memory_space<vmem>>, vector<1x16xf32>,
        %get3A_257 = vector.shape_cast %get3A_256 : vector<1x16xf32> to vector<16xf32>
        %add3A_258 = arith.addf %add3A_214, %get3A_257 : vector<16xf32>
        %swap3A_259 = arith.index_cast %add3A_253 : i32 to index
        %swap3A_260 = arith.constant 0 : index
        %swap3A_261 = tpu.vector_load %arg5[%swap3A_259, %swap3A_260] {strides = array<i32>} : memref<512x64xf32, #tpu.memory_space<vmem>>, vector<1x16xf32>,
        %swap3A_262 = vector.shape_cast %swap3A_261 : vector<1x16xf32> to vector<16xf32>
        %swap3A_263 = vector.shape_cast %add3A_258 : vector<16xf32> to vector<1x16xf32>
        tpu.vector_store %arg5[%swap3A_259, %swap3A_260], %swap3A_263 {strides = array<i32>} : memref<512x64xf32, #tpu.memory_space<vmem>>, vector<1x16xf32>,
        %get3A_264 = arith.index_cast %add3A_253 : i32 to index
        %get3A_265 = arith.constant 16 : index
        %get3A_266 = tpu.vector_load %arg5[%get3A_264, %get3A_265] {strides = array<i32>} : memref<512x64xf32, #tpu.memory_space<vmem>>, vector<1x16xf32>,
        %get3A_267 = vector.shape_cast %get3A_266 : vector<1x16xf32> to vector<16xf32>
        %add3A_268 = arith.addf %add3A_224, %get3A_267 : vector<16xf32>
        %swap3A_269 = arith.index_cast %add3A_253 : i32 to index
        %swap3A_270 = arith.constant 16 : index
        %swap3A_271 = tpu.vector_load %arg5[%swap3A_269, %swap3A_270] {strides = array<i32>} : memref<512x64xf32, #tpu.memory_space<vmem>>, vector<1x16xf32>,
        %swap3A_272 = vector.shape_cast %swap3A_271 : vector<1x16xf32> to vector<16xf32>
        %swap3A_273 = vector.shape_cast %add3A_268 : vector<16xf32> to vector<1x16xf32>
        tpu.vector_store %arg5[%swap3A_269, %swap3A_270], %swap3A_273 {strides = array<i32>} : memref<512x64xf32, #tpu.memory_space<vmem>>, vector<1x16xf32>,
        %get3A_274 = arith.index_cast %add3A_253 : i32 to index
        %get3A_275 = arith.constant 32 : index
        %get3A_276 = tpu.vector_load %arg5[%get3A_274, %get3A_275] {strides = array<i32>} : memref<512x64xf32, #tpu.memory_space<vmem>>, vector<1x16xf32>,
        %get3A_277 = vector.shape_cast %get3A_276 : vector<1x16xf32> to vector<16xf32>
        %add3A_278 = arith.addf %add3A_234, %get3A_277 : vector<16xf32>
        %swap3A_279 = arith.index_cast %add3A_253 : i32 to index
        %swap3A_280 = arith.constant 32 : index
        %swap3A_281 = tpu.vector_load %arg5[%swap3A_279, %swap3A_280] {strides = array<i32>} : memref<512x64xf32, #tpu.memory_space<vmem>>, vector<1x16xf32>,
        %swap3A_282 = vector.shape_cast %swap3A_281 : vector<1x16xf32> to vector<16xf32>
        %swap3A_283 = vector.shape_cast %add3A_278 : vector<16xf32> to vector<1x16xf32>
        tpu.vector_store %arg5[%swap3A_279, %swap3A_280], %swap3A_283 {strides = array<i32>} : memref<512x64xf32, #tpu.memory_space<vmem>>, vector<1x16xf32>,
        %get3A_284 = arith.index_cast %add3A_253 : i32 to index
        %get3A_285 = arith.constant 48 : index
        %get3A_286 = tpu.vector_load %arg5[%get3A_284, %get3A_285] {strides = array<i32>} : memref<512x64xf32, #tpu.memory_space<vmem>>, vector<1x16xf32>,
        %get3A_287 = vector.shape_cast %get3A_286 : vector<1x16xf32> to vector<16xf32>
        %add3A_288 = arith.addf %add3A_244, %get3A_287 : vector<16xf32>
        %swap3A_289 = arith.index_cast %add3A_253 : i32 to index
        %swap3A_290 = arith.constant 48 : index
        %swap3A_291 = tpu.vector_load %arg5[%swap3A_289, %swap3A_290] {strides = array<i32>} : memref<512x64xf32, #tpu.memory_space<vmem>>, vector<1x16xf32>,
        %swap3A_292 = vector.shape_cast %swap3A_291 : vector<1x16xf32> to vector<16xf32>
        %swap3A_293 = vector.shape_cast %add3A_288 : vector<16xf32> to vector<1x16xf32>
        tpu.vector_store %arg5[%swap3A_289, %swap3A_290], %swap3A_293 {strides = array<i32>} : memref<512x64xf32, #tpu.memory_space<vmem>>, vector<1x16xf32>,
        %mul3A_294 = arith.constant 8 : i32
        %mul3A_295 = arith.muli %scan3A_159, %mul3A_294 : i32
        %add3A_296 = arith.constant 3 : i32
        %add3A_297 = arith.addi %mul3A_295, %add3A_296 : i32
        %get3A_298 = arith.index_cast %add3A_297 : i32 to index
        %get3A_299 = arith.constant 0 : index
        %get3A_300 = tpu.vector_load %arg5[%get3A_298, %get3A_299] {strides = array<i32>} : memref<512x64xf32, #tpu.memory_space<vmem>>, vector<1x16xf32>,
        %get3A_301 = vector.shape_cast %get3A_300 : vector<1x16xf32> to vector<16xf32>
        %add3A_302 = arith.addf %add3A_258, %get3A_301 : vector<16xf32>
        %swap3A_303 = arith.index_cast %add3A_297 : i32 to index
        %swap3A_304 = arith.constant 0 : index
        %swap3A_305 = tpu.vector_load %arg5[%swap3A_303, %swap3A_304] {strides = array<i32>} : memref<512x64xf32, #tpu.memory_space<vmem>>, vector<1x16xf32>,
        %swap3A_306 = vector.shape_cast %swap3A_305 : vector<1x16xf32> to vector<16xf32>
        %swap3A_307 = vector.shape_cast %add3A_302 : vector<16xf32> to vector<1x16xf32>
        tpu.vector_store %arg5[%swap3A_303, %swap3A_304], %swap3A_307 {strides = array<i32>} : memref<512x64xf32, #tpu.memory_space<vmem>>, vector<1x16xf32>,
        %get3A_308 = arith.index_cast %add3A_297 : i32 to index
        %get3A_309 = arith.constant 16 : index
        %get3A_310 = tpu.vector_load %arg5[%get3A_308, %get3A_309] {strides = array<i32>} : memref<512x64xf32, #tpu.memory_space<vmem>>, vector<1x16xf32>,
        %get3A_311 = vector.shape_cast %get3A_310 : vector<1x16xf32> to vector<16xf32>
        %add3A_312 = arith.addf %add3A_268, %get3A_311 : vector<16xf32>
        %swap3A_313 = arith.index_cast %add3A_297 : i32 to index
        %swap3A_314 = arith.constant 16 : index
        %swap3A_315 = tpu.vector_load %arg5[%swap3A_313, %swap3A_314] {strides = array<i32>} : memref<512x64xf32, #tpu.memory_space<vmem>>, vector<1x16xf32>,
        %swap3A_316 = vector.shape_cast %swap3A_315 : vector<1x16xf32> to vector<16xf32>
        %swap3A_317 = vector.shape_cast %add3A_312 : vector<16xf32> to vector<1x16xf32>
        tpu.vector_store %arg5[%swap3A_313, %swap3A_314], %swap3A_317 {strides = array<i32>} : memref<512x64xf32, #tpu.memory_space<vmem>>, vector<1x16xf32>,
        %get3A_318 = arith.index_cast %add3A_297 : i32 to index
        %get3A_319 = arith.constant 32 : index
        %get3A_320 = tpu.vector_load %arg5[%get3A_318, %get3A_319] {strides = array<i32>} : memref<512x64xf32, #tpu.memory_space<vmem>>, vector<1x16xf32>,
        %get3A_321 = vector.shape_cast %get3A_320 : vector<1x16xf32> to vector<16xf32>
        %add3A_322 = arith.addf %add3A_278, %get3A_321 : vector<16xf32>
        %swap3A_323 = arith.index_cast %add3A_297 : i32 to index
        %swap3A_324 = arith.constant 32 : index
        %swap3A_325 = tpu.vector_load %arg5[%swap3A_323, %swap3A_324] {strides = array<i32>} : memref<512x64xf32, #tpu.memory_space<vmem>>, vector<1x16xf32>,
        %swap3A_326 = vector.shape_cast %swap3A_325 : vector<1x16xf32> to vector<16xf32>
        %swap3A_327 = vector.shape_cast %add3A_322 : vector<16xf32> to vector<1x16xf32>
        tpu.vector_store %arg5[%swap3A_323, %swap3A_324], %swap3A_327 {strides = array<i32>} : memref<512x64xf32, #tpu.memory_space<vmem>>, vector<1x16xf32>,
        %get3A_328 = arith.index_cast %add3A_297 : i32 to index
        %get3A_329 = arith.constant 48 : index
        %get3A_330 = tpu.vector_load %arg5[%get3A_328, %get3A_329] {strides = array<i32>} : memref<512x64xf32, #tpu.memory_space<vmem>>, vector<1x16xf32>,
        %get3A_331 = vector.shape_cast %get3A_330 : vector<1x16xf32> to vector<16xf32>
        %add3A_332 = arith.addf %add3A_288, %get3A_331 : vector<16xf32>
        %swap3A_333 = arith.index_cast %add3A_297 : i32 to index
        %swap3A_334 = arith.constant 48 : index
        %swap3A_335 = tpu.vector_load %arg5[%swap3A_333, %swap3A_334] {strides = array<i32>} : memref<512x64xf32, #tpu.memory_space<vmem>>, vector<1x16xf32>,
        %swap3A_336 = vector.shape_cast %swap3A_335 : vector<1x16xf32> to vector<16xf32>
        %swap3A_337 = vector.shape_cast %add3A_332 : vector<16xf32> to vector<1x16xf32>
        tpu.vector_store %arg5[%swap3A_333, %swap3A_334], %swap3A_337 {strides = array<i32>} : memref<512x64xf32, #tpu.memory_space<vmem>>, vector<1x16xf32>,
        %mul3A_338 = arith.constant 8 : i32
        %mul3A_339 = arith.muli %scan3A_159, %mul3A_338 : i32
        %add3A_340 = arith.constant 4 : i32
        %add3A_341 = arith.addi %mul3A_339, %add3A_340 : i32
        %get3A_342 = arith.index_cast %add3A_341 : i32 to index
        %get3A_343 = arith.constant 0 : index
        %get3A_344 = tpu.vector_load %arg5[%get3A_342, %get3A_343] {strides = array<i32>} : memref<512x64xf32, #tpu.memory_space<vmem>>, vector<1x16xf32>,
        %get3A_345 = vector.shape_cast %get3A_344 : vector<1x16xf32> to vector<16xf32>
        %add3A_346 = arith.addf %add3A_302, %get3A_345 : vector<16xf32>
        %swap3A_347 = arith.index_cast %add3A_341 : i32 to index
        %swap3A_348 = arith.constant 0 : index
        %swap3A_349 = tpu.vector_load %arg5[%swap3A_347, %swap3A_348] {strides = array<i32>} : memref<512x64xf32, #tpu.memory_space<vmem>>, vector<1x16xf32>,
        %swap3A_350 = vector.shape_cast %swap3A_349 : vector<1x16xf32> to vector<16xf32>
        %swap3A_351 = vector.shape_cast %add3A_346 : vector<16xf32> to vector<1x16xf32>
        tpu.vector_store %arg5[%swap3A_347, %swap3A_348], %swap3A_351 {strides = array<i32>} : memref<512x64xf32, #tpu.memory_space<vmem>>, vector<1x16xf32>,
        %get3A_352 = arith.index_cast %add3A_341 : i32 to index
        %get3A_353 = arith.constant 16 : index
        %get3A_354 = tpu.vector_load %arg5[%get3A_352, %get3A_353] {strides = array<i32>} : memref<512x64xf32, #tpu.memory_space<vmem>>, vector<1x16xf32>,
        %get3A_355 = vector.shape_cast %get3A_354 : vector<1x16xf32> to vector<16xf32>
        %add3A_356 = arith.addf %add3A_312, %get3A_355 : vector<16xf32>
        %swap3A_357 = arith.index_cast %add3A_341 : i32 to index
        %swap3A_358 = arith.constant 16 : index
        %swap3A_359 = tpu.vector_load %arg5[%swap3A_357, %swap3A_358] {strides = array<i32>} : memref<512x64xf32, #tpu.memory_space<vmem>>, vector<1x16xf32>,
        %swap3A_360 = vector.shape_cast %swap3A_359 : vector<1x16xf32> to vector<16xf32>
        %swap3A_361 = vector.shape_cast %add3A_356 : vector<16xf32> to vector<1x16xf32>
        tpu.vector_store %arg5[%swap3A_357, %swap3A_358], %swap3A_361 {strides = array<i32>} : memref<512x64xf32, #tpu.memory_space<vmem>>, vector<1x16xf32>,
        %get3A_362 = arith.index_cast %add3A_341 : i32 to index
        %get3A_363 = arith.constant 32 : index
        %get3A_364 = tpu.vector_load %arg5[%get3A_362, %get3A_363] {strides = array<i32>} : memref<512x64xf32, #tpu.memory_space<vmem>>, vector<1x16xf32>,
        %get3A_365 = vector.shape_cast %get3A_364 : vector<1x16xf32> to vector<16xf32>
        %add3A_366 = arith.addf %add3A_322, %get3A_365 : vector<16xf32>
        %swap3A_367 = arith.index_cast %add3A_341 : i32 to index
        %swap3A_368 = arith.constant 32 : index
        %swap3A_369 = tpu.vector_load %arg5[%swap3A_367, %swap3A_368] {strides = array<i32>} : memref<512x64xf32, #tpu.memory_space<vmem>>, vector<1x16xf32>,
        %swap3A_370 = vector.shape_cast %swap3A_369 : vector<1x16xf32> to vector<16xf32>
        %swap3A_371 = vector.shape_cast %add3A_366 : vector<16xf32> to vector<1x16xf32>
        tpu.vector_store %arg5[%swap3A_367, %swap3A_368], %swap3A_371 {strides = array<i32>} : memref<512x64xf32, #tpu.memory_space<vmem>>, vector<1x16xf32>,
        %get3A_372 = arith.index_cast %add3A_341 : i32 to index
        %get3A_373 = arith.constant 48 : index
        %get3A_374 = tpu.vector_load %arg5[%get3A_372, %get3A_373] {strides = array<i32>} : memref<512x64xf32, #tpu.memory_space<vmem>>, vector<1x16xf32>,
        %get3A_375 = vector.shape_cast %get3A_374 : vector<1x16xf32> to vector<16xf32>
        %add3A_376 = arith.addf %add3A_332, %get3A_375 : vector<16xf32>
        %swap3A_377 = arith.index_cast %add3A_341 : i32 to index
        %swap3A_378 = arith.constant 48 : index
        %swap3A_379 = tpu.vector_load %arg5[%swap3A_377, %swap3A_378] {strides = array<i32>} : memref<512x64xf32, #tpu.memory_space<vmem>>, vector<1x16xf32>,
        %swap3A_380 = vector.shape_cast %swap3A_379 : vector<1x16xf32> to vector<16xf32>
        %swap3A_381 = vector.shape_cast %add3A_376 : vector<16xf32> to vector<1x16xf32>
        tpu.vector_store %arg5[%swap3A_377, %swap3A_378], %swap3A_381 {strides = array<i32>} : memref<512x64xf32, #tpu.memory_space<vmem>>, vector<1x16xf32>,
        %mul3A_382 = arith.constant 8 : i32
        %mul3A_383 = arith.muli %scan3A_159, %mul3A_382 : i32
        %add3A_384 = arith.constant 5 : i32
        %add3A_385 = arith.addi %mul3A_383, %add3A_384 : i32
        %get3A_386 = arith.index_cast %add3A_385 : i32 to index
        %get3A_387 = arith.constant 0 : index
        %get3A_388 = tpu.vector_load %arg5[%get3A_386, %get3A_387] {strides = array<i32>} : memref<512x64xf32, #tpu.memory_space<vmem>>, vector<1x16xf32>,
        %get3A_389 = vector.shape_cast %get3A_388 : vector<1x16xf32> to vector<16xf32>
        %add3A_390 = arith.addf %add3A_346, %get3A_389 : vector<16xf32>
        %swap3A_391 = arith.index_cast %add3A_385 : i32 to index
        %swap3A_392 = arith.constant 0 : index
        %swap3A_393 = tpu.vector_load %arg5[%swap3A_391, %swap3A_392] {strides = array<i32>} : memref<512x64xf32, #tpu.memory_space<vmem>>, vector<1x16xf32>,
        %swap3A_394 = vector.shape_cast %swap3A_393 : vector<1x16xf32> to vector<16xf32>
        %swap3A_395 = vector.shape_cast %add3A_390 : vector<16xf32> to vector<1x16xf32>
        tpu.vector_store %arg5[%swap3A_391, %swap3A_392], %swap3A_395 {strides = array<i32>} : memref<512x64xf32, #tpu.memory_space<vmem>>, vector<1x16xf32>,
        %get3A_396 = arith.index_cast %add3A_385 : i32 to index
        %get3A_397 = arith.constant 16 : index
        %get3A_398 = tpu.vector_load %arg5[%get3A_396, %get3A_397] {strides = array<i32>} : memref<512x64xf32, #tpu.memory_space<vmem>>, vector<1x16xf32>,
        %get3A_399 = vector.shape_cast %get3A_398 : vector<1x16xf32> to vector<16xf32>
        %add3A_400 = arith.addf %add3A_356, %get3A_399 : vector<16xf32>
        %swap3A_401 = arith.index_cast %add3A_385 : i32 to index
        %swap3A_402 = arith.constant 16 : index
        %swap3A_403 = tpu.vector_load %arg5[%swap3A_401, %swap3A_402] {strides = array<i32>} : memref<512x64xf32, #tpu.memory_space<vmem>>, vector<1x16xf32>,
        %swap3A_404 = vector.shape_cast %swap3A_403 : vector<1x16xf32> to vector<16xf32>
        %swap3A_405 = vector.shape_cast %add3A_400 : vector<16xf32> to vector<1x16xf32>
        tpu.vector_store %arg5[%swap3A_401, %swap3A_402], %swap3A_405 {strides = array<i32>} : memref<512x64xf32, #tpu.memory_space<vmem>>, vector<1x16xf32>,
        %get3A_406 = arith.index_cast %add3A_385 : i32 to index
        %get3A_407 = arith.constant 32 : index
        %get3A_408 = tpu.vector_load %arg5[%get3A_406, %get3A_407] {strides = array<i32>} : memref<512x64xf32, #tpu.memory_space<vmem>>, vector<1x16xf32>,
        %get3A_409 = vector.shape_cast %get3A_408 : vector<1x16xf32> to vector<16xf32>
        %add3A_410 = arith.addf %add3A_366, %get3A_409 : vector<16xf32>
        %swap3A_411 = arith.index_cast %add3A_385 : i32 to index
        %swap3A_412 = arith.constant 32 : index
        %swap3A_413 = tpu.vector_load %arg5[%swap3A_411, %swap3A_412] {strides = array<i32>} : memref<512x64xf32, #tpu.memory_space<vmem>>, vector<1x16xf32>,
        %swap3A_414 = vector.shape_cast %swap3A_413 : vector<1x16xf32> to vector<16xf32>
        %swap3A_415 = vector.shape_cast %add3A_410 : vector<16xf32> to vector<1x16xf32>
        tpu.vector_store %arg5[%swap3A_411, %swap3A_412], %swap3A_415 {strides = array<i32>} : memref<512x64xf32, #tpu.memory_space<vmem>>, vector<1x16xf32>,
        %get3A_416 = arith.index_cast %add3A_385 : i32 to index
        %get3A_417 = arith.constant 48 : index
        %get3A_418 = tpu.vector_load %arg5[%get3A_416, %get3A_417] {strides = array<i32>} : memref<512x64xf32, #tpu.memory_space<vmem>>, vector<1x16xf32>,
        %get3A_419 = vector.shape_cast %get3A_418 : vector<1x16xf32> to vector<16xf32>
        %add3A_420 = arith.addf %add3A_376, %get3A_419 : vector<16xf32>
        %swap3A_421 = arith.index_cast %add3A_385 : i32 to index
        %swap3A_422 = arith.constant 48 : index
        %swap3A_423 = tpu.vector_load %arg5[%swap3A_421, %swap3A_422] {strides = array<i32>} : memref<512x64xf32, #tpu.memory_space<vmem>>, vector<1x16xf32>,
        %swap3A_424 = vector.shape_cast %swap3A_423 : vector<1x16xf32> to vector<16xf32>
        %swap3A_425 = vector.shape_cast %add3A_420 : vector<16xf32> to vector<1x16xf32>
        tpu.vector_store %arg5[%swap3A_421, %swap3A_422], %swap3A_425 {strides = array<i32>} : memref<512x64xf32, #tpu.memory_space<vmem>>, vector<1x16xf32>,
        %mul3A_426 = arith.constant 8 : i32
        %mul3A_427 = arith.muli %scan3A_159, %mul3A_426 : i32
        %add3A_428 = arith.constant 6 : i32
        %add3A_429 = arith.addi %mul3A_427, %add3A_428 : i32
        %get3A_430 = arith.index_cast %add3A_429 : i32 to index
        %get3A_431 = arith.constant 0 : index
        %get3A_432 = tpu.vector_load %arg5[%get3A_430, %get3A_431] {strides = array<i32>} : memref<512x64xf32, #tpu.memory_space<vmem>>, vector<1x16xf32>,
        %get3A_433 = vector.shape_cast %get3A_432 : vector<1x16xf32> to vector<16xf32>
        %add3A_434 = arith.addf %add3A_390, %get3A_433 : vector<16xf32>
        %swap3A_435 = arith.index_cast %add3A_429 : i32 to index
        %swap3A_436 = arith.constant 0 : index
        %swap3A_437 = tpu.vector_load %arg5[%swap3A_435, %swap3A_436] {strides = array<i32>} : memref<512x64xf32, #tpu.memory_space<vmem>>, vector<1x16xf32>,
        %swap3A_438 = vector.shape_cast %swap3A_437 : vector<1x16xf32> to vector<16xf32>
        %swap3A_439 = vector.shape_cast %add3A_434 : vector<16xf32> to vector<1x16xf32>
        tpu.vector_store %arg5[%swap3A_435, %swap3A_436], %swap3A_439 {strides = array<i32>} : memref<512x64xf32, #tpu.memory_space<vmem>>, vector<1x16xf32>,
        %get3A_440 = arith.index_cast %add3A_429 : i32 to index
        %get3A_441 = arith.constant 16 : index
        %get3A_442 = tpu.vector_load %arg5[%get3A_440, %get3A_441] {strides = array<i32>} : memref<512x64xf32, #tpu.memory_space<vmem>>, vector<1x16xf32>,
        %get3A_443 = vector.shape_cast %get3A_442 : vector<1x16xf32> to vector<16xf32>
        %add3A_444 = arith.addf %add3A_400, %get3A_443 : vector<16xf32>
        %swap3A_445 = arith.index_cast %add3A_429 : i32 to index
        %swap3A_446 = arith.constant 16 : index
        %swap3A_447 = tpu.vector_load %arg5[%swap3A_445, %swap3A_446] {strides = array<i32>} : memref<512x64xf32, #tpu.memory_space<vmem>>, vector<1x16xf32>,
        %swap3A_448 = vector.shape_cast %swap3A_447 : vector<1x16xf32> to vector<16xf32>
        %swap3A_449 = vector.shape_cast %add3A_444 : vector<16xf32> to vector<1x16xf32>
        tpu.vector_store %arg5[%swap3A_445, %swap3A_446], %swap3A_449 {strides = array<i32>} : memref<512x64xf32, #tpu.memory_space<vmem>>, vector<1x16xf32>,
        %get3A_450 = arith.index_cast %add3A_429 : i32 to index
        %get3A_451 = arith.constant 32 : index
        %get3A_452 = tpu.vector_load %arg5[%get3A_450, %get3A_451] {strides = array<i32>} : memref<512x64xf32, #tpu.memory_space<vmem>>, vector<1x16xf32>,
        %get3A_453 = vector.shape_cast %get3A_452 : vector<1x16xf32> to vector<16xf32>
        %add3A_454 = arith.addf %add3A_410, %get3A_453 : vector<16xf32>
        %swap3A_455 = arith.index_cast %add3A_429 : i32 to index
        %swap3A_456 = arith.constant 32 : index
        %swap3A_457 = tpu.vector_load %arg5[%swap3A_455, %swap3A_456] {strides = array<i32>} : memref<512x64xf32, #tpu.memory_space<vmem>>, vector<1x16xf32>,
        %swap3A_458 = vector.shape_cast %swap3A_457 : vector<1x16xf32> to vector<16xf32>
        %swap3A_459 = vector.shape_cast %add3A_454 : vector<16xf32> to vector<1x16xf32>
        tpu.vector_store %arg5[%swap3A_455, %swap3A_456], %swap3A_459 {strides = array<i32>} : memref<512x64xf32, #tpu.memory_space<vmem>>, vector<1x16xf32>,
        %get3A_460 = arith.index_cast %add3A_429 : i32 to index
        %get3A_461 = arith.constant 48 : index
        %get3A_462 = tpu.vector_load %arg5[%get3A_460, %get3A_461] {strides = array<i32>} : memref<512x64xf32, #tpu.memory_space<vmem>>, vector<1x16xf32>,
        %get3A_463 = vector.shape_cast %get3A_462 : vector<1x16xf32> to vector<16xf32>
        %add3A_464 = arith.addf %add3A_420, %get3A_463 : vector<16xf32>
        %swap3A_465 = arith.index_cast %add3A_429 : i32 to index
        %swap3A_466 = arith.constant 48 : index
        %swap3A_467 = tpu.vector_load %arg5[%swap3A_465, %swap3A_466] {strides = array<i32>} : memref<512x64xf32, #tpu.memory_space<vmem>>, vector<1x16xf32>,
        %swap3A_468 = vector.shape_cast %swap3A_467 : vector<1x16xf32> to vector<16xf32>
        %swap3A_469 = vector.shape_cast %add3A_464 : vector<16xf32> to vector<1x16xf32>
        tpu.vector_store %arg5[%swap3A_465, %swap3A_466], %swap3A_469 {strides = array<i32>} : memref<512x64xf32, #tpu.memory_space<vmem>>, vector<1x16xf32>,
        %mul3A_470 = arith.constant 8 : i32
        %mul3A_471 = arith.muli %scan3A_159, %mul3A_470 : i32
        %add3A_472 = arith.constant 7 : i32
        %add3A_473 = arith.addi %mul3A_471, %add3A_472 : i32
        %get3A_474 = arith.index_cast %add3A_473 : i32 to index
        %get3A_475 = arith.constant 0 : index
        %get3A_476 = tpu.vector_load %arg5[%get3A_474, %get3A_475] {strides = array<i32>} : memref<512x64xf32, #tpu.memory_space<vmem>>, vector<1x16xf32>,
        %get3A_477 = vector.shape_cast %get3A_476 : vector<1x16xf32> to vector<16xf32>
        %add3A_478 = arith.addf %add3A_434, %get3A_477 : vector<16xf32>
        %swap3A_479 = arith.index_cast %add3A_473 : i32 to index
        %swap3A_480 = arith.constant 0 : index
        %swap3A_481 = tpu.vector_load %arg5[%swap3A_479, %swap3A_480] {strides = array<i32>} : memref<512x64xf32, #tpu.memory_space<vmem>>, vector<1x16xf32>,
        %swap3A_482 = vector.shape_cast %swap3A_481 : vector<1x16xf32> to vector<16xf32>
        %swap3A_483 = vector.shape_cast %add3A_478 : vector<16xf32> to vector<1x16xf32>
        tpu.vector_store %arg5[%swap3A_479, %swap3A_480], %swap3A_483 {strides = array<i32>} : memref<512x64xf32, #tpu.memory_space<vmem>>, vector<1x16xf32>,
        %get3A_484 = arith.index_cast %add3A_473 : i32 to index
        %get3A_485 = arith.constant 16 : index
        %get3A_486 = tpu.vector_load %arg5[%get3A_484, %get3A_485] {strides = array<i32>} : memref<512x64xf32, #tpu.memory_space<vmem>>, vector<1x16xf32>,
        %get3A_487 = vector.shape_cast %get3A_486 : vector<1x16xf32> to vector<16xf32>
        %add3A_488 = arith.addf %add3A_444, %get3A_487 : vector<16xf32>
        %swap3A_489 = arith.index_cast %add3A_473 : i32 to index
        %swap3A_490 = arith.constant 16 : index
        %swap3A_491 = tpu.vector_load %arg5[%swap3A_489, %swap3A_490] {strides = array<i32>} : memref<512x64xf32, #tpu.memory_space<vmem>>, vector<1x16xf32>,
        %swap3A_492 = vector.shape_cast %swap3A_491 : vector<1x16xf32> to vector<16xf32>
        %swap3A_493 = vector.shape_cast %add3A_488 : vector<16xf32> to vector<1x16xf32>
        tpu.vector_store %arg5[%swap3A_489, %swap3A_490], %swap3A_493 {strides = array<i32>} : memref<512x64xf32, #tpu.memory_space<vmem>>, vector<1x16xf32>,
        %get3A_494 = arith.index_cast %add3A_473 : i32 to index
        %get3A_495 = arith.constant 32 : index
        %get3A_496 = tpu.vector_load %arg5[%get3A_494, %get3A_495] {strides = array<i32>} : memref<512x64xf32, #tpu.memory_space<vmem>>, vector<1x16xf32>,
        %get3A_497 = vector.shape_cast %get3A_496 : vector<1x16xf32> to vector<16xf32>
        %add3A_498 = arith.addf %add3A_454, %get3A_497 : vector<16xf32>
        %swap3A_499 = arith.index_cast %add3A_473 : i32 to index
        %swap3A_500 = arith.constant 32 : index
        %swap3A_501 = tpu.vector_load %arg5[%swap3A_499, %swap3A_500] {strides = array<i32>} : memref<512x64xf32, #tpu.memory_space<vmem>>, vector<1x16xf32>,
        %swap3A_502 = vector.shape_cast %swap3A_501 : vector<1x16xf32> to vector<16xf32>
        %swap3A_503 = vector.shape_cast %add3A_498 : vector<16xf32> to vector<1x16xf32>
        tpu.vector_store %arg5[%swap3A_499, %swap3A_500], %swap3A_503 {strides = array<i32>} : memref<512x64xf32, #tpu.memory_space<vmem>>, vector<1x16xf32>,
        %get3A_504 = arith.index_cast %add3A_473 : i32 to index
        %get3A_505 = arith.constant 48 : index
        %get3A_506 = tpu.vector_load %arg5[%get3A_504, %get3A_505] {strides = array<i32>} : memref<512x64xf32, #tpu.memory_space<vmem>>, vector<1x16xf32>,
        %get3A_507 = vector.shape_cast %get3A_506 : vector<1x16xf32> to vector<16xf32>
        %add3A_508 = arith.addf %add3A_464, %get3A_507 : vector<16xf32>
        %swap3A_509 = arith.index_cast %add3A_473 : i32 to index
        %swap3A_510 = arith.constant 48 : index
        %swap3A_511 = tpu.vector_load %arg5[%swap3A_509, %swap3A_510] {strides = array<i32>} : memref<512x64xf32, #tpu.memory_space<vmem>>, vector<1x16xf32>,
        %swap3A_512 = vector.shape_cast %swap3A_511 : vector<1x16xf32> to vector<16xf32>
        %swap3A_513 = vector.shape_cast %add3A_508 : vector<16xf32> to vector<1x16xf32>
        tpu.vector_store %arg5[%swap3A_509, %swap3A_510], %swap3A_513 {strides = array<i32>} : memref<512x64xf32, #tpu.memory_space<vmem>>, vector<1x16xf32>,
        scf.yield %add3A_478, %add3A_488, %add3A_498, %add3A_508 : vector<16xf32>, vector<16xf32>, vector<16xf32>, vector<16xf32>
      }
      %scan3A_140 = arith.constant 64 : i32
      %mul3A_141 = arith.constant 4 : i32
      %mul3A_142 = arith.muli %add3A, %mul3A_141 : i32
      %add3A_143 = arith.constant 3 : i32
      %add3A_144 = arith.addi %mul3A_142, %add3A_143 : i32
      %mul3A_145 = arith.constant 512 : i32
      %mul3A_146 = arith.muli %add3A_144, %mul3A_145 : i32
      %dma_start3A_147 = arith.constant 0 : i32
      %dma_start3A_148 = tpu.memref_slice %arg3[%mul3A_146, %dma_start3A_147] : memref<49152x64xf32, #tpu.memory_space<hbm>> -> memref<512x64xf32, #tpu.memory_space<hbm>>
      %dma_start3A_149 = arith.constant 0 : i32
      %dma_start3A_150 = tpu.memref_slice %arg3[%mul3A_146, %dma_start3A_149] : memref<49152x64xf32, #tpu.memory_space<hbm>> -> memref<512x64xf32, #tpu.memory_space<hbm>>
      tpu.enqueue_dma source(%arg5 : memref<512x64xf32, #tpu.memory_space<vmem>>) target(%dma_start3A_150 : memref<512x64xf32, #tpu.memory_space<hbm>>) target_semaphore(%arg9 : memref<!tpu.dma_semaphore, #tpu.memory_space<semaphore_mem>>)
      %dma_wait3A_151 = arith.constant 0 : i32
      %dma_wait3A_152 = tpu.memref_slice %arg3[%mul3A_121, %dma_wait3A_151] : memref<49152x64xf32, #tpu.memory_space<hbm>> -> memref<512x64xf32, #tpu.memory_space<hbm>>
      %dma_wait3A_153 = arith.constant 0 : i32
      %dma_wait3A_154 = tpu.memref_slice %arg3[%mul3A_121, %dma_wait3A_153] : memref<49152x64xf32, #tpu.memory_space<hbm>> -> memref<512x64xf32, #tpu.memory_space<hbm>>
      tpu.wait_dma2 semaphore(%arg8 : memref<!tpu.dma_semaphore, #tpu.memory_space<semaphore_mem>>) src(%arg4 : memref<512x64xf32, #tpu.memory_space<vmem>>) dst(%dma_wait3A_154 : memref<512x64xf32, #tpu.memory_space<hbm>>)
      %dma_wait3A_155 = arith.constant 0 : i32
      %dma_wait3A_156 = tpu.memref_slice %arg3[%mul3A_146, %dma_wait3A_155] : memref<49152x64xf32, #tpu.memory_space<hbm>> -> memref<512x64xf32, #tpu.memory_space<hbm>>
      %dma_wait3A_157 = arith.constant 0 : i32
      %dma_wait3A_158 = tpu.memref_slice %arg3[%mul3A_146, %dma_wait3A_157] : memref<49152x64xf32, #tpu.memory_space<hbm>> -> memref<512x64xf32, #tpu.memory_space<hbm>>
      tpu.wait_dma2 semaphore(%arg9 : memref<!tpu.dma_semaphore, #tpu.memory_space<semaphore_mem>>) src(%arg5 : memref<512x64xf32, #tpu.memory_space<vmem>>) dst(%dma_wait3A_158 : memref<512x64xf32, #tpu.memory_space<hbm>>)
    } else {
    }
    return
  }
}

module attributes {stable_mosaic.version = 14 : i64} {
  func.func @_linear_kern(%arg0: i32, %arg1: i32, %arg2: i32, %arg3: memref<1x1x512x768xf32, #tpu.memory_space<vmem>>, %arg4: memref<1x768x768xf32, #tpu.memory_space<vmem>>, %arg5: memref<1x1x768xf32, #tpu.memory_space<vmem>>, %arg6: memref<1x1x512x768xf32, #tpu.memory_space<vmem>>) attributes {dimension_semantics = [#tpu.dimension_semantics<arbitrary>, #tpu.dimension_semantics<arbitrary>, #tpu.dimension_semantics<arbitrary>], iteration_bounds = array<i64: 3, 2, 4>, scalar_prefetch = 0 : i64, scratch_operands = 0 : i64, tpu.core_type = #tpu.core_type<tc>, window_params = [{transform_indices = @transform_0, window_bounds = array<i64: 1, 1, 512, 768>}, {transform_indices = @transform_1, window_bounds = array<i64: 1, 768, 768>}, {transform_indices = @transform_2, window_bounds = array<i64: 1, 1, 768>}, {transform_indices = @transform_3, window_bounds = array<i64: 1, 1, 512, 768>}]} {
    %get3A = arith.constant 0 : index
    %get3A_0 = arith.constant 0 : index
    %get3A_1 = arith.constant 0 : index
    %get3A_2 = arith.constant 0 : index
    %get3A_3 = vector.load %arg3[%get3A, %get3A_0, %get3A_1, %get3A_2] : memref<1x1x512x768xf32, #tpu.memory_space<vmem>>, vector<1x1x512x768xf32>
    %get3A_4 = vector.shape_cast %get3A_3 : vector<1x1x512x768xf32> to vector<512x768xf32>
    %get3A_5 = arith.constant 0 : index
    %get3A_6 = arith.constant 0 : index
    %get3A_7 = arith.constant 0 : index
    %get3A_8 = vector.load %arg4[%get3A_5, %get3A_6, %get3A_7] : memref<1x768x768xf32, #tpu.memory_space<vmem>>, vector<1x768x768xf32>
    %get3A_9 = vector.shape_cast %get3A_8 : vector<1x768x768xf32> to vector<768x768xf32>
    %dot_general3A = arith.constant dense<0.000000e+00> : vector<512x768xf32>
    %dot_general3A_10 = tpu.matmul %get3A_4, %get3A_9, %dot_general3A {dimension_numbers = #tpu.dot_dimension_numbers<[1], [0], [0], [1], [0, 0, 1, 1], [], []>, transpose_lhs_hint = false} : vector<512x768xf32>, vector<768x768xf32>, vector<512x768xf32> -> vector<512x768xf32>
    %get3A_11 = arith.constant 0 : index
    %get3A_12 = arith.constant 0 : index
    %get3A_13 = arith.constant 0 : index
    %get3A_14 = vector.load %arg5[%get3A_11, %get3A_12, %get3A_13] : memref<1x1x768xf32, #tpu.memory_space<vmem>>, vector<1x1x768xf32>
    %get3A_15 = vector.shape_cast %get3A_14 : vector<1x1x768xf32> to vector<1x768xf32>
    %add3A = vector.broadcast %get3A_15 : vector<1x768xf32> to vector<512x768xf32>
    %add3A_16 = arith.addf %dot_general3A_10, %add3A : vector<512x768xf32>
    %swap3A = arith.constant 0 : index
    %swap3A_17 = arith.constant 0 : index
    %swap3A_18 = arith.constant 0 : index
    %swap3A_19 = arith.constant 0 : index
    %swap3A_20 = vector.load %arg6[%swap3A, %swap3A_17, %swap3A_18, %swap3A_19] : memref<1x1x512x768xf32, #tpu.memory_space<vmem>>, vector<1x1x512x768xf32>
    %swap3A_21 = vector.shape_cast %swap3A_20 : vector<1x1x512x768xf32> to vector<512x768xf32>
    %swap3A_22 = vector.shape_cast %add3A_16 : vector<512x768xf32> to vector<1x1x512x768xf32>
    tpu.vector_store %arg6[%swap3A, %swap3A_17, %swap3A_18, %swap3A_19], %swap3A_22 {strides = array<i32>} : memref<1x1x512x768xf32, #tpu.memory_space<vmem>>, vector<1x1x512x768xf32>,
    return
  }
  func.func @transform_0(%arg0: i32, %arg1: i32, %arg2: i32) -> (i32, i32, i32, i32) {
    %c0_i32 = arith.constant 0 : i32
    %c0_i32_0 = arith.constant 0 : i32
    return %arg0, %arg1, %arg2, %c0_i32 : i32, i32, i32, i32
  }
  func.func @transform_1(%arg0: i32, %arg1: i32, %arg2: i32) -> (i32, i32, i32) {
    %c0_i32 = arith.constant 0 : i32
    %c0_i32_0 = arith.constant 0 : i32
    %c0_i32_1 = arith.constant 0 : i32
    return %arg0, %c0_i32, %c0_i32_0 : i32, i32, i32
  }
  func.func @transform_2(%arg0: i32, %arg1: i32, %arg2: i32) -> (i32, i32, i32) {
    %c0_i32 = arith.constant 0 : i32
    %c0_i32_0 = arith.constant 0 : i32
    %c0_i32_1 = arith.constant 0 : i32
    return %arg0, %c0_i32, %c0_i32_0 : i32, i32, i32
  }
  func.func @transform_3(%arg0: i32, %arg1: i32, %arg2: i32) -> (i32, i32, i32, i32) {
    %c0_i32 = arith.constant 0 : i32
    %c0_i32_0 = arith.constant 0 : i32
    return %arg0, %arg1, %arg2, %c0_i32 : i32, i32, i32, i32
  }
}

module attributes {stable_mosaic.version = 14 : i64} {
  func.func @_attn_kern(%arg0: i32, %arg1: memref<1x1x2048x64xf32, #tpu.memory_space<vmem>>, %arg2: memref<1x1x2048x64xf32, #tpu.memory_space<vmem>>, %arg3: memref<1x1x2048x64xf32, #tpu.memory_space<vmem>>, %arg4: memref<1x2048x64xf32, #tpu.memory_space<vmem>>, %arg5: memref<2048x2048xi8, #tpu.memory_space<vmem>>, %arg6: memref<1x2048x64xf32, #tpu.memory_space<vmem>>, %arg7: memref<40x64xf32, #tpu.memory_space<vmem>>, %arg8: memref<40xi32, #tpu.memory_space<smem>>) attributes {dimension_semantics = [#tpu.dimension_semantics<arbitrary>], iteration_bounds = array<i64: 24>, scalar_prefetch = 0 : i64, scratch_operands = 2 : i64, tpu.core_type = #tpu.core_type<tc>, window_params = [{transform_indices = @transform_0, window_bounds = array<i64: 1, 1, 2048, 64>}, {transform_indices = @transform_1, window_bounds = array<i64: 1, 1, 2048, 64>}, {transform_indices = @transform_2, window_bounds = array<i64: 1, 1, 2048, 64>}, {transform_indices = @transform_3, window_bounds = array<i64: 1, 2048, 64>}, {pipeline_mode = #tpu.pipeline_mode<synchronous>, transform_indices = @transform_4, window_bounds = array<i64: 2048, 2048>}, {transform_indices = @transform_5, window_bounds = array<i64: 1, 2048, 64>}]} {
    %broadcast_in_dim3A = arith.constant -1.000000e+30 : f32
    %broadcast_in_dim3A_0 = vector.broadcast %broadcast_in_dim3A : f32 to vector<1x2048xf32>
    %broadcast_in_dim3A_1 = arith.constant 0.000000e+00 : f32
    %broadcast_in_dim3A_2 = vector.broadcast %broadcast_in_dim3A_1 : f32 to vector<1x2048xf32>
    %scan3A = arith.constant 0 : i32
    %scan3A_3 = arith.constant 8 : i32
    %scan3A_4 = arith.addi %scan3A, %scan3A_3 : i32
    %scan3A_5 = arith.constant 1 : i32
    %scan3A_6:2 = scf.for %scan3A_74 = %scan3A to %scan3A_4 step %scan3A_5 iter_args(%scan3A_75 = %broadcast_in_dim3A_0, %scan3A_76 = %broadcast_in_dim3A_2) -> (vector<1x2048xf32>, vector<1x2048xf32>)  : i32 {
      %mul3A_77 = arith.constant 256 : i32
      %mul3A_78 = arith.muli %scan3A_74, %mul3A_77 : i32
      %get3A_79 = arith.constant 0 : index
      %get3A_80 = arith.constant 0 : index
      %get3A_81 = arith.index_cast %mul3A_78 : i32 to index
      %get3A_82 = arith.constant 0 : index
      %get3A_83 = vector.load %arg2[%get3A_79, %get3A_80, %get3A_81, %get3A_82] : memref<1x1x2048x64xf32, #tpu.memory_space<vmem>>, vector<1x1x256x64xf32>
      %get3A_84 = vector.shape_cast %get3A_83 : vector<1x1x256x64xf32> to vector<256x64xf32>
      %get3A_85 = arith.constant 0 : index
      %get3A_86 = arith.constant 0 : index
      %get3A_87 = arith.constant 0 : index
      %get3A_88 = arith.constant 0 : index
      %get3A_89 = vector.load %arg1[%get3A_85, %get3A_86, %get3A_87, %get3A_88] : memref<1x1x2048x64xf32, #tpu.memory_space<vmem>>, vector<1x1x2048x64xf32>
      %get3A_90 = vector.shape_cast %get3A_89 : vector<1x1x2048x64xf32> to vector<2048x64xf32>
      %dot_general3A_91 = arith.constant dense<0.000000e+00> : vector<256x2048xf32>
      %dot_general3A_92 = tpu.matmul %get3A_84, %get3A_90, %dot_general3A_91 {dimension_numbers = #tpu.dot_dimension_numbers<[1], [1], [0], [0], [0, 0, 1, 0], [], []>, transpose_lhs_hint = false} : vector<256x64xf32>, vector<2048x64xf32>, vector<256x2048xf32> -> vector<256x2048xf32>
      %mul3A_93 = arith.constant 256 : i32
      %mul3A_94 = arith.muli %scan3A_74, %mul3A_93 : i32
      %get3A_95 = arith.index_cast %mul3A_94 : i32 to index
      %get3A_96 = arith.constant 0 : index
      %get3A_97 = vector.load %arg5[%get3A_95, %get3A_96] : memref<2048x2048xi8, #tpu.memory_space<vmem>>, vector<256x2048xi8>
      %convert_element_type3A = arith.sitofp %get3A_97 : vector<256x2048xi8> to vector<256x2048xf32>
      %gt3A = arith.constant 0.000000e+00 : f32
      %gt3A_98 = vector.broadcast %gt3A : f32 to vector<256x2048xf32>
      %gt3A_99 = arith.cmpf ogt, %convert_element_type3A, %gt3A_98 : vector<256x2048xf32>
      %jit3A = arith.constant -1.000000e+30 : f32
      %broadcast_in_dim3A_100 = vector.broadcast %jit3A : f32 to vector<256x2048xf32>
      %select_n3A = arith.select %gt3A_99, %dot_general3A_92, %broadcast_in_dim3A_100 : vector<256x2048xi1>, vector<256x2048xf32>
      %reduce_max3A_101 = arith.constant dense<0xFF800000> : vector<2048xf32>
      %reduce_max3A_102 = vector.multi_reduction <maximumf>, %select_n3A, %reduce_max3A_101 [0] : vector<256x2048xf32> to vector<2048xf32>
      %broadcast_in_dim3A_103 = vector.shape_cast %reduce_max3A_102 : vector<2048xf32> to vector<1x2048xf32>
      %max3A = arith.maximumf %scan3A_75, %broadcast_in_dim3A_103 : vector<1x2048xf32>
      %mul3A_104 = arith.mulf %dot_general3A_92, %convert_element_type3A : vector<256x2048xf32>
      %reduce_sum3A_105 = arith.constant dense<0.000000e+00> : vector<2048xf32>
      %reduce_sum3A_106 = vector.multi_reduction <add>, %mul3A_104, %reduce_sum3A_105 [0] : vector<256x2048xf32> to vector<2048xf32>
      %broadcast_in_dim3A_107 = vector.shape_cast %reduce_sum3A_106 : vector<2048xf32> to vector<1x2048xf32>
      %add3A = arith.addf %scan3A_76, %broadcast_in_dim3A_107 : vector<1x2048xf32>
      scf.yield %max3A, %add3A : vector<1x2048xf32>, vector<1x2048xf32>
    }
    %scan3A_7 = arith.constant 8 : i32
    %div3A = arith.constant 2.048000e+03 : f32
    %div3A_8 = vector.broadcast %div3A : f32 to vector<1x2048xf32>
    %div3A_9 = arith.divf %scan3A_6#1, %div3A_8 : vector<1x2048xf32>
    %sub3A = arith.subf %scan3A_6#0, %div3A_9 : vector<1x2048xf32>
    %iota3A = tpu.iota {dimensions = array<i32: 1>} : vector<1x2048xi32>
    %broadcast_in_dim3A_10 = arith.constant 0.000000e+00 : f32
    %broadcast_in_dim3A_11 = vector.broadcast %broadcast_in_dim3A_10 : f32 to vector<40x64xf32>
    %swap3A = arith.constant 0 : index
    %swap3A_12 = arith.constant 0 : index
    %swap3A_13 = vector.load %arg7[%swap3A, %swap3A_12] : memref<40x64xf32, #tpu.memory_space<vmem>>, vector<40x64xf32>
    tpu.vector_store %arg7[%swap3A, %swap3A_12], %broadcast_in_dim3A_11 {strides = array<i32>} : memref<40x64xf32, #tpu.memory_space<vmem>>, vector<40x64xf32>,
    %scan3A_14 = arith.constant 0 : i32
    %scan3A_15 = arith.constant 35 : i32
    %scan3A_16 = arith.addi %scan3A_14, %scan3A_15 : i32
    %scan3A_17 = arith.constant 1 : i32
    %scan3A_18 = scf.for %scan3A_74 = %scan3A_14 to %scan3A_16 step %scan3A_17 iter_args(%scan3A_75 = %sub3A) -> (vector<1x2048xf32>)  : i32 {
      %reduce_max3A_76 = vector.shape_cast %scan3A_75 : vector<1x2048xf32> to vector<1x1x2048xf32>
      %reduce_max3A_77 = arith.constant dense<0xFF800000> : vector<1xf32>
      %reduce_max3A_78 = vector.multi_reduction <maximumf>, %reduce_max3A_76, %reduce_max3A_77 [1, 2] : vector<1x1x2048xf32> to vector<1xf32>
      %reduce_max3A_79 = vector.shape_cast %reduce_max3A_78 : vector<1xf32> to vector<1x1x1xf32>
      %reduce_max3A_80 = vector.extract %reduce_max3A_79[0, 0, 0] : f32 from vector<1x1x1xf32>
      %eq3A = vector.broadcast %reduce_max3A_80 : f32 to vector<1x2048xf32>
      %eq3A_81 = arith.cmpf oeq, %scan3A_75, %eq3A : vector<1x2048xf32>
      %jit3A = arith.constant 2048 : i32
      %broadcast_in_dim3A_82 = vector.broadcast %jit3A : i32 to vector<1x2048xi32>
      %select_n3A = arith.select %eq3A_81, %iota3A, %broadcast_in_dim3A_82 : vector<1x2048xi1>, vector<1x2048xi32>
      %reduce_min3A = vector.shape_cast %select_n3A : vector<1x2048xi32> to vector<1x1x2048xi32>
      %reduce_min3A_83 = arith.constant dense<2147483647> : vector<1xi32>
      %reduce_min3A_84 = vector.multi_reduction <minsi>, %reduce_min3A, %reduce_min3A_83 [1, 2] : vector<1x1x2048xi32> to vector<1xi32>
      %reduce_min3A_85 = vector.shape_cast %reduce_min3A_84 : vector<1xi32> to vector<1x1x1xi32>
      %reduce_min3A_86 = vector.extract %reduce_min3A_85[0, 0, 0] : i32 from vector<1x1x1xi32>
      %swap3A_87 = arith.index_cast %scan3A_74 : i32 to index
      %swap3A_88 = memref.load %arg8[%swap3A_87] : memref<40xi32, #tpu.memory_space<smem>>
      memref.store %reduce_min3A_86, %arg8[%swap3A_87] : memref<40xi32, #tpu.memory_space<smem>>
      %get3A_89 = arith.constant 0 : index
      %get3A_90 = arith.constant 0 : index
      %get3A_91 = arith.index_cast %reduce_min3A_86 : i32 to index
      %get3A_92 = arith.constant 0 : index
      %get3A_93 = vector.load %arg1[%get3A_89, %get3A_90, %get3A_91, %get3A_92] : memref<1x1x2048x64xf32, #tpu.memory_space<vmem>>, vector<1x1x1x64xf32>
      %get3A_94 = vector.shape_cast %get3A_93 : vector<1x1x1x64xf32> to vector<1x64xf32>
      %swap3A_95 = arith.index_cast %scan3A_74 : i32 to index
      %swap3A_96 = arith.constant 0 : index
      %swap3A_97 = vector.load %arg7[%swap3A_95, %swap3A_96] : memref<40x64xf32, #tpu.memory_space<vmem>>, vector<1x64xf32>
      tpu.vector_store %arg7[%swap3A_95, %swap3A_96], %get3A_94 {strides = array<i32>} : memref<40x64xf32, #tpu.memory_space<vmem>>, vector<1x64xf32>,
      %eq3A_98 = vector.broadcast %reduce_min3A_86 : i32 to vector<1x2048xi32>
      %eq3A_99 = arith.cmpi eq, %iota3A, %eq3A_98 : vector<1x2048xi32>
      %jit3A_100 = arith.constant -3.000000e+38 : f32
      %broadcast_in_dim3A_101 = vector.broadcast %jit3A_100 : f32 to vector<1x2048xf32>
      %select_n3A_102 = arith.select %eq3A_99, %broadcast_in_dim3A_101, %scan3A_75 : vector<1x2048xi1>, vector<1x2048xf32>
      scf.yield %select_n3A_102 : vector<1x2048xf32>
    }
    %scan3A_19 = arith.constant 35 : i32
    %get3A = arith.constant 0 : index
    %get3A_20 = arith.constant 0 : index
    %get3A_21 = vector.load %arg7[%get3A, %get3A_20] : memref<40x64xf32, #tpu.memory_space<vmem>>, vector<1x64xf32>
    %broadcast_in_dim3A_22 = vector.shape_cast %get3A_21 : vector<1x64xf32> to vector<1x64xf32>
    %broadcast_in_dim3A_23 = vector.broadcast %broadcast_in_dim3A_22 : vector<1x64xf32> to vector<5x64xf32>
    %swap3A_24 = arith.constant 35 : index
    %swap3A_25 = arith.constant 0 : index
    %swap3A_26 = vector.load %arg7[%swap3A_24, %swap3A_25] : memref<40x64xf32, #tpu.memory_space<vmem>>, vector<5x64xf32>
    tpu.vector_store %arg7[%swap3A_24, %swap3A_25], %broadcast_in_dim3A_23 {strides = array<i32>} : memref<40x64xf32, #tpu.memory_space<vmem>>, vector<5x64xf32>,
    %get3A_27 = arith.constant 0 : index
    %get3A_28 = arith.constant 0 : index
    %get3A_29 = vector.load %arg7[%get3A_27, %get3A_28] : memref<40x64xf32, #tpu.memory_space<vmem>>, vector<40x64xf32>
    %get3A_30 = arith.constant 0 : index
    %get3A_31 = arith.constant 0 : index
    %get3A_32 = arith.constant 0 : index
    %get3A_33 = arith.constant 0 : index
    %get3A_34 = vector.load %arg2[%get3A_30, %get3A_31, %get3A_32, %get3A_33] : memref<1x1x2048x64xf32, #tpu.memory_space<vmem>>, vector<1x1x2048x64xf32>
    %get3A_35 = vector.shape_cast %get3A_34 : vector<1x1x2048x64xf32> to vector<2048x64xf32>
    %dot_general3A = arith.constant dense<0.000000e+00> : vector<40x2048xf32>
    %dot_general3A_36 = tpu.matmul %get3A_29, %get3A_35, %dot_general3A {dimension_numbers = #tpu.dot_dimension_numbers<[1], [1], [0], [0], [0, 0, 1, 0], [], []>, transpose_lhs_hint = false} : vector<40x64xf32>, vector<2048x64xf32>, vector<40x2048xf32> -> vector<40x2048xf32>
    %mul3A = arith.constant 1.250000e-01 : f32
    %mul3A_37 = vector.broadcast %mul3A : f32 to vector<40x2048xf32>
    %mul3A_38 = arith.mulf %dot_general3A_36, %mul3A_37 : vector<40x2048xf32>
    %reduce_max3A = arith.constant dense<0xFF800000> : vector<40xf32>
    %reduce_max3A_39 = vector.multi_reduction <maximumf>, %mul3A_38, %reduce_max3A [1] : vector<40x2048xf32> to vector<40xf32>
    %broadcast_in_dim3A_40 = vector.shape_cast %reduce_max3A_39 : vector<40xf32> to vector<40x1xf32>
    %sub3A_41 = vector.broadcast %broadcast_in_dim3A_40 : vector<40x1xf32> to vector<40x2048xf32>
    %sub3A_42 = arith.subf %mul3A_38, %sub3A_41 : vector<40x2048xf32>
    %exp3A = math.exp %sub3A_42 : vector<40x2048xf32>
    %reduce_sum3A = arith.constant dense<0.000000e+00> : vector<40xf32>
    %reduce_sum3A_43 = vector.multi_reduction <add>, %exp3A, %reduce_sum3A [1] : vector<40x2048xf32> to vector<40xf32>
    %broadcast_in_dim3A_44 = vector.shape_cast %reduce_sum3A_43 : vector<40xf32> to vector<40x1xf32>
    %div3A_45 = vector.broadcast %broadcast_in_dim3A_44 : vector<40x1xf32> to vector<40x2048xf32>
    %div3A_46 = arith.divf %exp3A, %div3A_45 : vector<40x2048xf32>
    %get3A_47 = arith.constant 0 : index
    %get3A_48 = arith.constant 0 : index
    %get3A_49 = arith.constant 0 : index
    %get3A_50 = arith.constant 0 : index
    %get3A_51 = vector.load %arg3[%get3A_47, %get3A_48, %get3A_49, %get3A_50] : memref<1x1x2048x64xf32, #tpu.memory_space<vmem>>, vector<1x1x2048x64xf32>
    %get3A_52 = vector.shape_cast %get3A_51 : vector<1x1x2048x64xf32> to vector<2048x64xf32>
    %dot_general3A_53 = arith.constant dense<0.000000e+00> : vector<40x64xf32>
    %dot_general3A_54 = tpu.matmul %div3A_46, %get3A_52, %dot_general3A_53 {dimension_numbers = #tpu.dot_dimension_numbers<[1], [0], [0], [1], [0, 0, 1, 1], [], []>, transpose_lhs_hint = false} : vector<40x2048xf32>, vector<2048x64xf32>, vector<40x64xf32> -> vector<40x64xf32>
    %get3A_55 = arith.constant 0 : index
    %get3A_56 = arith.constant 0 : index
    %get3A_57 = arith.constant 0 : index
    %get3A_58 = vector.load %arg4[%get3A_55, %get3A_56, %get3A_57] : memref<1x2048x64xf32, #tpu.memory_space<vmem>>, vector<1x2048x64xf32>
    %get3A_59 = vector.shape_cast %get3A_58 : vector<1x2048x64xf32> to vector<2048x64xf32>
    %swap3A_60 = arith.constant 0 : index
    %swap3A_61 = arith.constant 0 : index
    %swap3A_62 = arith.constant 0 : index
    %swap3A_63 = vector.load %arg6[%swap3A_60, %swap3A_61, %swap3A_62] : memref<1x2048x64xf32, #tpu.memory_space<vmem>>, vector<1x2048x64xf32>
    %swap3A_64 = vector.shape_cast %swap3A_63 : vector<1x2048x64xf32> to vector<2048x64xf32>
    %swap3A_65 = vector.shape_cast %get3A_59 : vector<2048x64xf32> to vector<1x2048x64xf32>
    tpu.vector_store %arg6[%swap3A_60, %swap3A_61, %swap3A_62], %swap3A_65 {strides = array<i32>} : memref<1x2048x64xf32, #tpu.memory_space<vmem>>, vector<1x2048x64xf32>,
    %swap3A_66 = arith.constant 0 : index
    %swap3A_67 = arith.constant 0 : index
    %swap3A_68 = vector.load %arg7[%swap3A_66, %swap3A_67] : memref<40x64xf32, #tpu.memory_space<vmem>>, vector<40x64xf32>
    tpu.vector_store %arg7[%swap3A_66, %swap3A_67], %dot_general3A_54 {strides = array<i32>} : memref<40x64xf32, #tpu.memory_space<vmem>>, vector<40x64xf32>,
    %scan3A_69 = arith.constant 0 : i32
    %scan3A_70 = arith.constant 35 : i32
    %scan3A_71 = arith.addi %scan3A_69, %scan3A_70 : i32
    %scan3A_72 = arith.constant 1 : i32
    scf.for %scan3A_74 = %scan3A_69 to %scan3A_71 step %scan3A_72  : i32 {
      %get3A_75 = arith.index_cast %scan3A_74 : i32 to index
      %get3A_76 = memref.load %arg8[%get3A_75] : memref<40xi32, #tpu.memory_space<smem>>
      %get3A_77 = arith.index_cast %scan3A_74 : i32 to index
      %get3A_78 = arith.constant 0 : index
      %get3A_79 = vector.load %arg7[%get3A_77, %get3A_78] : memref<40x64xf32, #tpu.memory_space<vmem>>, vector<1x64xf32>
      %swap3A_80 = arith.constant 0 : index
      %swap3A_81 = arith.index_cast %get3A_76 : i32 to index
      %swap3A_82 = arith.constant 0 : index
      %swap3A_83 = vector.load %arg6[%swap3A_80, %swap3A_81, %swap3A_82] : memref<1x2048x64xf32, #tpu.memory_space<vmem>>, vector<1x1x64xf32>
      %swap3A_84 = vector.shape_cast %swap3A_83 : vector<1x1x64xf32> to vector<1x64xf32>
      %swap3A_85 = vector.shape_cast %get3A_79 : vector<1x64xf32> to vector<1x1x64xf32>
      tpu.vector_store %arg6[%swap3A_80, %swap3A_81, %swap3A_82], %swap3A_85 {strides = array<i32>} : memref<1x2048x64xf32, #tpu.memory_space<vmem>>, vector<1x1x64xf32>,
    }
    %scan3A_73 = arith.constant 35 : i32
    return
  }
  func.func @transform_0(%arg0: i32) -> (i32, i32, i32, i32) {
    %c0_i32 = arith.constant 0 : i32
    %c0_i32_0 = arith.constant 0 : i32
    %c0_i32_1 = arith.constant 0 : i32
    %c0_i32_2 = arith.constant 0 : i32
    return %c0_i32, %arg0, %c0_i32_0, %c0_i32_1 : i32, i32, i32, i32
  }
  func.func @transform_1(%arg0: i32) -> (i32, i32, i32, i32) {
    %c1_i32 = arith.constant 1 : i32
    %c0_i32 = arith.constant 0 : i32
    %c0_i32_0 = arith.constant 0 : i32
    %c0_i32_1 = arith.constant 0 : i32
    return %c1_i32, %arg0, %c0_i32, %c0_i32_0 : i32, i32, i32, i32
  }
  func.func @transform_2(%arg0: i32) -> (i32, i32, i32, i32) {
    %c2_i32 = arith.constant 2 : i32
    %c0_i32 = arith.constant 0 : i32
    %c0_i32_0 = arith.constant 0 : i32
    %c0_i32_1 = arith.constant 0 : i32
    return %c2_i32, %arg0, %c0_i32, %c0_i32_0 : i32, i32, i32, i32
  }
  func.func @transform_3(%arg0: i32) -> (i32, i32, i32) {
    %c0_i32 = arith.constant 0 : i32
    %c0_i32_0 = arith.constant 0 : i32
    %c0_i32_1 = arith.constant 0 : i32
    return %arg0, %c0_i32, %c0_i32_0 : i32, i32, i32
  }
  func.func @transform_4(%arg0: i32) -> (i32, i32) {
    %c0_i32 = arith.constant 0 : i32
    %c0_i32_0 = arith.constant 0 : i32
    %c0_i32_1 = arith.constant 0 : i32
    return %c0_i32, %c0_i32_0 : i32, i32
  }
  func.func @transform_5(%arg0: i32) -> (i32, i32, i32) {
    %c0_i32 = arith.constant 0 : i32
    %c0_i32_0 = arith.constant 0 : i32
    %c0_i32_1 = arith.constant 0 : i32
    return %arg0, %c0_i32, %c0_i32_0 : i32, i32, i32
  }
}

module attributes {stable_mosaic.version = 14 : i64} {
  func.func @_linear_kern(%arg0: i32, %arg1: i32, %arg2: i32, %arg3: memref<1x1x512x768xf32, #tpu.memory_space<vmem>>, %arg4: memref<1x768x768xf32, #tpu.memory_space<vmem>>, %arg5: memref<1x1x768xf32, #tpu.memory_space<vmem>>, %arg6: memref<1x1x512x768xf32, #tpu.memory_space<vmem>>) attributes {dimension_semantics = [#tpu.dimension_semantics<arbitrary>, #tpu.dimension_semantics<arbitrary>, #tpu.dimension_semantics<arbitrary>], iteration_bounds = array<i64: 1, 2, 4>, scalar_prefetch = 0 : i64, scratch_operands = 0 : i64, tpu.core_type = #tpu.core_type<tc>, window_params = [{transform_indices = @transform_0, window_bounds = array<i64: 1, 1, 512, 768>}, {transform_indices = @transform_1, window_bounds = array<i64: 1, 768, 768>}, {transform_indices = @transform_2, window_bounds = array<i64: 1, 1, 768>}, {transform_indices = @transform_3, window_bounds = array<i64: 1, 1, 512, 768>}]} {
    %get3A = arith.constant 0 : index
    %get3A_0 = arith.constant 0 : index
    %get3A_1 = arith.constant 0 : index
    %get3A_2 = arith.constant 0 : index
    %get3A_3 = vector.load %arg3[%get3A, %get3A_0, %get3A_1, %get3A_2] : memref<1x1x512x768xf32, #tpu.memory_space<vmem>>, vector<1x1x512x768xf32>
    %get3A_4 = vector.shape_cast %get3A_3 : vector<1x1x512x768xf32> to vector<512x768xf32>
    %get3A_5 = arith.constant 0 : index
    %get3A_6 = arith.constant 0 : index
    %get3A_7 = arith.constant 0 : index
    %get3A_8 = vector.load %arg4[%get3A_5, %get3A_6, %get3A_7] : memref<1x768x768xf32, #tpu.memory_space<vmem>>, vector<1x768x768xf32>
    %get3A_9 = vector.shape_cast %get3A_8 : vector<1x768x768xf32> to vector<768x768xf32>
    %dot_general3A = arith.constant dense<0.000000e+00> : vector<512x768xf32>
    %dot_general3A_10 = tpu.matmul %get3A_4, %get3A_9, %dot_general3A {dimension_numbers = #tpu.dot_dimension_numbers<[1], [0], [0], [1], [0, 0, 1, 1], [], []>, transpose_lhs_hint = false} : vector<512x768xf32>, vector<768x768xf32>, vector<512x768xf32> -> vector<512x768xf32>
    %get3A_11 = arith.constant 0 : index
    %get3A_12 = arith.constant 0 : index
    %get3A_13 = arith.constant 0 : index
    %get3A_14 = vector.load %arg5[%get3A_11, %get3A_12, %get3A_13] : memref<1x1x768xf32, #tpu.memory_space<vmem>>, vector<1x1x768xf32>
    %get3A_15 = vector.shape_cast %get3A_14 : vector<1x1x768xf32> to vector<1x768xf32>
    %add3A = vector.broadcast %get3A_15 : vector<1x768xf32> to vector<512x768xf32>
    %add3A_16 = arith.addf %dot_general3A_10, %add3A : vector<512x768xf32>
    %swap3A = arith.constant 0 : index
    %swap3A_17 = arith.constant 0 : index
    %swap3A_18 = arith.constant 0 : index
    %swap3A_19 = arith.constant 0 : index
    %swap3A_20 = vector.load %arg6[%swap3A, %swap3A_17, %swap3A_18, %swap3A_19] : memref<1x1x512x768xf32, #tpu.memory_space<vmem>>, vector<1x1x512x768xf32>
    %swap3A_21 = vector.shape_cast %swap3A_20 : vector<1x1x512x768xf32> to vector<512x768xf32>
    %swap3A_22 = vector.shape_cast %add3A_16 : vector<512x768xf32> to vector<1x1x512x768xf32>
    tpu.vector_store %arg6[%swap3A, %swap3A_17, %swap3A_18, %swap3A_19], %swap3A_22 {strides = array<i32>} : memref<1x1x512x768xf32, #tpu.memory_space<vmem>>, vector<1x1x512x768xf32>,
    return
  }
  func.func @transform_0(%arg0: i32, %arg1: i32, %arg2: i32) -> (i32, i32, i32, i32) {
    %c0_i32 = arith.constant 0 : i32
    %c0_i32_0 = arith.constant 0 : i32
    return %arg0, %arg1, %arg2, %c0_i32 : i32, i32, i32, i32
  }
  func.func @transform_1(%arg0: i32, %arg1: i32, %arg2: i32) -> (i32, i32, i32) {
    %c0_i32 = arith.constant 0 : i32
    %c0_i32_0 = arith.constant 0 : i32
    %c0_i32_1 = arith.constant 0 : i32
    return %arg0, %c0_i32, %c0_i32_0 : i32, i32, i32
  }
  func.func @transform_2(%arg0: i32, %arg1: i32, %arg2: i32) -> (i32, i32, i32) {
    %c0_i32 = arith.constant 0 : i32
    %c0_i32_0 = arith.constant 0 : i32
    %c0_i32_1 = arith.constant 0 : i32
    return %arg0, %c0_i32, %c0_i32_0 : i32, i32, i32
  }
  func.func @transform_3(%arg0: i32, %arg1: i32, %arg2: i32) -> (i32, i32, i32, i32) {
    %c0_i32 = arith.constant 0 : i32
    %c0_i32_0 = arith.constant 0 : i32
    return %arg0, %arg1, %arg2, %c0_i32 : i32, i32, i32, i32
  }
}

</mosaic_0001>

<sc_bundles>
// kernel: kernel.6.cloned.1.call-start
scs
__scs_entry_jumppad:
0x0: {  	(pc) =	sbr.rel $0x88, $3  }
0x1: {  	(tag) =	ssettag $0x0;
	lr =	simm.s32 $0x1  }
0x2: {  	[smem:$0x3F96] =	sst lr;
	_ =	strace $0xD0000000  }
0x3: {  	_ = 	snop  }
0x4: {  	_ = 	snop  }
0x5: {  	_ = 	snop  }
0x6: {  	_ = 	snop  }
0x7: {  	_ = 	snop  }
__scs_overlays_trampoline_lowered:
0x8: {  	[smem:$0x3FA5] =	sst s0  }
0x9: {  	[smem:$0x3FA6] =	sst s1  }
0xa: {  	[smem:$0x3FA7] =	sst s2  }
0xb: {  	[smem:$0x3FA8] =	sst s3  }
0xc: {  	[smem:$0x3FA9] =	sst s4  }
0xd: {  	[smem:$0x3FAA] =	sst s5  }
0xe: {  	[smem:$0x3FAB] =	sst s6  }
0xf: {  	[smem:$0x3FAC] =	sst s7  }
0x10: {  	[smem:$0x3FAD] =	sst s8  }
0x11: {  	[smem:$0x3FAE] =	sst s9;
	s0 =	simm.s32 @!p0 $0x0  }
0x12: {  	s1 =	sld [smem:$0x3F94];
	s0 =	simm.s32 @p0 $0x1  }
0x13: {  	[smem:$0x3FAF] =	sst s0;
	s0 =	simm.s32 @!p1 $0x0  }
0x14: {  	s2 =	sld [smem:$0x3F93];
	s0 =	simm.s32 @p1 $0x1  }
0x15: {  	[smem:$0x3FB0] =	sst s0;
	s0 =	simm.s32 @!p2 $0x0  }
0x16: {  	s3 =	sld [smem:$0x3FDB];
	s0 =	simm.s32 @p2 $0x1  }
0x17: {  	s4 =	simm.s32 $0x1BF5;
	[smem:$0x3FB2] =	sst s0  }
0x18: {  	s0 =	sld [smem:$0x3F95];
	_ =	swait.ge [sflag:s4], $0x0  }
0x19: {  	s7 =	sld [smem:$0x3F96]  }
0x1a: {  	s8 =	sadd.s32 $0xFFFFE003, lr  }
0x1b: {  	s9 =	sadd.s32 $0xFFFFFEF7, lr;
	s5 =	simm.s32 $0xFFFFFFFF;
	p2 =	slt.u32 s8, $0xFFFFF086  }
0x1c: {  	p1 =	slt.u32 s9, $0xF7A;
	s5 =	simm.s32 @!p2 $0x0  }
0x1d: {  	s5 =	simm.s32 @p1 $0x1;
	p0 =	seq.s32 s7, s2  }
0x1e: {  	s7 =	smul.u32 @!p0 $0xF7A, s2;
	p2 =	seq.s32 @!p0 s5, $0x0  }
0x1f: {  	s9 =	smul.u32 $0xF7A, s1;
	s8 =	simm.s32 @!p0 $0x1BF5;
	p2 =	por !p2, p0  }
0x20: {  	[sflag:s8] =	ssyncset.s32 @!p0 $0xFFFFF086;
	s6 =	sadd.s32 @!p0 s3, s7;
	s7 =	simm.s32 @!p0 $0x108  }
0x21: {  	s3 =	sadd.s32 s3, s9;
	s6 =	sadd.s32 @!p0 $0x88, s6;
	s7 =	simm.s32 @p2 $0x1082  }
0x22: {  	[simem:s7], [sflag:s8] =	dma.local @!p0 [hbm:s6], $0xF7A  }
0x23: {  	s9 =	sor.u32 $0xD0000000, s2;
	s6 =	simm.s32 $0x108;
	_ =	swait.ge @!p0 [sflag:s8], $0x0  }
0x24: {  	s3 =	sadd.s32 $0x88, s3;
	s6 =	simm.s32 @!p1 $0x1082;
	[sflag:s4] =	ssyncset.s32 $0xFFFFF086  }
0x25: {  	[simem:s6], [sflag:s4] =	dma.local [hbm:s3], $0xF7A  }
0x26: {  	[smem:$0x3F96] =	sst s1;
	(tag) =	ssettag s2;
	_ =	strace s9  }
0x27: {  	s1 =	sld [smem:$0x3FA6]  }
0x28: {  	s2 =	sld [smem:$0x3FA7]  }
0x29: {  	s4 =	sld [smem:$0x3FA9]  }
0x2a: {  	p0 =	seq.s32 s5, $0x0;
	s5 =	sld [smem:$0x3FAA]  }
0x2b: {  	s6 =	sld [smem:$0x3FAB]  }
0x2c: {  	s7 =	sld [smem:$0x3FAC]  }
0x2d: {  	s3 =	simm.s32 $0x108;
	s8 =	sld [smem:$0x3FAD]  }
0x2e: {  	s3 =	simm.s32 @!p0 $0x1082;
	s9 =	sld [smem:$0x3FAE]  }
0x2f: {  	lr =	sadd.s32 s0, s3;
	s0 =	sld [smem:$0x3FA5]  }
0x30: {  	s3 =	sld [smem:$0x3FA8]  }
0x31: {  	[smem:$0x3FB1] =	sst s10  }
0x32: {  	s10 =	sld [smem:$0x3FAF];
	_ =	sdelay $0x3  }
0x33: {  	p0 =	seq.s32 s10, $0x1;
	s10 =	sld [smem:$0x3FB1];
	_ =	sdelay $0x3  }
0x34: {  	[smem:$0x3FB1] =	sst s10  }
0x35: {  	s10 =	sld [smem:$0x3FB0];
	_ =	sdelay $0x3  }
0x36: {  	p1 =	seq.s32 s10, $0x1;
	s10 =	sld [smem:$0x3FB1];
	_ =	sdelay $0x3  }
0x37: {  	[smem:$0x3FB1] =	sst s10  }
0x38: {  	s10 =	sld [smem:$0x3FB2]  }
0x39: {  	_ = 	snop;
	(pc) =	sbr.ind lr, $3  }
0x3a: {  	_ = 	snop  }
0x3b: {  	_ = 	snop  }
0x3c: {  	p2 =	seq.s32 s10, $0x1;
	s10 =	sld [smem:$0x3FB1]  }
0x3d: {  	_ =	shalt  }
0x3e: {  	_ =	shalt  }
0x3f: {  	_ =	shalt  }
0x40: {  	_ =	shalt  }
0x41: {  	_ =	shalt  }
0x42: {  	_ =	shalt  }
0x43: {  	_ =	shalt  }
0x44: {  	_ =	shalt  }
0x45: {  	_ =	shalt  }
0x46: {  	_ =	shalt  }
0x47: {  	_ =	shalt  }
0x48: {  	_ =	shalt  }
0x49: {  	_ =	shalt  }
0x4a: {  	_ =	shalt  }
0x4b: {  	_ =	shalt  }
0x4c: {  	_ =	shalt  }
0x4d: {  	_ =	shalt  }
0x4e: {  	_ =	shalt  }
0x4f: {  	_ =	shalt  }
0x50: {  	_ =	shalt  }
0x51: {  	_ =	shalt  }
0x52: {  	_ =	shalt  }
0x53: {  	_ =	shalt  }
0x54: {  	_ =	shalt  }
0x55: {  	_ =	shalt  }
0x56: {  	_ =	shalt  }
0x57: {  	_ =	shalt  }
0x58: {  	_ =	shalt  }
0x59: {  	_ =	shalt  }
0x5a: {  	_ =	shalt  }
0x5b: {  	_ =	shalt  }
0x5c: {  	_ =	shalt  }
0x5d: {  	_ =	shalt  }
0x5e: {  	_ =	shalt  }
0x5f: {  	_ =	shalt  }
0x60: {  	_ =	shalt  }
0x61: {  	_ =	shalt  }
0x62: {  	_ =	shalt  }
0x63: {  	_ =	shalt  }
0x64: {  	_ =	shalt  }
0x65: {  	_ =	shalt  }
0x66: {  	_ =	shalt  }
0x67: {  	_ =	shalt  }
0x68: {  	_ =	shalt  }
0x69: {  	_ =	shalt  }
0x6a: {  	_ =	shalt  }
0x6b: {  	_ =	shalt  }
0x6c: {  	_ =	shalt  }
0x6d: {  	_ =	shalt  }
0x6e: {  	_ =	shalt  }
0x6f: {  	_ =	shalt  }
0x70: {  	_ =	shalt  }
0x71: {  	_ =	shalt  }
0x72: {  	_ =	shalt  }
0x73: {  	_ =	shalt  }
0x74: {  	_ =	shalt  }
0x75: {  	_ =	shalt  }
0x76: {  	_ =	shalt  }
0x77: {  	_ =	shalt  }
0x78: {  	_ =	shalt  }
0x79: {  	_ =	shalt  }
0x7a: {  	_ =	shalt  }
0x7b: {  	_ =	shalt  }
0x7c: {  	_ =	shalt  }
0x7d: {  	_ =	shalt  }
0x7e: {  	_ =	shalt  }
0x7f: {  	_ =	shalt  }
0x80: {  	_ =	shalt  }
0x81: {  	_ =	shalt  }
0x82: {  	_ =	shalt  }
0x83: {  	_ =	shalt  }
0x84: {  	_ =	shalt  }
0x85: {  	_ =	shalt  }
0x86: {  	_ =	shalt  }
0x87: {  	_ =	shalt  }
.Lfunc_end0:
.L_simem_size_0:
called_computation.1_lowered:
.L_overlay_start_0:
0x88: {  	s2 =	sld [smem:$0x3FD9]  }
0x89: {  	s3 =	sld [smem:$0x3FFE];
	_ =	sdelay $0x1  }
0x8a: {  	s1 =	srdreg.scid  }
0x8b: {  	s0 =	sand.u32 $0x1, s1  }
0x8c: {  	s17 =	sshll.u32 s0, $0xA;
	s2 =	sadd.s32 s3, s2  }
0x8d: {  	s2 =	sadd.s32 s2, s17  }
0x8e: {  	[smem:$0x3FBD] =	sst s2  }
0x8f: {  	_ = 	snop  }
0x90: {  	s2 =	sld [smem:$0x3FD0];
	(tm) =	ssettm $0x1  }
0x91: {  	s18 =	sld [smem:$0x3FFB];
	_ =	sdelay $0x3  }
0x92: {  	_ =	strace s18  }
0x93: {  	s3 =	sld [smem:$0x3FFC];
	_ =	sdelay $0x3  }
0x94: {  	_ =	strace s3  }
0x95: {  	s3 =	sld [smem:$0x3FFD];
	_ =	sdelay $0x3  }
0x96: {  	_ =	strace s3  }
0x97: {  	_ =	strace $0x8FFFFFFF  }
0x98: {  	s19 =	sld [smem:$0x3FDB];
	_ =	sdelay $0x1  }
0x99: {  	s4 =	simm.s32 $_scs_section_size  }
0x9a: {  	s5 =	simm.s32 $_size__tile_overlayer_lowered;
	s6 =	simm.s32 $_tile_overlayer_lowered  }
0x9b: {  	s22 =	simm.s32 $0x1BFF;
	s21 =	sshll.u32 s6, $0x1;
	s3 =	sadd.s32 s4, s19  }
0x9c: {  	s7 =	simm.s32 $0x0;
	s20 =	sshll.u32 s5, $0x1;
	s5 =	sadd.s32 s21, s3  }
0x9d: {  	[timem:s7], [sflag:s22] =	dma.local [hbm:s5], s20  }
0x9e: {  	_ =	swait.ge [sflag:s22], s20  }
0x9f: {  	s4 =	ssub.s32 $0x0, s20;
	[sflag:s22] =	ssyncset.done $0x0  }
0xa0: {  	[sflag:s22] =	ssyncadd.s32 s4;
	_ =	sdelay $0x1  }
0xa1: {  	s23 =	simm.s32 $0x1B8B  }
0xa2: {  	_ =	swait.ge [sflag:s23], $0x1  }
0xa3: {  	[sflag:s23] =	ssyncset.done $0x0  }
0xa4: {  	s25 =	simm.s32 $0x1B8E;
	s24 =	sld [smem:$0x3FFE];
	[sflag:s23] =	ssyncadd.s32 $0xFFFFFFFF  }
0xa5: {  	s26 =	simm.s32 $execute0_lowered;
	[smem:$0x3FD2] =	sst s25  }
0xa6: {  	s5 =	sshll.u32 s26, $0x1;
	_ =	strace $0x80000049;
	[dreg:$0x1] =	wrdreg $0xFFFFFFFF  }
0xa7: {  	s28 =	simm.s32 $_size_execute0_lowered;
	s3 =	sadd.s32 s3, s5;
	[dreg:$0x0] =	wrdreg $0x0  }
0xa8: {  	s5 =	sshll.u32 s28, $0x1;
	[dreg:$0x2] =	wrdreg s3  }
0xa9: {  	[dreg:$0x3] =	wrdreg s5  }
0xaa: {  	[dreg:$0x4] =	wrdreg $0xC0  }
0xab: {  	_ =	task [dreg:s7], $0x5FFFF  }
0xac: {  	[dreg:$0x1] =	wrdreg $0xFFFFFFFF  }
0xad: {  	[dreg:$0x0] =	wrdreg $0x60  }
0xae: {  	[dreg:$0x2] =	wrdreg s24  }
0xaf: {  	[dreg:$0x3] =	wrdreg s2  }
0xb0: {  	[dreg:$0x4] =	wrdreg $0x9  }
0xb1: {  	_ =	task.clear_ibuf [dreg:s7], $0x5FFFF;
	_ =	strace $0x90000049  }
0xb2: {  	s29 =	simm.s32 $0x9;
	_ =	strace $0x8000004B  }
0xb3: {  	_ =	swait.ge [sflag:s29], $0x1  }
0xb4: {  	[sflag:s29] =	ssyncadd.s32 $0xFFFFFFFF  }
0xb5: {  	_ =	strace $0x9000004B  }
0xb6: {  	_ =	sfence  }
0xb7: {  	s30 =	sld [smem:$0x0];
	_ =	sdelay $0x2  }
0xb8: {  	s31 =	sshll.u32 s1, $0xD;
	s1 =	sshrl.u32 s1, $0x2  }
0xb9: {  	s3 =	sand.u32 $0x4000, s31;
	s1 =	sadd.s32 s1, s30  }
0xba: {  	s0 =	sor.u32 s3, s0;
	s1 =	sshll.u32 s1, $0x11  }
0xbb: {  	s0 =	sor.u32 s1, s0  }
0xbc: {  	s0 =	sadd.s32 $0x8F2B, s0  }
0xbd: {  	[sflag:s0] =	ssyncadd.remote.s32 $0x1  }
0xbe: {  	_ =	sfence.sel $0xFFFF  }
0xbf: {  	[dreg:$0x0] =	wrdreg $0xFFFFFFFF;
	(pc) =	sbr.abs _section_cstart, $3  }
0xc0: {  	[dreg:$0x1] =	wrdreg $0xFFFFFFFF  }
0xc1: {  	_ =	task.clear_ibuf [dreg:s7], $0x2FFFF;
	_ =	strace $0x9FFFFFFF  }
0xc2: {  	(tm) =	ssettm $0x7FFFFFFF  }
0xc3: {  	_ =	shalt  }
tec
execute0_lowered:
.L_overlay_start_1:
0x0: {  	(tag) =	ssettag $0x1  }
0x1: {  	s1 =	stileid.u32  }
0x2: {  	p0 =	sgt.u32 s1, $0xB  }
.Ltmp0:
0x3: {  	_ = 	snop;
	(pc) =	sbr.rel @p0 .LBB2_11-.Ltmp0, $4  }
0x4: {  	s4 =	rddreg [dreg:$0x0]  }
0x5: {  	s3 =	rddreg [dreg:$0x1];
	s2 =	simm.s32 $0x0  }
0x6: {  	[smem:$0x7FF] =	sst s2  }
0x7: {  	s0 =	rddreg [dreg:$0x2];
	_ =	strace $0x8000004A  }
0x8: {  	s5 =	srdreg.scid;
	s6 =	sshll.u32 s1, $0x1;
	s4 =	sadd.s32 $0x1600, s4  }
0x9: {  	s12 =	simm.s32 $0x8000;
	s13 =	simm.s32 $0x1;
	s14 =	simm.s32 $0x3  }
0xa: {  	s15 =	simm.s32 $0x2;
	s16 =	simm.s32 $0x4;
	s5 =	sand.u32 $0x1, s5  }
0xb: {  	s17 =	simm.s32 $0x0;
	s6 =	sor.u32 s5, s6;
	s9 =	ssub.s32 $0x2, s5  }
0xc: {  	s7 =	sshll.u32 s6, $0x11;
	s6 =	sshll.u32 s6, $0xE;
	s11 =	sshrl.u32 s9, $0x1  }
0xd: {  	s7 =	sshrl.u32 s7, $0x3;
	s3 =	sadd.s32 s3, s6;
	s11 =	ssub.s32 s9, s11  }
0xe: {  	s10 =	sadd.s32 s4, s7;
	s5 =	sadd.s32 $0x1000, s3;
	s7 =	sadd.s32 $0x2000, s3  }
0xf: {  	s8 =	sadd.s32 $0x3000, s3;
	s11 =	smax.u32 s11, $0x1;
	s4 =	sadd.s32 $0xC2000, s10  }
0x10: {  	s6 =	sadd.s32 $0xC3000, s10;
	s9 =	sadd.s32 $0xC1000, s10;
	s10 =	sadd.s32 $0xC0000, s10  }
.LBB2_2:
0x11: {  	s18 =	simm.s32 $0x0  }
0x12: {  	[tilespmem:s18], [sflag:$0x1] =	stream.linear.gather [hbm4b:s10+s18], $0x8000, $0x38;
	[tilespmem:$0x10000] =	vst v63  }
0x13: {  	_ = 	snop  }
0x14: {  	[tilespmem:s12], [sflag:$0x2] =	stream.linear.gather [hbm4b:s9+s18], $0x8000, $0x38;
	[tilespmem:$0x10000] =	vst v63  }
0x15: {  	_ =	swait.ge [sflag:s13], $0x8000  }
0x16: {  	[sflag:s13] =	ssyncset.done $0x0  }
0x17: {  	s18 =	simm.s32 $0x0;
	[sflag:s13] =	ssyncadd.s32 $0xFFFF8000  }
0x18: {  	v4 =	vld [tilespmem:s18+$0xD0]  }
0x19: {  	v7 =	vld [tilespmem:s18+$0x90]  }
0x1a: {  	v8 =	vld [tilespmem:s18+$0x10]  }
0x1b: {  	v9 =	vld [tilespmem:s18+$0x50]  }
0x1c: {  	v12 =	vld [tilespmem:s18+$0x60]  }
0x1d: {  	v1 =	vld [tilespmem:s18+$0xC0]  }
0x1e: {  	v2 =	vld [tilespmem:s18+$0x130]  }
0x1f: {  	v10 =	vld [tilespmem:s18+$0x110]  }
0x20: {  	v0 =	vld [tilespmem:s18+$0x120]  }
0x21: {  	v3 =	vld [tilespmem:s18+$0x100]  }
0x22: {  	v5 =	vld [tilespmem:s18+$0xE0]  }
0x23: {  	v14 =	vld [tilespmem:s18+$0xA0]  }
0x24: {  	v17 =	vld [tilespmem:s18+$0xF0]  }
0x25: {  	v6 =	vld [tilespmem:s18+$0x170]  }
0x26: {  	v18 =	vld [tilespmem:s18+$0x80]  }
0x27: {  	v15 =	vimm.f32 $0.0e+00;
	v19 =	vld [tilespmem:s18+$0xB0]  }
0x28: {  	v20 =	vld [tilespmem:s18+$0x40];
	v8 =	vadd.f32 v8, v15  }
0x29: {  	v16 =	vld [tilespmem:s18+$0x70]  }
0x2a: {  	v11 =	vld [tilespmem:s18+$0x30];
	v9 =	vadd.f32 v9, v8  }
0x2b: {  	v13 =	vld [tilespmem:s18+$0x20]  }
0x2c: {  	v22 =	vld [tilespmem:s18+$0x0];
	v7 =	vadd.f32 v7, v9  }
0x2d: {  	v21 =	vld [tilespmem:s18+$0x150];
	[tilespmem:s18+$0x10] =	vst v8  }
0x2e: {  	v23 =	vld [tilespmem:s18+$0x190];
	[tilespmem:s18+$0x50] =	vst v9;
	v4 =	vadd.f32 v4, v7  }
0x2f: {  	v24 =	vld [tilespmem:s18+$0x1D0];
	[tilespmem:s18+$0x90] =	vst v7;
	v7 =	vadd.f32 v11, v15  }
0x30: {  	v8 =	vadd.f32 v13, v15;
	v13 =	vld [tilespmem:s18+$0x140];
	[tilespmem:s18+$0xD0] =	vst v4;
	v4 =	vadd.f32 v10, v4  }
0x31: {  	v9 =	vld [tilespmem:s18+$0x1A0];
	[tilespmem:s18+$0x30] =	vst v7;
	v25 =	vadd.f32 v16, v7;
	v16 =	vadd.f32 v22, v15  }
0x32: {  	v11 =	vld [tilespmem:s18+$0x180];
	[tilespmem:s18+$0x110] =	vst v4;
	v7 =	vadd.f32 v21, v4;
	v4 =	vadd.f32 v12, v8  }
0x33: {  	[tilespmem:s18+$0x20] =	vst v8;
	v10 =	vld [tilespmem:s18+$0x1E0];
	v21 =	vadd.f32 v19, v25;
	v19 =	vadd.f32 v20, v16  }
0x34: {  	v15 =	vld [tilespmem:s18+$0x1B0];
	[tilespmem:s18+$0x70] =	vst v25;
	v8 =	vadd.f32 v23, v7  }
0x35: {  	v12 =	vld [tilespmem:s18+$0x1C0];
	[tilespmem:s18+$0x60] =	vst v4;
	v14 =	vadd.f32 v14, v4;
	v20 =	vadd.f32 v18, v19  }
0x36: {  	s19 =	simm.s32 $0x800;
	[tilespmem:s18+$0xB0] =	vst v21;
	v18 =	vadd.f32 v17, v21;
	v17 =	vld [tilespmem:s18+$0x160];
	v4 =	vadd.f32 v24, v8  }
.LBB2_3:
0x37: {  	s20 =	sshra.s32 s19, $0x2;
	p0 =	sne.s32 s19, $0x1F800;
	s19 =	sadd.s32 $0x800, s19;
	[tilespmem:s18+$0x40] =	vst v19;
	v19 =	vld [tilespmem:s18+$0x1F0]  }
0x38: {  	v21 =	vld [tilespmem:s20+$0xD0];
	[tilespmem:s18+$0x80] =	vst v20;
	v1 =	vadd.f32 v1, v20;
	v2 =	vadd.f32 v2, v18  }
0x39: {  	v5 =	vadd.f32 v5, v14;
	v20 =	vld [tilespmem:s20+$0x90];
	[tilespmem:s18+$0x0] =	vst v16  }
0x3a: {  	v16 =	vld [tilespmem:s20+$0x10];
	v3 =	vadd.f32 v3, v1;
	[tilespmem:s18+$0x130] =	vst v2;
	v2 =	vadd.f32 v6, v2  }
0x3b: {  	v0 =	vadd.f32 v0, v5;
	v22 =	vld [tilespmem:s20+$0x50];
	[tilespmem:s18+$0xF0] =	vst v18  }
0x3c: {  	v18 =	vld [tilespmem:s20+$0x60];
	[tilespmem:s18+$0xC0] =	vst v1;
	v6 =	vadd.f32 v13, v3;
	v13 =	vadd.f32 v15, v2  }
0x3d: {  	v15 =	vadd.f32 v17, v0;
	v1 =	vld [tilespmem:s20+$0xC0];
	[tilespmem:s18+$0x170] =	vst v2  }
0x3e: {  	v2 =	vld [tilespmem:s20+$0x130];
	[tilespmem:s18+$0x120] =	vst v0;
	v11 =	vadd.f32 v11, v6;
	v17 =	vadd.f32 v19, v13  }
0x3f: {  	v9 =	vadd.f32 v9, v15;
	v19 =	vld [tilespmem:s20+$0x110];
	[tilespmem:s18+$0x100] =	vst v3  }
0x40: {  	v0 =	vld [tilespmem:s20+$0x120];
	[tilespmem:s18+$0xE0] =	vst v5;
	v12 =	vadd.f32 v12, v11  }
0x41: {  	v10 =	vadd.f32 v10, v9;
	v3 =	vld [tilespmem:s20+$0x100];
	[tilespmem:s18+$0xA0] =	vst v14  }
0x42: {  	v5 =	vld [tilespmem:s20+$0xE0];
	[tilespmem:s18+$0x160] =	vst v15  }
0x43: {  	v14 =	vld [tilespmem:s20+$0xA0];
	[tilespmem:s18+$0x1B0] =	vst v13  }
0x44: {  	v23 =	vld [tilespmem:s20+$0xF0];
	[tilespmem:s18+$0x140] =	vst v6  }
0x45: {  	v6 =	vld [tilespmem:s20+$0x170];
	[tilespmem:s18+$0x1F0] =	vst v17  }
0x46: {  	v24 =	vld [tilespmem:s20+$0x80];
	[tilespmem:s18+$0x180] =	vst v11  }
0x47: {  	v11 =	vadd.f32 v16, v4;
	v15 =	vld [tilespmem:s20+$0xB0];
	[tilespmem:s18+$0x150] =	vst v7  }
0x48: {  	v25 =	vld [tilespmem:s20+$0x40];
	[tilespmem:s18+$0x1C0] =	vst v12  }
0x49: {  	v7 =	vadd.f32 v22, v11;
	v13 =	vld [tilespmem:s20+$0x70];
	[tilespmem:s18+$0x190] =	vst v8  }
0x4a: {  	v8 =	vld [tilespmem:s20+$0x30];
	[tilespmem:s18+$0x1D0] =	vst v4  }
0x4b: {  	v4 =	vadd.f32 v20, v7;
	v16 =	vld [tilespmem:s20+$0x150];
	[tilespmem:s18+$0x1A0] =	vst v9  }
0x4c: {  	v20 =	vld [tilespmem:s20+$0x20];
	[tilespmem:s18+$0x1E0] =	vst v10;
	s18 =	smov.u32 s20  }
0x4d: {  	v22 =	vld [tilespmem:s18+$0x0];
	[tilespmem:s18+$0x90] =	vst v4;
	v4 =	vadd.f32 v21, v4  }
0x4e: {  	[tilespmem:s18+$0x50] =	vst v7;
	v21 =	vld [tilespmem:s18+$0x190]  }
0x4f: {  	v8 =	vadd.f32 v8, v17;
	[tilespmem:s18+$0xD0] =	vst v4;
	v4 =	vadd.f32 v19, v4;
	v9 =	vld [tilespmem:s18+$0x1A0]  }
0x50: {  	[tilespmem:s18+$0x10] =	vst v11;
	v17 =	vld [tilespmem:s18+$0x1D0]  }
0x51: {  	v10 =	vadd.f32 v20, v10;
	[tilespmem:s18+$0x110] =	vst v4;
	v7 =	vadd.f32 v16, v4;
	v11 =	vld [tilespmem:s18+$0x180]  }
.Ltmp1:
0x52: {  	v4 =	vadd.f32 v13, v8;
	v16 =	vadd.f32 v22, v12;
	[tilespmem:s18+$0x30] =	vst v8;
	v13 =	vld [tilespmem:s18+$0x140];
	(pc) =	sbr.rel @p0 .LBB2_3-.Ltmp1, $4  }
0x53: {  	[tilespmem:s18+$0x20] =	vst v10;
	v18 =	vadd.f32 v18, v10;
	v8 =	vadd.f32 v21, v7;
	v10 =	vld [tilespmem:s18+$0x1E0]  }
0x54: {  	v21 =	vadd.f32 v15, v4;
	v19 =	vadd.f32 v25, v16;
	[tilespmem:s18+$0x70] =	vst v4;
	v12 =	vld [tilespmem:s18+$0x1C0]  }
0x55: {  	[tilespmem:s18+$0x60] =	vst v18;
	v14 =	vadd.f32 v14, v18;
	v15 =	vld [tilespmem:s18+$0x1B0];
	v4 =	vadd.f32 v17, v8  }
0x56: {  	v18 =	vadd.f32 v23, v21;
	v20 =	vadd.f32 v24, v19;
	[tilespmem:s18+$0xB0] =	vst v21;
	v17 =	vld [tilespmem:s18+$0x160]  }
0x57: {  	[tilespmem:s18+$0x40] =	vst v19  }
0x58: {  	[tilespmem:s18+$0x0] =	vst v16  }
0x59: {  	[tilespmem:s18+$0xA0] =	vst v14  }
0x5a: {  	[tilespmem:s18+$0x150] =	vst v7  }
0x5b: {  	[tilespmem:s18+$0x190] =	vst v8  }
0x5c: {  	[tilespmem:s18+$0x1D0] =	vst v4  }
0x5d: {  	v5 =	vadd.f32 v5, v14;
	[tilespmem:s18+$0x80] =	vst v20  }
0x5e: {  	v2 =	vadd.f32 v2, v18;
	[tilespmem:s18+$0xF0] =	vst v18  }
0x5f: {  	v1 =	vadd.f32 v1, v20;
	[tilespmem:s18+$0xE0] =	vst v5  }
0x60: {  	v0 =	vadd.f32 v0, v5;
	[tilespmem:s18+$0x130] =	vst v2  }
0x61: {  	v2 =	vadd.f32 v6, v2;
	[tilespmem:s18+$0xC0] =	vst v1  }
0x62: {  	v19 =	vld [tilespmem:s18+$0x1F0];
	v1 =	vadd.f32 v3, v1;
	[tilespmem:s18+$0x120] =	vst v0  }
0x63: {  	v0 =	vadd.f32 v17, v0;
	[tilespmem:s18+$0x170] =	vst v2  }
0x64: {  	[tilespmem:s18+$0x100] =	vst v1;
	v2 =	vadd.f32 v15, v2  }
0x65: {  	v1 =	vadd.f32 v13, v1;
	[tilespmem:s18+$0x160] =	vst v0  }
0x66: {  	v0 =	vadd.f32 v9, v0;
	[tilespmem:s18+$0x1B0] =	vst v2  }
0x67: {  	v13 =	vadd.f32 v19, v2;
	[tilespmem:s18+$0x140] =	vst v1  }
0x68: {  	v2 =	vadd.f32 v11, v1;
	[tilespmem:s18+$0x1A0] =	vst v0  }
0x69: {  	v7 =	vadd.f32 v10, v0;
	[tilespmem:s18+$0x1F0] =	vst v13  }
0x6a: {  	v12 =	vadd.f32 v12, v2;
	[tilespmem:s18+$0x180] =	vst v2  }
0x6b: {  	[tilespmem:s18+$0x1E0] =	vst v7  }
0x6c: {  	s31 =	simm.s32 $0x0;
	[tilespmem:s18+$0x1C0] =	vst v12  }
0x6d: {  	[hbm4b:s3+s31] =	stream.linear.scatter [tilespmem:s31], [sflag:$0x3], $0x8000, $0x38;
	[tilespmem:$0x10000] =	vst v63  }
0x6e: {  	_ =	swait.ge [sflag:s14], $0x8000  }
0x6f: {  	[sflag:s14] =	ssyncset.done $0x0  }
0x70: {  	[sflag:s14] =	ssyncadd.s32 $0xFFFF8000  }
0x71: {  	[tilespmem:s31], [sflag:$0x1] =	stream.linear.gather [hbm4b:s4+s31], $0x8000, $0x38;
	[tilespmem:$0x10000] =	vst v63  }
0x72: {  	_ =	swait.ge [sflag:s15], $0x8000  }
0x73: {  	[sflag:s15] =	ssyncset.done $0x0  }
0x74: {  	s18 =	simm.s32 $0x0;
	[sflag:s15] =	ssyncadd.s32 $0xFFFF8000  }
0x75: {  	v8 =	vld [tilespmem:s18+$0x80D0]  }
0x76: {  	v9 =	vld [tilespmem:s18+$0x8090]  }
0x77: {  	v10 =	vld [tilespmem:s18+$0x8010]  }
0x78: {  	v11 =	vld [tilespmem:s18+$0x8050]  }
0x79: {  	v14 =	vld [tilespmem:s18+$0x8060]  }
0x7a: {  	v1 =	vld [tilespmem:s18+$0x80C0]  }
0x7b: {  	v2 =	vld [tilespmem:s18+$0x8130]  }
0x7c: {  	v15 =	vld [tilespmem:s18+$0x8110]  }
0x7d: {  	v0 =	vld [tilespmem:s18+$0x8120]  }
0x7e: {  	v3 =	vld [tilespmem:s18+$0x8100]  }
0x7f: {  	v5 =	vld [tilespmem:s18+$0x80E0]  }
0x80: {  	v17 =	vld [tilespmem:s18+$0x80A0]  }
0x81: {  	v18 =	vld [tilespmem:s18+$0x80F0]  }
0x82: {  	v6 =	vld [tilespmem:s18+$0x8170]  }
0x83: {  	v20 =	vld [tilespmem:s18+$0x8080]  }
0x84: {  	v19 =	vld [tilespmem:s18+$0x80B0];
	v4 =	vadd.f32 v10, v4  }
0x85: {  	v21 =	vld [tilespmem:s18+$0x8040]  }
0x86: {  	v16 =	vld [tilespmem:s18+$0x8030];
	v11 =	vadd.f32 v11, v4  }
0x87: {  	v22 =	vld [tilespmem:s18+$0x8150]  }
0x88: {  	v23 =	vld [tilespmem:s18+$0x8020];
	v9 =	vadd.f32 v9, v11  }
0x89: {  	v10 =	vld [tilespmem:s18+$0x8070]  }
0x8a: {  	v24 =	vld [tilespmem:s18+$0x8000];
	[tilespmem:s18+$0x8010] =	vst v4;
	v8 =	vadd.f32 v8, v9  }
0x8b: {  	v25 =	vld [tilespmem:s18+$0x8190];
	[tilespmem:s18+$0x8050] =	vst v11  }
0x8c: {  	v4 =	vld [tilespmem:s18+$0x81D0];
	[tilespmem:s18+$0x80D0] =	vst v8;
	v8 =	vadd.f32 v15, v8;
	v15 =	vadd.f32 v16, v13  }
0x8d: {  	v11 =	vld [tilespmem:s18+$0x8180];
	[tilespmem:s18+$0x8090] =	vst v9;
	v16 =	vadd.f32 v23, v7  }
0x8e: {  	v9 =	vld [tilespmem:s18+$0x81A0];
	[tilespmem:s18+$0x8030] =	vst v15;
	v15 =	vadd.f32 v10, v15;
	v7 =	vadd.f32 v22, v8  }
0x8f: {  	v13 =	vld [tilespmem:s18+$0x8140];
	[tilespmem:s18+$0x8020] =	vst v16;
	v14 =	vadd.f32 v14, v16;
	v16 =	vadd.f32 v24, v12  }
0x90: {  	[tilespmem:s18+$0x8110] =	vst v8;
	v10 =	vld [tilespmem:s18+$0x81E0];
	v8 =	vadd.f32 v25, v7  }
0x91: {  	v12 =	vld [tilespmem:s18+$0x81C0];
	[tilespmem:s18+$0x8070] =	vst v15;
	v22 =	vadd.f32 v19, v15;
	v19 =	vadd.f32 v21, v16  }
0x92: {  	[tilespmem:s18+$0x8060] =	vst v14;
	v15 =	vld [tilespmem:s18+$0x81B0];
	v14 =	vadd.f32 v17, v14;
	v4 =	vadd.f32 v4, v8  }
0x93: {  	s19 =	simm.s32 $0x800;
	v17 =	vld [tilespmem:s18+$0x8160];
	[tilespmem:s18+$0x80B0] =	vst v22;
	v20 =	vadd.f32 v20, v19;
	v18 =	vadd.f32 v18, v22  }
.LBB2_5:
0x94: {  	s20 =	sshra.s32 s19, $0x2;
	p0 =	sne.s32 s19, $0x1F800;
	s19 =	sadd.s32 $0x800, s19;
	[tilespmem:s18+$0x8040] =	vst v19;
	v19 =	vld [tilespmem:s18+$0x81F0]  }
0x95: {  	v21 =	vld [tilespmem:s20+$0x80D0];
	[tilespmem:s18+$0x8080] =	vst v20;
	v1 =	vadd.f32 v1, v20;
	v2 =	vadd.f32 v2, v18  }
0x96: {  	v5 =	vadd.f32 v5, v14;
	v20 =	vld [tilespmem:s20+$0x8090];
	[tilespmem:s18+$0x8000] =	vst v16  }
0x97: {  	v16 =	vld [tilespmem:s20+$0x8010];
	v3 =	vadd.f32 v3, v1;
	[tilespmem:s18+$0x8130] =	vst v2;
	v2 =	vadd.f32 v6, v2  }
0x98: {  	v0 =	vadd.f32 v0, v5;
	v22 =	vld [tilespmem:s20+$0x8050];
	[tilespmem:s18+$0x80F0] =	vst v18  }
0x99: {  	v18 =	vld [tilespmem:s20+$0x8060];
	[tilespmem:s18+$0x80C0] =	vst v1;
	v6 =	vadd.f32 v13, v3;
	v13 =	vadd.f32 v15, v2  }
0x9a: {  	v15 =	vadd.f32 v17, v0;
	v1 =	vld [tilespmem:s20+$0x80C0];
	[tilespmem:s18+$0x8170] =	vst v2  }
0x9b: {  	v2 =	vld [tilespmem:s20+$0x8130];
	[tilespmem:s18+$0x8120] =	vst v0;
	v11 =	vadd.f32 v11, v6;
	v17 =	vadd.f32 v19, v13  }
0x9c: {  	v9 =	vadd.f32 v9, v15;
	v19 =	vld [tilespmem:s20+$0x8110];
	[tilespmem:s18+$0x8100] =	vst v3  }
0x9d: {  	v0 =	vld [tilespmem:s20+$0x8120];
	[tilespmem:s18+$0x80E0] =	vst v5;
	v12 =	vadd.f32 v12, v11  }
0x9e: {  	v10 =	vadd.f32 v10, v9;
	v3 =	vld [tilespmem:s20+$0x8100];
	[tilespmem:s18+$0x80A0] =	vst v14  }
0x9f: {  	v5 =	vld [tilespmem:s20+$0x80E0];
	[tilespmem:s18+$0x8160] =	vst v15  }
0xa0: {  	v14 =	vld [tilespmem:s20+$0x80A0];
	[tilespmem:s18+$0x81B0] =	vst v13  }
0xa1: {  	v23 =	vld [tilespmem:s20+$0x80F0];
	[tilespmem:s18+$0x8140] =	vst v6  }
0xa2: {  	v6 =	vld [tilespmem:s20+$0x8170];
	[tilespmem:s18+$0x81F0] =	vst v17  }
0xa3: {  	v24 =	vld [tilespmem:s20+$0x8080];
	[tilespmem:s18+$0x8180] =	vst v11  }
0xa4: {  	v11 =	vadd.f32 v16, v4;
	v15 =	vld [tilespmem:s20+$0x80B0];
	[tilespmem:s18+$0x8150] =	vst v7  }
0xa5: {  	v25 =	vld [tilespmem:s20+$0x8040];
	[tilespmem:s18+$0x81C0] =	vst v12  }
0xa6: {  	v7 =	vadd.f32 v22, v11;
	v13 =	vld [tilespmem:s20+$0x8070];
	[tilespmem:s18+$0x8190] =	vst v8  }
0xa7: {  	v8 =	vld [tilespmem:s20+$0x8030];
	[tilespmem:s18+$0x81D0] =	vst v4  }
0xa8: {  	v4 =	vadd.f32 v20, v7;
	v16 =	vld [tilespmem:s20+$0x8150];
	[tilespmem:s18+$0x81A0] =	vst v9  }
0xa9: {  	v20 =	vld [tilespmem:s20+$0x8020];
	[tilespmem:s18+$0x81E0] =	vst v10;
	s18 =	smov.u32 s20  }
0xaa: {  	v22 =	vld [tilespmem:s18+$0x8000];
	[tilespmem:s18+$0x8090] =	vst v4;
	v4 =	vadd.f32 v21, v4  }
0xab: {  	[tilespmem:s18+$0x8050] =	vst v7;
	v21 =	vld [tilespmem:s18+$0x8190]  }
0xac: {  	v8 =	vadd.f32 v8, v17;
	[tilespmem:s18+$0x80D0] =	vst v4;
	v4 =	vadd.f32 v19, v4;
	v9 =	vld [tilespmem:s18+$0x81A0]  }
0xad: {  	[tilespmem:s18+$0x8010] =	vst v11;
	v17 =	vld [tilespmem:s18+$0x81D0]  }
0xae: {  	v10 =	vadd.f32 v20, v10;
	[tilespmem:s18+$0x8110] =	vst v4;
	v7 =	vadd.f32 v16, v4;
	v11 =	vld [tilespmem:s18+$0x8180]  }
.Ltmp2:
0xaf: {  	v4 =	vadd.f32 v13, v8;
	v16 =	vadd.f32 v22, v12;
	[tilespmem:s18+$0x8030] =	vst v8;
	v13 =	vld [tilespmem:s18+$0x8140];
	(pc) =	sbr.rel @p0 .LBB2_5-.Ltmp2, $4  }
0xb0: {  	[tilespmem:s18+$0x8020] =	vst v10;
	v18 =	vadd.f32 v18, v10;
	v8 =	vadd.f32 v21, v7;
	v10 =	vld [tilespmem:s18+$0x81E0]  }
0xb1: {  	v21 =	vadd.f32 v15, v4;
	v19 =	vadd.f32 v25, v16;
	[tilespmem:s18+$0x8070] =	vst v4;
	v12 =	vld [tilespmem:s18+$0x81C0]  }
0xb2: {  	[tilespmem:s18+$0x8060] =	vst v18;
	v14 =	vadd.f32 v14, v18;
	v15 =	vld [tilespmem:s18+$0x81B0];
	v4 =	vadd.f32 v17, v8  }
0xb3: {  	v18 =	vadd.f32 v23, v21;
	v20 =	vadd.f32 v24, v19;
	[tilespmem:s18+$0x80B0] =	vst v21;
	v17 =	vld [tilespmem:s18+$0x8160]  }
0xb4: {  	[tilespmem:s18+$0x8040] =	vst v19  }
0xb5: {  	[tilespmem:s18+$0x8000] =	vst v16  }
0xb6: {  	[tilespmem:s18+$0x80A0] =	vst v14  }
0xb7: {  	[tilespmem:s18+$0x8150] =	vst v7  }
0xb8: {  	[tilespmem:s18+$0x8190] =	vst v8  }
0xb9: {  	[tilespmem:s18+$0x81D0] =	vst v4  }
0xba: {  	v5 =	vadd.f32 v5, v14;
	[tilespmem:s18+$0x8080] =	vst v20  }
0xbb: {  	v2 =	vadd.f32 v2, v18;
	[tilespmem:s18+$0x80F0] =	vst v18  }
0xbc: {  	v1 =	vadd.f32 v1, v20;
	[tilespmem:s18+$0x80E0] =	vst v5  }
0xbd: {  	v0 =	vadd.f32 v0, v5;
	[tilespmem:s18+$0x8130] =	vst v2  }
0xbe: {  	v2 =	vadd.f32 v6, v2;
	[tilespmem:s18+$0x80C0] =	vst v1  }
0xbf: {  	v19 =	vld [tilespmem:s18+$0x81F0];
	v1 =	vadd.f32 v3, v1;
	[tilespmem:s18+$0x8120] =	vst v0  }
0xc0: {  	v0 =	vadd.f32 v17, v0;
	[tilespmem:s18+$0x8170] =	vst v2  }
0xc1: {  	[tilespmem:s18+$0x8100] =	vst v1;
	v2 =	vadd.f32 v15, v2  }
0xc2: {  	v1 =	vadd.f32 v13, v1;
	[tilespmem:s18+$0x8160] =	vst v0  }
0xc3: {  	v0 =	vadd.f32 v9, v0;
	[tilespmem:s18+$0x81B0] =	vst v2  }
0xc4: {  	v6 =	vadd.f32 v19, v2;
	[tilespmem:s18+$0x8140] =	vst v1  }
0xc5: {  	v2 =	vadd.f32 v11, v1;
	[tilespmem:s18+$0x81A0] =	vst v0  }
0xc6: {  	v8 =	vadd.f32 v10, v0;
	[tilespmem:s18+$0x81F0] =	vst v6  }
0xc7: {  	v12 =	vadd.f32 v12, v2;
	[tilespmem:s18+$0x8180] =	vst v2  }
0xc8: {  	[tilespmem:s18+$0x81E0] =	vst v8  }
0xc9: {  	s31 =	simm.s32 $0x0;
	[tilespmem:s18+$0x81C0] =	vst v12  }
0xca: {  	[hbm4b:s5+s31] =	stream.linear.scatter [tilespmem:s12], [sflag:$0x4], $0x8000, $0x38;
	[tilespmem:$0x10000] =	vst v63  }
0xcb: {  	_ =	swait.ge [sflag:s16], $0x8000  }
0xcc: {  	[sflag:s16] =	ssyncset.done $0x0  }
0xcd: {  	[sflag:s16] =	ssyncadd.s32 $0xFFFF8000  }
0xce: {  	[tilespmem:s12], [sflag:$0x2] =	stream.linear.gather [hbm4b:s6+s31], $0x8000, $0x38;
	[tilespmem:$0x10000] =	vst v63  }
0xcf: {  	_ =	swait.ge [sflag:s13], $0x8000  }
0xd0: {  	[sflag:s13] =	ssyncset.done $0x0  }
0xd1: {  	s18 =	simm.s32 $0x0;
	[sflag:s13] =	ssyncadd.s32 $0xFFFF8000  }
0xd2: {  	v9 =	vld [tilespmem:s18+$0xD0]  }
0xd3: {  	v10 =	vld [tilespmem:s18+$0x90]  }
0xd4: {  	v11 =	vld [tilespmem:s18+$0x10]  }
0xd5: {  	v13 =	vld [tilespmem:s18+$0x50]  }
0xd6: {  	v14 =	vld [tilespmem:s18+$0x60]  }
0xd7: {  	v1 =	vld [tilespmem:s18+$0xC0]  }
0xd8: {  	v2 =	vld [tilespmem:s18+$0x130]  }
0xd9: {  	v15 =	vld [tilespmem:s18+$0x110]  }
0xda: {  	v0 =	vld [tilespmem:s18+$0x120]  }
0xdb: {  	v3 =	vld [tilespmem:s18+$0x100]  }
0xdc: {  	v5 =	vld [tilespmem:s18+$0xE0]  }
0xdd: {  	v17 =	vld [tilespmem:s18+$0xA0]  }
0xde: {  	v18 =	vld [tilespmem:s18+$0xF0]  }
0xdf: {  	v7 =	vld [tilespmem:s18+$0x170]  }
0xe0: {  	v20 =	vld [tilespmem:s18+$0x80]  }
0xe1: {  	v19 =	vld [tilespmem:s18+$0xB0]  }
0xe2: {  	v21 =	vld [tilespmem:s18+$0x40];
	v4 =	vadd.f32 v11, v4  }
0xe3: {  	v16 =	vld [tilespmem:s18+$0x70]  }
0xe4: {  	v11 =	vadd.f32 v13, v4;
	v13 =	vld [tilespmem:s18+$0x30]  }
0xe5: {  	v23 =	vld [tilespmem:s18+$0x20]  }
0xe6: {  	v24 =	vld [tilespmem:s18+$0x0];
	v10 =	vadd.f32 v10, v11  }
0xe7: {  	v22 =	vld [tilespmem:s18+$0x150];
	[tilespmem:s18+$0x10] =	vst v4  }
0xe8: {  	v25 =	vld [tilespmem:s18+$0x190];
	[tilespmem:s18+$0x90] =	vst v10;
	v10 =	vadd.f32 v9, v10  }
0xe9: {  	v26 =	vld [tilespmem:s18+$0x1D0];
	[tilespmem:s18+$0x50] =	vst v11;
	v4 =	vadd.f32 v13, v6  }
0xea: {  	v11 =	vld [tilespmem:s18+$0x180];
	v6 =	vadd.f32 v23, v8;
	[tilespmem:s18+$0xD0] =	vst v10;
	v15 =	vadd.f32 v15, v10  }
0xeb: {  	v9 =	vld [tilespmem:s18+$0x1A0];
	[tilespmem:s18+$0x30] =	vst v4;
	v23 =	vadd.f32 v16, v4;
	v16 =	vadd.f32 v24, v12  }
0xec: {  	v13 =	vld [tilespmem:s18+$0x140];
	[tilespmem:s18+$0x20] =	vst v6;
	v6 =	vadd.f32 v14, v6;
	v4 =	vadd.f32 v22, v15  }
0xed: {  	v10 =	vld [tilespmem:s18+$0x1E0];
	[tilespmem:s18+$0x110] =	vst v15;
	v22 =	vadd.f32 v19, v23;
	v19 =	vadd.f32 v21, v16  }
0xee: {  	v12 =	vld [tilespmem:s18+$0x1C0];
	[tilespmem:s18+$0x70] =	vst v23;
	v8 =	vadd.f32 v25, v4  }
0xef: {  	v15 =	vld [tilespmem:s18+$0x1B0];
	[tilespmem:s18+$0x60] =	vst v6;
	v14 =	vadd.f32 v17, v6;
	v20 =	vadd.f32 v20, v19  }
0xf0: {  	s19 =	simm.s32 $0x800;
	v17 =	vld [tilespmem:s18+$0x160];
	[tilespmem:s18+$0xB0] =	vst v22;
	v18 =	vadd.f32 v18, v22;
	v6 =	vadd.f32 v26, v8  }
.LBB2_7:
0xf1: {  	s20 =	sshra.s32 s19, $0x2;
	p0 =	sne.s32 s19, $0x1F800;
	s19 =	sadd.s32 $0x800, s19;
	[tilespmem:s18+$0x40] =	vst v19;
	v19 =	vld [tilespmem:s18+$0x1F0]  }
0xf2: {  	v21 =	vld [tilespmem:s20+$0xD0];
	[tilespmem:s18+$0x80] =	vst v20;
	v1 =	vadd.f32 v1, v20;
	v2 =	vadd.f32 v2, v18  }
0xf3: {  	v5 =	vadd.f32 v5, v14;
	v20 =	vld [tilespmem:s20+$0x90];
	[tilespmem:s18+$0x0] =	vst v16  }
0xf4: {  	v16 =	vld [tilespmem:s20+$0x10];
	v3 =	vadd.f32 v3, v1;
	[tilespmem:s18+$0x130] =	vst v2;
	v2 =	vadd.f32 v7, v2  }
0xf5: {  	v0 =	vadd.f32 v0, v5;
	v22 =	vld [tilespmem:s20+$0x50];
	[tilespmem:s18+$0xF0] =	vst v18  }
0xf6: {  	v18 =	vld [tilespmem:s20+$0x60];
	[tilespmem:s18+$0xC0] =	vst v1;
	v7 =	vadd.f32 v13, v3;
	v13 =	vadd.f32 v15, v2  }
0xf7: {  	v15 =	vadd.f32 v17, v0;
	v1 =	vld [tilespmem:s20+$0xC0];
	[tilespmem:s18+$0x170] =	vst v2  }
0xf8: {  	v2 =	vld [tilespmem:s20+$0x130];
	[tilespmem:s18+$0x120] =	vst v0;
	v11 =	vadd.f32 v11, v7;
	v17 =	vadd.f32 v19, v13  }
0xf9: {  	v9 =	vadd.f32 v9, v15;
	v19 =	vld [tilespmem:s20+$0x110];
	[tilespmem:s18+$0x100] =	vst v3  }
0xfa: {  	v0 =	vld [tilespmem:s20+$0x120];
	[tilespmem:s18+$0xE0] =	vst v5;
	v12 =	vadd.f32 v12, v11  }
0xfb: {  	v10 =	vadd.f32 v10, v9;
	v3 =	vld [tilespmem:s20+$0x100];
	[tilespmem:s18+$0xA0] =	vst v14  }
0xfc: {  	v5 =	vld [tilespmem:s20+$0xE0];
	[tilespmem:s18+$0x160] =	vst v15  }
0xfd: {  	v14 =	vld [tilespmem:s20+$0xA0];
	[tilespmem:s18+$0x1B0] =	vst v13  }
0xfe: {  	v23 =	vld [tilespmem:s20+$0xF0];
	[tilespmem:s18+$0x140] =	vst v7  }
0xff: {  	v7 =	vld [tilespmem:s20+$0x170];
	[tilespmem:s18+$0x1F0] =	vst v17  }
0x100: {  	v24 =	vld [tilespmem:s20+$0x80];
	[tilespmem:s18+$0x180] =	vst v11  }
0x101: {  	v11 =	vadd.f32 v16, v6;
	v15 =	vld [tilespmem:s20+$0xB0];
	[tilespmem:s18+$0x150] =	vst v4  }
0x102: {  	v25 =	vld [tilespmem:s20+$0x40];
	[tilespmem:s18+$0x1C0] =	vst v12  }
0x103: {  	v4 =	vadd.f32 v22, v11;
	v13 =	vld [tilespmem:s20+$0x70];
	[tilespmem:s18+$0x190] =	vst v8  }
0x104: {  	v8 =	vld [tilespmem:s20+$0x30];
	[tilespmem:s18+$0x1D0] =	vst v6  }
0x105: {  	v6 =	vadd.f32 v20, v4;
	v16 =	vld [tilespmem:s20+$0x150];
	[tilespmem:s18+$0x1A0] =	vst v9  }
0x106: {  	v20 =	vld [tilespmem:s20+$0x20];
	[tilespmem:s18+$0x1E0] =	vst v10;
	s18 =	smov.u32 s20  }
0x107: {  	v22 =	vld [tilespmem:s18+$0x0];
	[tilespmem:s18+$0x90] =	vst v6;
	v6 =	vadd.f32 v21, v6  }
0x108: {  	[tilespmem:s18+$0x50] =	vst v4;
	v21 =	vld [tilespmem:s18+$0x190]  }
0x109: {  	v8 =	vadd.f32 v8, v17;
	[tilespmem:s18+$0xD0] =	vst v6;
	v4 =	vadd.f32 v19, v6;
	v9 =	vld [tilespmem:s18+$0x1A0]  }
0x10a: {  	[tilespmem:s18+$0x10] =	vst v11;
	v6 =	vld [tilespmem:s18+$0x1D0]  }
0x10b: {  	v10 =	vadd.f32 v20, v10;
	[tilespmem:s18+$0x110] =	vst v4;
	v4 =	vadd.f32 v16, v4;
	v11 =	vld [tilespmem:s18+$0x180]  }
.Ltmp3:
0x10c: {  	v16 =	vadd.f32 v22, v12;
	[tilespmem:s18+$0x30] =	vst v8;
	v12 =	vadd.f32 v13, v8;
	v13 =	vld [tilespmem:s18+$0x140];
	(pc) =	sbr.rel @p0 .LBB2_7-.Ltmp3, $4  }
0x10d: {  	[tilespmem:s18+$0x20] =	vst v10;
	v17 =	vadd.f32 v18, v10;
	v8 =	vadd.f32 v21, v4;
	v10 =	vld [tilespmem:s18+$0x1E0]  }
0x10e: {  	v19 =	vadd.f32 v25, v16;
	[tilespmem:s18+$0x70] =	vst v12;
	v18 =	vadd.f32 v15, v12;
	v12 =	vld [tilespmem:s18+$0x1C0]  }
0x10f: {  	[tilespmem:s18+$0x60] =	vst v17;
	v14 =	vadd.f32 v14, v17;
	v15 =	vld [tilespmem:s18+$0x1B0];
	v6 =	vadd.f32 v6, v8  }
0x110: {  	v20 =	vadd.f32 v24, v19;
	[tilespmem:s18+$0xB0] =	vst v18;
	v18 =	vadd.f32 v23, v18;
	v17 =	vld [tilespmem:s18+$0x160]  }
0x111: {  	[tilespmem:s18+$0x40] =	vst v19  }
0x112: {  	[tilespmem:s18+$0x0] =	vst v16  }
0x113: {  	[tilespmem:s18+$0xA0] =	vst v14  }
0x114: {  	[tilespmem:s18+$0x150] =	vst v4  }
0x115: {  	[tilespmem:s18+$0x190] =	vst v8  }
0x116: {  	[tilespmem:s18+$0x1D0] =	vst v6  }
0x117: {  	v5 =	vadd.f32 v5, v14;
	[tilespmem:s18+$0x80] =	vst v20  }
0x118: {  	v2 =	vadd.f32 v2, v18;
	[tilespmem:s18+$0xF0] =	vst v18  }
0x119: {  	v1 =	vadd.f32 v1, v20;
	[tilespmem:s18+$0xE0] =	vst v5  }
0x11a: {  	v0 =	vadd.f32 v0, v5;
	[tilespmem:s18+$0x130] =	vst v2  }
0x11b: {  	v2 =	vadd.f32 v7, v2;
	[tilespmem:s18+$0xC0] =	vst v1  }
0x11c: {  	v19 =	vld [tilespmem:s18+$0x1F0];
	v1 =	vadd.f32 v3, v1;
	[tilespmem:s18+$0x120] =	vst v0  }
0x11d: {  	v0 =	vadd.f32 v17, v0;
	[tilespmem:s18+$0x170] =	vst v2  }
0x11e: {  	[tilespmem:s18+$0x100] =	vst v1;
	v2 =	vadd.f32 v15, v2  }
0x11f: {  	v1 =	vadd.f32 v13, v1;
	[tilespmem:s18+$0x160] =	vst v0  }
0x120: {  	v0 =	vadd.f32 v9, v0;
	[tilespmem:s18+$0x1B0] =	vst v2  }
0x121: {  	v7 =	vadd.f32 v19, v2;
	[tilespmem:s18+$0x140] =	vst v1  }
0x122: {  	v2 =	vadd.f32 v11, v1;
	[tilespmem:s18+$0x1A0] =	vst v0  }
0x123: {  	v9 =	vadd.f32 v10, v0;
	[tilespmem:s18+$0x1F0] =	vst v7  }
0x124: {  	v12 =	vadd.f32 v12, v2;
	[tilespmem:s18+$0x180] =	vst v2  }
0x125: {  	[tilespmem:s18+$0x1E0] =	vst v9  }
0x126: {  	s31 =	simm.s32 $0x0;
	[tilespmem:s18+$0x1C0] =	vst v12  }
0x127: {  	[hbm4b:s7+s31] =	stream.linear.scatter [tilespmem:s31], [sflag:$0x3], $0x8000, $0x38;
	[tilespmem:$0x10000] =	vst v63  }
0x128: {  	_ =	swait.ge [sflag:s15], $0x8000  }
0x129: {  	[sflag:s15] =	ssyncset.done $0x0  }
0x12a: {  	s18 =	simm.s32 $0x0;
	[sflag:s15] =	ssyncadd.s32 $0xFFFF8000  }
0x12b: {  	v8 =	vld [tilespmem:s18+$0x80D0]  }
0x12c: {  	v10 =	vld [tilespmem:s18+$0x8090]  }
0x12d: {  	v11 =	vld [tilespmem:s18+$0x8010]  }
0x12e: {  	v13 =	vld [tilespmem:s18+$0x8050]  }
0x12f: {  	v14 =	vld [tilespmem:s18+$0x8060]  }
0x130: {  	v1 =	vld [tilespmem:s18+$0x80C0]  }
0x131: {  	v2 =	vld [tilespmem:s18+$0x8130]  }
0x132: {  	v15 =	vld [tilespmem:s18+$0x8110]  }
0x133: {  	v0 =	vld [tilespmem:s18+$0x8120]  }
0x134: {  	v3 =	vld [tilespmem:s18+$0x8100]  }
0x135: {  	v4 =	vld [tilespmem:s18+$0x80E0]  }
0x136: {  	v17 =	vld [tilespmem:s18+$0x80A0]  }
0x137: {  	v18 =	vld [tilespmem:s18+$0x80F0]  }
0x138: {  	v5 =	vld [tilespmem:s18+$0x8170]  }
0x139: {  	v20 =	vld [tilespmem:s18+$0x8080]  }
0x13a: {  	v19 =	vld [tilespmem:s18+$0x80B0]  }
0x13b: {  	v21 =	vld [tilespmem:s18+$0x8040];
	v6 =	vadd.f32 v11, v6  }
0x13c: {  	v16 =	vld [tilespmem:s18+$0x8070]  }
0x13d: {  	v11 =	vadd.f32 v13, v6;
	v13 =	vld [tilespmem:s18+$0x8030]  }
0x13e: {  	v23 =	vld [tilespmem:s18+$0x8020]  }
0x13f: {  	v24 =	vld [tilespmem:s18+$0x8000];
	v10 =	vadd.f32 v10, v11  }
0x140: {  	v22 =	vld [tilespmem:s18+$0x8150];
	[tilespmem:s18+$0x8010] =	vst v6  }
0x141: {  	v25 =	vld [tilespmem:s18+$0x8190];
	[tilespmem:s18+$0x8090] =	vst v10;
	v10 =	vadd.f32 v8, v10  }
0x142: {  	v26 =	vld [tilespmem:s18+$0x81D0];
	[tilespmem:s18+$0x8050] =	vst v11;
	v6 =	vadd.f32 v13, v7  }
0x143: {  	v11 =	vld [tilespmem:s18+$0x8180];
	v7 =	vadd.f32 v23, v9;
	[tilespmem:s18+$0x80D0] =	vst v10;
	v15 =	vadd.f32 v15, v10  }
0x144: {  	v8 =	vld [tilespmem:s18+$0x81A0];
	[tilespmem:s18+$0x8030] =	vst v6;
	v9 =	vadd.f32 v16, v6;
	v16 =	vadd.f32 v24, v12  }
0x145: {  	v13 =	vld [tilespmem:s18+$0x8140];
	[tilespmem:s18+$0x8020] =	vst v7;
	v14 =	vadd.f32 v14, v7;
	v6 =	vadd.f32 v22, v15  }
0x146: {  	v10 =	vld [tilespmem:s18+$0x81E0];
	[tilespmem:s18+$0x8110] =	vst v15;
	v22 =	vadd.f32 v19, v9;
	v19 =	vadd.f32 v21, v16  }
0x147: {  	v12 =	vld [tilespmem:s18+$0x81C0];
	[tilespmem:s18+$0x8070] =	vst v9;
	v7 =	vadd.f32 v25, v6  }
0x148: {  	v15 =	vld [tilespmem:s18+$0x81B0];
	[tilespmem:s18+$0x8060] =	vst v14;
	v14 =	vadd.f32 v17, v14;
	v20 =	vadd.f32 v20, v19  }
0x149: {  	s19 =	simm.s32 $0x800;
	v17 =	vld [tilespmem:s18+$0x8160];
	[tilespmem:s18+$0x80B0] =	vst v22;
	v18 =	vadd.f32 v18, v22;
	v9 =	vadd.f32 v26, v7  }
.LBB2_9:
0x14a: {  	s20 =	sshra.s32 s19, $0x2;
	p0 =	sne.s32 s19, $0x1F800;
	s19 =	sadd.s32 $0x800, s19;
	[tilespmem:s18+$0x8040] =	vst v19;
	v19 =	vld [tilespmem:s18+$0x81F0]  }
0x14b: {  	v21 =	vld [tilespmem:s20+$0x80D0];
	[tilespmem:s18+$0x8080] =	vst v20;
	v1 =	vadd.f32 v1, v20;
	v2 =	vadd.f32 v2, v18  }
0x14c: {  	v4 =	vadd.f32 v4, v14;
	v20 =	vld [tilespmem:s20+$0x8090];
	[tilespmem:s18+$0x8000] =	vst v16  }
0x14d: {  	v16 =	vld [tilespmem:s20+$0x8010];
	v3 =	vadd.f32 v3, v1;
	[tilespmem:s18+$0x8130] =	vst v2;
	v2 =	vadd.f32 v5, v2  }
0x14e: {  	v0 =	vadd.f32 v0, v4;
	v22 =	vld [tilespmem:s20+$0x8050];
	[tilespmem:s18+$0x80F0] =	vst v18  }
0x14f: {  	v18 =	vld [tilespmem:s20+$0x8060];
	[tilespmem:s18+$0x80C0] =	vst v1;
	v5 =	vadd.f32 v13, v3;
	v13 =	vadd.f32 v15, v2  }
0x150: {  	v15 =	vadd.f32 v17, v0;
	v1 =	vld [tilespmem:s20+$0x80C0];
	[tilespmem:s18+$0x8170] =	vst v2  }
0x151: {  	v2 =	vld [tilespmem:s20+$0x8130];
	[tilespmem:s18+$0x8120] =	vst v0;
	v11 =	vadd.f32 v11, v5;
	v17 =	vadd.f32 v19, v13  }
0x152: {  	v8 =	vadd.f32 v8, v15;
	v19 =	vld [tilespmem:s20+$0x8110];
	[tilespmem:s18+$0x8100] =	vst v3  }
0x153: {  	v0 =	vld [tilespmem:s20+$0x8120];
	[tilespmem:s18+$0x80E0] =	vst v4;
	v12 =	vadd.f32 v12, v11  }
0x154: {  	v10 =	vadd.f32 v10, v8;
	v3 =	vld [tilespmem:s20+$0x8100];
	[tilespmem:s18+$0x80A0] =	vst v14  }
0x155: {  	v4 =	vld [tilespmem:s20+$0x80E0];
	[tilespmem:s18+$0x8160] =	vst v15  }
0x156: {  	v14 =	vld [tilespmem:s20+$0x80A0];
	[tilespmem:s18+$0x81B0] =	vst v13  }
0x157: {  	v23 =	vld [tilespmem:s20+$0x80F0];
	[tilespmem:s18+$0x8140] =	vst v5  }
0x158: {  	v5 =	vld [tilespmem:s20+$0x8170];
	[tilespmem:s18+$0x81F0] =	vst v17  }
0x159: {  	v24 =	vld [tilespmem:s20+$0x8080];
	[tilespmem:s18+$0x8180] =	vst v11  }
0x15a: {  	v11 =	vadd.f32 v16, v9;
	v15 =	vld [tilespmem:s20+$0x80B0];
	[tilespmem:s18+$0x8150] =	vst v6  }
0x15b: {  	v25 =	vld [tilespmem:s20+$0x8040];
	[tilespmem:s18+$0x81C0] =	vst v12  }
0x15c: {  	v6 =	vadd.f32 v22, v11;
	v13 =	vld [tilespmem:s20+$0x8070];
	[tilespmem:s18+$0x8190] =	vst v7  }
0x15d: {  	v7 =	vld [tilespmem:s20+$0x8030];
	[tilespmem:s18+$0x81D0] =	vst v9  }
0x15e: {  	v9 =	vadd.f32 v20, v6;
	v16 =	vld [tilespmem:s20+$0x8150];
	[tilespmem:s18+$0x81A0] =	vst v8  }
0x15f: {  	v20 =	vld [tilespmem:s20+$0x8020];
	[tilespmem:s18+$0x81E0] =	vst v10;
	s18 =	smov.u32 s20  }
0x160: {  	v8 =	vadd.f32 v21, v9;
	v22 =	vld [tilespmem:s18+$0x8000];
	[tilespmem:s18+$0x8090] =	vst v9  }
0x161: {  	[tilespmem:s18+$0x8050] =	vst v6;
	v9 =	vld [tilespmem:s18+$0x8190]  }
0x162: {  	v6 =	vadd.f32 v19, v8;
	v7 =	vadd.f32 v7, v17;
	[tilespmem:s18+$0x80D0] =	vst v8;
	v8 =	vld [tilespmem:s18+$0x81A0]  }
0x163: {  	[tilespmem:s18+$0x8010] =	vst v11;
	v17 =	vld [tilespmem:s18+$0x81D0]  }
0x164: {  	v10 =	vadd.f32 v20, v10;
	[tilespmem:s18+$0x8110] =	vst v6;
	v6 =	vadd.f32 v16, v6;
	v11 =	vld [tilespmem:s18+$0x8180]  }
.Ltmp4:
0x165: {  	v16 =	vadd.f32 v22, v12;
	[tilespmem:s18+$0x8030] =	vst v7;
	v12 =	vadd.f32 v13, v7;
	v13 =	vld [tilespmem:s18+$0x8140];
	(pc) =	sbr.rel @p0 .LBB2_9-.Ltmp4, $4  }
0x166: {  	[tilespmem:s18+$0x8020] =	vst v10;
	v18 =	vadd.f32 v18, v10;
	v7 =	vadd.f32 v9, v6;
	v10 =	vld [tilespmem:s18+$0x81E0]  }
0x167: {  	v19 =	vadd.f32 v25, v16;
	[tilespmem:s18+$0x8070] =	vst v12;
	v21 =	vadd.f32 v15, v12;
	v12 =	vld [tilespmem:s18+$0x81C0]  }
0x168: {  	[tilespmem:s18+$0x8060] =	vst v18;
	v14 =	vadd.f32 v14, v18;
	v15 =	vld [tilespmem:s18+$0x81B0];
	v9 =	vadd.f32 v17, v7  }
0x169: {  	v20 =	vadd.f32 v24, v19;
	[tilespmem:s18+$0x80B0] =	vst v21;
	v18 =	vadd.f32 v23, v21;
	v17 =	vld [tilespmem:s18+$0x8160]  }
0x16a: {  	[tilespmem:s18+$0x8040] =	vst v19  }
0x16b: {  	[tilespmem:s18+$0x8000] =	vst v16  }
0x16c: {  	[tilespmem:s18+$0x80A0] =	vst v14  }
0x16d: {  	[tilespmem:s18+$0x8150] =	vst v6  }
0x16e: {  	[tilespmem:s18+$0x8190] =	vst v7  }
0x16f: {  	[tilespmem:s18+$0x81D0] =	vst v9  }
0x170: {  	v4 =	vadd.f32 v4, v14;
	[tilespmem:s18+$0x8080] =	vst v20  }
0x171: {  	v2 =	vadd.f32 v2, v18;
	[tilespmem:s18+$0x80F0] =	vst v18  }
0x172: {  	v1 =	vadd.f32 v1, v20;
	[tilespmem:s18+$0x80E0] =	vst v4  }
0x173: {  	v0 =	vadd.f32 v0, v4;
	[tilespmem:s18+$0x8130] =	vst v2  }
0x174: {  	v2 =	vadd.f32 v5, v2;
	[tilespmem:s18+$0x80C0] =	vst v1  }
0x175: {  	v59 =	vld [tilespmem:s18+$0x81F0];
	v1 =	vadd.f32 v3, v1;
	[tilespmem:s18+$0x8120] =	vst v0  }
0x176: {  	v0 =	vadd.f32 v17, v0;
	[tilespmem:s18+$0x8170] =	vst v2  }
0x177: {  	[tilespmem:s18+$0x8100] =	vst v1;
	v2 =	vadd.f32 v15, v2  }
0x178: {  	v1 =	vadd.f32 v13, v1;
	[tilespmem:s18+$0x8160] =	vst v0  }
0x179: {  	v0 =	vadd.f32 v8, v0;
	[tilespmem:s18+$0x81B0] =	vst v2  }
0x17a: {  	v60 =	vadd.f32 v59, v2;
	[tilespmem:s18+$0x8140] =	vst v1  }
0x17b: {  	v61 =	vadd.f32 v11, v1;
	[tilespmem:s18+$0x81A0] =	vst v0  }
0x17c: {  	v63 =	vadd.f32 v10, v0;
	[tilespmem:s18+$0x81F0] =	vst v60  }
0x17d: {  	v62 =	vadd.f32 v12, v61;
	[tilespmem:s18+$0x8180] =	vst v61  }
0x17e: {  	[tilespmem:s18+$0x81E0] =	vst v63  }
0x17f: {  	s17 =	sadd.s32 $0x1, s17;
	[tilespmem:s18+$0x81C0] =	vst v62  }
0x180: {  	[hbm4b:s8+s2] =	stream.linear.scatter [tilespmem:s12], [sflag:$0x4], $0x8000, $0x38;
	[tilespmem:$0x10000] =	vst v63  }
0x181: {  	p0 =	sne.s32 s17, s11;
	_ =	swait.ge [sflag:s14], $0x8000  }
.Ltmp5:
0x182: {  	[sflag:s14] =	ssyncset.done $0x0;
	(pc) =	sbr.rel @p0 .LBB2_2-.Ltmp5, $4  }
0x183: {  	[sflag:s14] =	ssyncadd.s32 $0xFFFF8000  }
0x184: {  	_ =	swait.ge [sflag:s16], $0x8000  }
0x185: {  	[sflag:s16] =	ssyncset.done $0x0  }
0x186: {  	[sflag:s16] =	ssyncadd.s32 $0xFFFF8000  }
.LBB2_11:
0x187: {  	_ =	sfence.sel $0x180000  }
0x188: {  	[bflag:$0x0] =	sbarrier.arrive $0xFFFF  }
0x189: {  	p0 =	sne.s32 s1, $0x0;
	_ =	strace $0x9000004A  }
0x18a: {  	s0 =	sadd.s32 @!p0 $0x100000, s0;
	[bflag:$0x2] =	sbarrier.arrive $0xFFFF  }
0x18b: {  	[sflag:s0] =	ssyncadd.tile.s32 @!p0 $0x1;
	_ =	shalt  }
.Lfunc_end2:
_tile_overlayer_lowered:
.L_overlay_start_2:
0x18c: {  	(tag) =	ssettag $0x2  }
0x18d: {  	s0 =	rddreg [dreg:$0x0];
	s2 =	stileid.u32  }
0x18e: {  	s1 =	rddreg [dreg:$0x1];
	p0 =	sne.s32 s2, $0x0  }
0x18f: {  	s3 =	rddreg [dreg:$0x2];
	[bflag:$0x3] =	sbarrier.arrive $0xFFFF;
	s2 =	simm.s32 @!p0 $0x1C05  }
0x190: {  	[timem:s3], [sflag:s2] =	dma.local @!p0 [hbm:s0], s1  }
0x191: {  	s0 =	simm.s32 @!p0 $0x5  }
0x192: {  	_ =	swait.ge @!p0 [sflag:s0], s1  }
0x193: {  	s1 =	ssub.s32 @!p0 $0x0, s1;
	[sflag:s0] =	ssyncset.done @!p0 $0x0  }
0x194: {  	[sflag:s0] =	ssyncadd.s32 @!p0 s1  }
0x195: {  	[bflag:$0x3] =	sbarrier.arrive $0xFFFF  }
0x196: {  	_ =	shalt  }

// kernel: sparse-core-data-format-call.cloned.1.call-start
scs
called_computation_lowered:
.L_overlay_start_0:
0x0: {  	s1 =	sld [smem:$0x3FD9]  }
0x1: {  	s2 =	sld [smem:$0x3FFE];
	_ =	sdelay $0x1  }
0x2: {  	s3 =	srdreg.scid  }
0x3: {  	s0 =	sand.u32 $0x1, s3  }
0x4: {  	s17 =	sshll.u32 s0, $0xA;
	s1 =	sadd.s32 s2, s1  }
0x5: {  	s1 =	sadd.s32 s1, s17  }
0x6: {  	[smem:$0x3FBD] =	sst s1  }
0x7: {  	_ = 	snop  }
0x8: {  	(tm) =	ssettm $0x1  }
0x9: {  	s18 =	sld [smem:$0x3FFB];
	_ =	sdelay $0x3  }
0xa: {  	_ =	strace s18  }
0xb: {  	s1 =	sld [smem:$0x3FFC];
	_ =	sdelay $0x3  }
0xc: {  	_ =	strace s1  }
0xd: {  	s1 =	sld [smem:$0x3FFD];
	_ =	sdelay $0x3  }
0xe: {  	_ =	strace s1  }
0xf: {  	_ =	strace $0x8FFFFFFF  }
0x10: {  	s19 =	sld [smem:$0x3FDB];
	_ =	sdelay $0x1  }
0x11: {  	s20 =	simm.s32 $_scs_section_size  }
0x12: {  	s4 =	simm.s32 $_size__tile_overlayer_lowered;
	s5 =	simm.s32 $_tile_overlayer_lowered  }
0x13: {  	s23 =	simm.s32 $0x1BFF;
	s22 =	sshll.u32 s5, $0x1;
	s1 =	sadd.s32 s20, s19  }
0x14: {  	s6 =	simm.s32 $0x0;
	s21 =	sshll.u32 s4, $0x1;
	s4 =	sadd.s32 s22, s1  }
0x15: {  	[timem:s6], [sflag:s23] =	dma.local [hbm:s4], s21  }
0x16: {  	_ =	swait.ge [sflag:s23], s21  }
0x17: {  	s2 =	ssub.s32 $0x0, s21;
	[sflag:s23] =	ssyncset.done $0x0  }
0x18: {  	[sflag:s23] =	ssyncadd.s32 s2;
	_ =	sdelay $0x1  }
0x19: {  	s24 =	simm.s32 $0x1B8B  }
0x1a: {  	_ =	swait.ge [sflag:s24], $0x1  }
0x1b: {  	[sflag:s24] =	ssyncset.done $0x0  }
0x1c: {  	s26 =	simm.s32 $0x1B8E;
	s25 =	sld [smem:$0x3FFE];
	[sflag:s24] =	ssyncadd.s32 $0xFFFFFFFF  }
0x1d: {  	s27 =	simm.s32 $execute0_lowered;
	[smem:$0x3FD2] =	sst s26  }
0x1e: {  	s4 =	sshll.u32 s27, $0x1;
	_ =	strace $0x80000046;
	[dreg:$0x1] =	wrdreg $0xFFFFFFFF  }
0x1f: {  	s28 =	simm.s32 $_size_execute0_lowered;
	s1 =	sadd.s32 s1, s4;
	[dreg:$0x0] =	wrdreg $0x0  }
0x20: {  	s4 =	sshll.u32 s28, $0x1;
	[dreg:$0x2] =	wrdreg s1  }
0x21: {  	[dreg:$0x3] =	wrdreg s4  }
0x22: {  	[dreg:$0x4] =	wrdreg $0xC0  }
0x23: {  	_ =	task [dreg:s6], $0x5FFFF  }
0x24: {  	[dreg:$0x1] =	wrdreg $0xFFFFFFFF  }
0x25: {  	[dreg:$0x0] =	wrdreg $0x60  }
0x26: {  	[dreg:$0x2] =	wrdreg s25  }
0x27: {  	[dreg:$0x3] =	wrdreg $0x9  }
0x28: {  	_ =	task.clear_ibuf [dreg:s6], $0x4FFFF;
	_ =	strace $0x90000046  }
0x29: {  	s29 =	simm.s32 $0x9;
	_ =	strace $0x80000048  }
0x2a: {  	_ =	swait.ge [sflag:s29], $0x1  }
0x2b: {  	[sflag:s29] =	ssyncadd.s32 $0xFFFFFFFF  }
0x2c: {  	_ =	strace $0x90000048  }
0x2d: {  	_ =	sfence  }
0x2e: {  	s30 =	sld [smem:$0x0];
	_ =	sdelay $0x2  }
0x2f: {  	s31 =	sshll.u32 s3, $0xD;
	s3 =	sshrl.u32 s3, $0x2  }
0x30: {  	s2 =	sand.u32 $0x4000, s31;
	s1 =	sadd.s32 s3, s30  }
0x31: {  	s0 =	sor.u32 s2, s0;
	s1 =	sshll.u32 s1, $0x11  }
0x32: {  	s0 =	sor.u32 s1, s0  }
0x33: {  	s0 =	sadd.s32 $0x8F2B, s0  }
0x34: {  	[sflag:s0] =	ssyncadd.remote.s32 $0x1  }
0x35: {  	_ =	sfence.sel $0xFFFF  }
0x36: {  	[dreg:$0x0] =	wrdreg $0xFFFFFFFF;
	(pc) =	sbr.abs _section_cstart, $3  }
0x37: {  	[dreg:$0x1] =	wrdreg $0xFFFFFFFF  }
0x38: {  	_ =	task.clear_ibuf [dreg:s6], $0x2FFFF;
	_ =	strace $0x9FFFFFFF  }
0x39: {  	(tm) =	ssettm $0x7FFFFFFF  }
tec
execute0_lowered:
.L_overlay_start_1:
0x0: {  	(tag) =	ssettag $0x1  }
0x1: {  	s0 =	stileid.u32;
	s1 =	srdreg.scid  }
0x2: {  	s30 =	rddreg [dreg:$0x0];
	s31 =	simm.s32 $0x2;
	s16 =	simm.s32 $0x0  }
0x3: {  	s10 =	simm.s32 $0x40;
	s2 =	sshll.u32 s0, $0x6;
	s1 =	sshll.u32 s1, $0xA  }
0x4: {  	s11 =	simm.s32 $0x80;
	s3 =	sshrl.u32 s0, $0x1;
	s1 =	sor.u32 s2, s1  }
0x5: {  	s2 =	sand.u32 $0x1, s0;
	s3 =	sand.u32 $0x1, s3;
	s1 =	sand.u32 $0x700, s1  }
0x6: {  	s4 =	ssub.s32 $0x2, s2;
	s5 =	ssub.s32 $0x2, s3;
	s6 =	ssub.s32 $0x800, s1  }
0x7: {  	s7 =	sshrl.u32 s5, $0x1;
	s5 =	sand.u32 $0x1, s5;
	s8 =	sand.u32 $0x700, s6  }
0x8: {  	s5 =	sadd.s32 s5, s7;
	s7 =	simm.s32 $0x1;
	p0 =	sne.s32 s8, $0x0  }
0x9: {  	s6 =	sshrl.u32 s6, $0xB;
	s5 =	smul.u32 s5, s4;
	s7 =	simm.s32 @!p0 $0x0  }
0xa: {  	s17 =	simm.s32 $0x0;
	s18 =	simm.s32 $0x0;
	s6 =	sadd.s32 s7, s6  }
0xb: {  	s19 =	simm.s32 $0x0;
	s12 =	simm.s32 $0x0;
	s6 =	smul.u32 s6, s5  }
.Ltmp0:
0xc: {  	s15 =	simm.s32 $0x0;
	s13 =	smov.u32 s3;
	(pc) =	sbr.rel .LBB1_1-.Ltmp0, $4  }
0xd: {  	s14 =	smov.u32 s2;
	s9 =	sadd.s32 s1, s30;
	s4 =	rddreg [dreg:$0x1]  }
0xe: {  	_ =	strace $0x80000047;
	s5 =	simm.s32 $0x1;
	s6 =	smul.u32 $0xC, s6  }
0xf: {  	s8 =	sadd.s32 $0x1600, s9;
	p0 =	por $0x0, $0x0;
	[sflag:s5] =	ssyncpa.u1 $0x0  }
0x10: {  	s7 =	sadd.s32 $0x121600, s30;
	[sflag:s31] =	ssyncpa.u1 $0x0;
	s9 =	sor.u32 $0x1, s6  }
.LBB1_4:
0x11: {  	_ = 	snop  }
0x12: {  	[tilespmem:s24+$0x1860 ss:$0x41] =	vst.msk $0xffff, v8  }
0x13: {  	[tilespmem:s24+$0x1C70 ss:$0x41] =	vst.msk $0xffff, v7  }
0x14: {  	[tilespmem:s24+$0x2490 ss:$0x41] =	vst.msk $0xffff, v1  }
0x15: {  	s27 =	sor.u32 s30, s29;
	v47 =	vld.idx.msk [tilespmem:v0+s22+$0x470 ss:$0x1], $0xffff;
	[tilespmem:s24+$0x28A0 ss:$0x41] =	vst.msk $0xffff, v2  }
0x16: {  	[tilespmem:s24+$0x2CB0 ss:$0x41] =	vst.msk $0xffff, v3;
	v57 =	vld.idx.msk [tilespmem:v0+s27+$0x410 ss:$0x1], $0xffff  }
0x17: {  	[tilespmem:s24+$0x30C0 ss:$0x41] =	vst.msk $0xffff, v4;
	v58 =	vld.idx.msk [tilespmem:v0+s27+$0x420 ss:$0x1], $0xffff  }
0x18: {  	[tilespmem:s24+$0x34D0 ss:$0x41] =	vst.msk $0xffff, v5;
	v59 =	vld.idx.msk [tilespmem:v0+s27+$0x430 ss:$0x1], $0xffff  }
0x19: {  	s31 =	sshra.s32 s25, $0x2;
	[tilespmem:s24+$0x38E0 ss:$0x41] =	vst.msk $0xffff, v6;
	v60 =	vld.idx.msk [tilespmem:v0+s27+$0x440 ss:$0x1], $0xffff  }
0x1a: {  	s28 =	sand.u32 $0x3B00, s27;
	s22 =	sadd.s32 s31, s23;
	v61 =	vld.idx.msk [tilespmem:v0+s27+$0x450 ss:$0x1], $0xffff;
	[tilespmem:s24+$0x3CF0 ss:$0x41] =	vst.msk $0xffff, v47  }
0x1b: {  	s26 =	sand.u32 $0x80, s26;
	v62 =	vld.idx.msk [tilespmem:v0+s27+$0x460 ss:$0x1], $0xffff;
	s21 =	sadd.s32 s28, s21;
	[tilespmem:s22+$0x2490 ss:$0x41] =	vst.msk $0xffff, v57  }
0x1c: {  	v63 =	vld.idx.msk [tilespmem:v0+s27+$0x470 ss:$0x1], $0xffff;
	s21 =	sadd.s32 s26, s21;
	[tilespmem:s22+$0x28A0 ss:$0x41] =	vst.msk $0xffff, v58  }
0x1d: {  	v48 =	vld [tilespmem:s21+$0x400];
	[tilespmem:s22+$0x2CB0 ss:$0x41] =	vst.msk $0xffff, v59  }
0x1e: {  	v49 =	vld [tilespmem:s21+$0x0];
	[tilespmem:s22+$0x30C0 ss:$0x41] =	vst.msk $0xffff, v60  }
0x1f: {  	v50 =	vld [tilespmem:s21+$0x10];
	[tilespmem:s22+$0x34D0 ss:$0x41] =	vst.msk $0xffff, v61  }
0x20: {  	v51 =	vld [tilespmem:s21+$0x20];
	[tilespmem:s22+$0x38E0 ss:$0x41] =	vst.msk $0xffff, v62  }
0x21: {  	v52 =	vld [tilespmem:s21+$0x30];
	[tilespmem:s22+$0x3CF0 ss:$0x41] =	vst.msk $0xffff, v63  }
0x22: {  	v53 =	vld [tilespmem:s21+$0x40];
	[tilespmem:s22+$0x2080 ss:$0x41] =	vst.msk $0xffff, v48  }
0x23: {  	v54 =	vld [tilespmem:s21+$0x50];
	[tilespmem:s22+$0x0 ss:$0x41] =	vst.msk $0xffff, v49  }
0x24: {  	v55 =	vld [tilespmem:s21+$0x60];
	[tilespmem:s22+$0x410 ss:$0x41] =	vst.msk $0xffff, v50  }
0x25: {  	s19 =	smul.u32 $0xC0000, s19;
	v56 =	vld [tilespmem:s21+$0x70];
	[tilespmem:s22+$0x820 ss:$0x41] =	vst.msk $0xffff, v51  }
0x26: {  	s18 =	smul.u32 $0x60000, s18;
	[tilespmem:s22+$0xC30 ss:$0x41] =	vst.msk $0xffff, v52  }
0x27: {  	s19 =	sadd.s32 s7, s19;
	[tilespmem:s22+$0x1040 ss:$0x41] =	vst.msk $0xffff, v53  }
0x28: {  	s17 =	sshll.u32 s17, $0xF;
	s18 =	sadd.s32 s18, s19;
	[tilespmem:s22+$0x1450 ss:$0x41] =	vst.msk $0xffff, v54  }
0x29: {  	s16 =	sshll.u32 s16, $0x4;
	s17 =	sadd.s32 s17, s18;
	[tilespmem:s22+$0x1860 ss:$0x41] =	vst.msk $0xffff, v55  }
0x2a: {  	s16 =	sadd.s32 s16, s17;
	[tilespmem:s22+$0x1C70 ss:$0x41] =	vst.msk $0xffff, v56  }
0x2b: {  	[hbm4b:s16+s10] =	stream.strided.scatter [tilespmem:s20], [sflag:$0x2], $0x4000, s11, s10, $0x18;
	[tilespmem:$0x10200] =	vst v63  }
.LBB1_5:
0x2c: {  	s20 =	sadd.s32 $0x1, s12  }
0x2d: {  	s16 =	sadd.s32 $0x2, s13;
	s21 =	smov.u32 s13;
	p2 =	sgt.s32 s20, $0xB  }
0x2e: {  	s21 =	smov.u32 @p2 s16  }
0x2f: {  	s17 =	sadd.s32 $0x2, s14;
	s22 =	smov.u32 s14;
	p3 =	sgt.s32 s21, $0x1  }
0x30: {  	s22 =	smov.u32 @p3 s17  }
0x31: {  	s20 =	simm.s32 @p2 $0x0;
	p2 =	sgt.s32 s22, $0x2  }
0x32: {  	p1 =	slt.u32 s15, $0x2;
	s22 =	smov.u32 @p2 s2;
	p2 =	sne.s32 s15, s9  }
.Ltmp1:
0x33: {  	s18 =	smov.u32 s13;
	s16 =	simm.s32 @!p1 $0x2;
	(pc) =	sbr.rel @!p2 .LBB1_6-.Ltmp1, $4  }
0x34: {  	s19 =	smov.u32 s14;
	p0 =	por !p0, !p0;
	_ =	swait.ge @!p1 [sflag:s16], $0x4000  }
0x35: {  	[sflag:s16] =	ssyncset.done @!p1 $0x0;
	s21 =	smov.u32 @p3 s3;
	s17 =	smov.u32 s12  }
0x36: {  	s12 =	smov.u32 s20;
	[sflag:s16] =	ssyncadd.s32 @!p1 $0xFFFFC000;
	s16 =	smov.u32 s1  }
0x37: {  	s13 =	smov.u32 s21;
	s15 =	sadd.s32 $0x1, s15;
	s14 =	smov.u32 s22  }
.LBB1_1:
0x38: {  	p1 =	sge.u32 s15, s6  }
0x39: {  	s20 =	smul.u32 @!p1 $0x60000, s14  }
0x3a: {  	s21 =	sxor.u32 @!p1 $0xFFFFFFFF, s15;
	s22 =	smul.u32 @!p1 $0x30000, s13  }
0x3b: {  	s31 =	sadd.s32 $0xFFFFFFFF, s15;
	s21 =	sshll.u32 @!p1 s21, $0xE;
	s20 =	sadd.s32 @!p1 s20, s8  }
0x3c: {  	s23 =	sshll.u32 @!p1 s12, $0xE;
	s21 =	sand.u32 @!p1 $0x4000, s21;
	s20 =	sadd.s32 @!p1 s22, s20  }
0x3d: {  	s22 =	simm.s32 @!p1 $0x800;
	s20 =	sadd.s32 @!p1 s23, s20;
	s23 =	simm.s32 @!p1 $0x4000  }
0x3e: {  	[tilespmem:s21], [sflag:$0x1] =	stream.strided.gather @!p1 [hbm4b:s20+s22], $0x4000, s23, s22, $0x38;
	[tilespmem:$0x10200] =	vst v63  }
0x3f: {  	p1 =	sge.u32 s31, s6  }
.Ltmp2:
0x40: {  	_ = 	snop;
	(pc) =	sbr.rel @p1 .LBB1_5-.Ltmp2, $1  }
0x41: {  	_ =	sdelay $0x3  }
0x42: {  	s23 =	simm.s32 $0x0  }
0x43: {  	s22 =	sand.u32 $0x3800, s23;
	s24 =	sand.u32 $0x380, s23  }
0x44: {  	s20 =	sand.u32 $0x1, s15;
	s22 =	sor.u32 s24, s22  }
0x45: {  	_ =	swait.ge [sflag:s5], $0x4000;
	s21 =	sshll.u32 s20, $0xE;
	s24 =	sand.u32 $0x3B00, s22  }
0x46: {  	[sflag:s5] =	ssyncset.done $0x0;
	s23 =	sand.u32 $0x80, s23;
	s24 =	sadd.s32 s24, s21  }
0x47: {  	[sflag:s5] =	ssyncadd.s32 $0xFFFFC000;
	s26 =	sadd.s32 s23, s24  }
0x48: {  	v4 =	vld [tilespmem:s26+$0x400]  }
0x49: {  	s25 =	simm.s32 $0x1;
	v5 =	vld [tilespmem:s26+$0x0]  }
0x4a: {  	s25 =	simm.s32 @!p0 $0x0;
	v6 =	vld [tilespmem:s26+$0x10]  }
0x4b: {  	v0 =	vmov s21;
	s31 =	smul.u32 $0x10400, s25;
	v7 =	vld [tilespmem:s26+$0x20]  }
0x4c: {  	v9 =	vld [tilespmem:s26+$0x30]  }
0x4d: {  	s23 =	sshrl.u32 s31, $0x2;
	v10 =	vld [tilespmem:s26+$0x40]  }
0x4e: {  	s23 =	sor.u32 $0x8000, s23;
	v11 =	vld [tilespmem:s26+$0x50]  }
0x4f: {  	v8 =	vld [tilespmem:s26+$0x60];
	s24 =	sadd.s32 $0x0, s23  }
0x50: {  	v1 =	vld.idx.msk [tilespmem:v0+s22+$0x410 ss:$0x1], $0xffff;
	[tilespmem:s24+$0x2080 ss:$0x41] =	vst.msk $0xffff, v4  }
0x51: {  	v2 =	vld.idx.msk [tilespmem:v0+s22+$0x420 ss:$0x1], $0xffff;
	[tilespmem:s24+$0x0 ss:$0x41] =	vst.msk $0xffff, v5  }
0x52: {  	v3 =	vld.idx.msk [tilespmem:v0+s22+$0x430 ss:$0x1], $0xffff;
	[tilespmem:s24+$0x410 ss:$0x41] =	vst.msk $0xffff, v6  }
0x53: {  	s20 =	smul.u32 $0x10400, s20;
	[tilespmem:s24+$0x820 ss:$0x41] =	vst.msk $0xffff, v7;
	v7 =	vld [tilespmem:s26+$0x70]  }
0x54: {  	s27 =	simm.s32 $0x100;
	s28 =	simm.s32 $0x8;
	[tilespmem:s24+$0xC30 ss:$0x41] =	vst.msk $0xffff, v9;
	v4 =	vld.idx.msk [tilespmem:v0+s22+$0x440 ss:$0x1], $0xffff  }
0x55: {  	s29 =	sand.u32 $0x3800, s27;
	s20 =	sshrl.u32 s20, $0x2;
	[tilespmem:s24+$0x1040 ss:$0x41] =	vst.msk $0xffff, v10;
	v5 =	vld.idx.msk [tilespmem:v0+s22+$0x450 ss:$0x1], $0xffff;
	s26 =	simm.s32 $0x80  }
0x56: {  	s25 =	simm.s32 $0x4;
	s20 =	sor.u32 $0x8000, s20;
	[tilespmem:s24+$0x1450 ss:$0x41] =	vst.msk $0xffff, v11;
	v6 =	vld.idx.msk [tilespmem:v0+s22+$0x460 ss:$0x1], $0xffff;
	s30 =	sand.u32 $0x380, s26  }
.LBB1_3:
0x57: {  	p1 =	sne.s32 s28, $0xFC;
	[tilespmem:s24+$0x1860 ss:$0x41] =	vst.msk $0xffff, v8;
	v8 =	vld.idx.msk [tilespmem:v0+s22+$0x470 ss:$0x1], $0xffff;
	s22 =	sor.u32 s30, s29  }
0x58: {  	s29 =	sand.u32 $0x3B00, s22;
	v9 =	vld.idx.msk [tilespmem:v0+s22+$0x410 ss:$0x1], $0xffff;
	[tilespmem:s24+$0x1C70 ss:$0x41] =	vst.msk $0xffff, v7  }
0x59: {  	s30 =	sand.u32 $0x80, s26;
	s29 =	sadd.s32 s29, s21;
	v7 =	vld.idx.msk [tilespmem:v0+s22+$0x420 ss:$0x1], $0xffff;
	[tilespmem:s24+$0x2490 ss:$0x41] =	vst.msk $0xffff, v1  }
0x5a: {  	s29 =	sadd.s32 s30, s29;
	v10 =	vld.idx.msk [tilespmem:v0+s22+$0x430 ss:$0x1], $0xffff;
	[tilespmem:s24+$0x28A0 ss:$0x41] =	vst.msk $0xffff, v2  }
0x5b: {  	v11 =	vld [tilespmem:s29+$0x400];
	[tilespmem:s24+$0x2CB0 ss:$0x41] =	vst.msk $0xffff, v3  }
0x5c: {  	v12 =	vld [tilespmem:s29+$0x0];
	[tilespmem:s24+$0x30C0 ss:$0x41] =	vst.msk $0xffff, v4  }
0x5d: {  	v4 =	vld [tilespmem:s29+$0x10];
	[tilespmem:s24+$0x34D0 ss:$0x41] =	vst.msk $0xffff, v5  }
0x5e: {  	s30 =	sshra.s32 s25, $0x2;
	s25 =	smov.u32 s28;
	v1 =	vmov v9;
	v5 =	vld [tilespmem:s29+$0x20];
	[tilespmem:s24+$0x38E0 ss:$0x41] =	vst.msk $0xffff, v6  }
0x5f: {  	v2 =	vmov v7;
	v6 =	vld [tilespmem:s29+$0x30];
	[tilespmem:s24+$0x3CF0 ss:$0x41] =	vst.msk $0xffff, v8;
	s24 =	sadd.s32 s30, s23  }
0x60: {  	v3 =	vmov v10;
	v9 =	vld [tilespmem:s29+$0x40];
	[tilespmem:s24+$0x2080 ss:$0x41] =	vst.msk $0xffff, v11  }
0x61: {  	[tilespmem:s24+$0x0 ss:$0x41] =	vst.msk $0xffff, v12;
	v10 =	vld [tilespmem:s29+$0x50]  }
.Ltmp3:
0x62: {  	[tilespmem:s24+$0x410 ss:$0x41] =	vst.msk $0xffff, v4;
	v8 =	vld [tilespmem:s29+$0x60];
	(pc) =	sbr.rel @p1 .LBB1_3-.Ltmp3, $4  }
0x63: {  	[tilespmem:s24+$0x820 ss:$0x41] =	vst.msk $0xffff, v5;
	v7 =	vld [tilespmem:s29+$0x70]  }
0x64: {  	[tilespmem:s24+$0xC30 ss:$0x41] =	vst.msk $0xffff, v6;
	v4 =	vld.idx.msk [tilespmem:v0+s22+$0x440 ss:$0x1], $0xffff  }
0x65: {  	s26 =	sadd.s32 $0x80, s26;
	s27 =	sadd.s32 $0x100, s27;
	[tilespmem:s24+$0x1040 ss:$0x41] =	vst.msk $0xffff, v9;
	v5 =	vld.idx.msk [tilespmem:v0+s22+$0x450 ss:$0x1], $0xffff  }
0x66: {  	s28 =	sadd.s32 $0x4, s28;
	s30 =	sand.u32 $0x380, s26;
	s29 =	sand.u32 $0x3800, s27;
	[tilespmem:s24+$0x1450 ss:$0x41] =	vst.msk $0xffff, v10;
	v6 =	vld.idx.msk [tilespmem:v0+s22+$0x460 ss:$0x1], $0xffff  }
.Ltmp4:
0x67: {  	_ = 	snop;
	(pc) =	sbr.rel .LBB1_4-.Ltmp4, $1  }
0x68: {  	_ =	sdelay $0x3  }
.LBB1_6:
0x69: {  	_ =	sfence.sel $0x180000  }
0x6a: {  	s1 =	simm.s32 $0x1;
	[bflag:$0x0] =	sbarrier.arrive $0xFFFF  }
0x6b: {  	s31 =	simm.s32 $0x2;
	[sflag:s1] =	ssyncpa.u1 $0x1  }
0x6c: {  	[sflag:s31] =	ssyncpa.u1 $0x1  }
0x6d: {  	p0 =	sne.s32 s0, $0x0;
	_ =	strace $0x90000047  }
0x6e: {  	s0 =	sadd.s32 @!p0 $0x100000, s4;
	[bflag:$0x2] =	sbarrier.arrive $0xFFFF  }
0x6f: {  	[sflag:s0] =	ssyncadd.tile.s32 @!p0 $0x1;
	_ =	shalt  }
.Lfunc_end1:
_tile_overlayer_lowered:
.L_overlay_start_2:
0x70: {  	(tag) =	ssettag $0x2  }
0x71: {  	s0 =	rddreg [dreg:$0x0];
	s2 =	stileid.u32  }
0x72: {  	s1 =	rddreg [dreg:$0x1];
	p0 =	sne.s32 s2, $0x0  }
0x73: {  	s3 =	rddreg [dreg:$0x2];
	[bflag:$0x3] =	sbarrier.arrive $0xFFFF;
	s2 =	simm.s32 @!p0 $0x1C01  }
0x74: {  	[timem:s3], [sflag:s2] =	dma.local @!p0 [hbm:s0], s1  }
0x75: {  	s0 =	simm.s32 @!p0 $0x1  }
0x76: {  	_ =	swait.ge @!p0 [sflag:s0], s1  }
0x77: {  	s1 =	ssub.s32 @!p0 $0x0, s1;
	[sflag:s0] =	ssyncset.done @!p0 $0x0  }
0x78: {  	[sflag:s0] =	ssyncadd.s32 @!p0 s1  }
0x79: {  	[bflag:$0x3] =	sbarrier.arrive $0xFFFF  }
0x7a: {  	_ =	shalt  }

</sc_bundles>
